<compile_context>
chip_gen: v7x
topology: tpu7x:2x2x1
jax: 0.10.2.dev20260603
libtpu: 0.0.44.dev20260713+nightly
codegen_flags: <defaults>
</compile_context>

<pallas_src>
import functools

import jax
import jax.numpy as jnp
from jax import lax
from jax.experimental import pallas as pl
from jax.experimental.pallas import tpu as pltpu
from jax.experimental.pallas import tpu_sc as plsc

N = 10000
D = 128
E = 320000

NC = 2
NS = 16
NW = NC * NS
CHUNK = 128
Q = 80
TOTCH = NW * Q
EP = TOTCH * CHUNK
NPAD = 10240
RPT = NPAD // NS
ZCH = RPT // CHUNK
TRPT = NPAD // NS
TZC = TRPT // CHUNK

NBUF = 2

_mesh = plsc.VectorSubcoreMesh(
    core_axis_name="c", subcore_axis_name="s", num_cores=NC, num_subcores=NS
)


@functools.partial(
    pl.kernel,
    out_type=jax.ShapeDtypeStruct((EP, D), jnp.float32),
    mesh=_mesh,
    scratch_types=[
        pltpu.VMEM((Q, CHUNK), jnp.int32),
        [pltpu.VMEM((CHUNK, D), jnp.float32) for _ in range(NBUF)],
        [pltpu.SemaphoreType.DMA for _ in range(NBUF)],
        [pltpu.SemaphoreType.DMA for _ in range(NBUF)],
        pltpu.SemaphoreType.DMA,
        pltpu.VMEM_SHARED((NPAD, D), jnp.float32),
    ],
)
def _sc_stage(h_hbm, src_hbm, stage_hbm, src_v, bufs, gsems, wsems, psem, tbl):
    c = lax.axis_index("c")
    s = lax.axis_index("s")
    wid = s * NC + c
    trow0 = s * TRPT

    pltpu.async_copy(src_hbm.at[wid], src_v, psem)
    trow0c = pl.multiple_of(jnp.minimum(trow0, N - TRPT), 8)
    for z in range(TZC):
        k = z % NBUF
        r0 = trow0c + z * CHUNK
        if z >= NBUF:
            rp = trow0c + (z - NBUF) * CHUNK
            pltpu.make_async_copy(bufs[k], tbl.at[pl.ds(rp, CHUNK)], gsems[k]).wait()
        pltpu.sync_copy(h_hbm.at[pl.ds(r0, CHUNK)], bufs[k])
        pltpu.async_copy(bufs[k], tbl.at[pl.ds(r0, CHUNK)], gsems[k])
    for z in range(max(TZC - NBUF, 0), TZC):
        k = z % NBUF
        r0 = trow0c + z * CHUNK
        pltpu.make_async_copy(bufs[k], tbl.at[pl.ds(r0, CHUNK)], gsems[k]).wait()
    pltpu.make_async_copy(src_hbm.at[wid], src_v, psem).wait()
    plsc.subcore_barrier()

    for k in range(NBUF):
        pltpu.async_copy(tbl.at[src_v.at[k]], bufs[k], gsems[k])

    @pl.loop(0, Q, step=NBUF)
    def _(j):
        for k in range(NBUF):
            jj = j + k
            pltpu.make_async_copy(tbl.at[src_v.at[jj]], bufs[k], gsems[k]).wait()
            pltpu.async_copy(
                bufs[k],
                stage_hbm.at[pl.ds((wid * Q + jj) * CHUNK, CHUNK)],
                wsems[k],
            )

            @pl.when(jj + NBUF < Q)
            def _():
                pltpu.make_async_copy(
                    bufs[k],
                    stage_hbm.at[pl.ds((wid * Q + jj) * CHUNK, CHUNK)],
                    wsems[k],
                ).wait()
                pltpu.async_copy(tbl.at[src_v.at[jj + NBUF]], bufs[k], gsems[k])

    for k in range(NBUF):
        jj = Q - NBUF + k
        pltpu.make_async_copy(
            bufs[k],
            stage_hbm.at[pl.ds((wid * Q + jj) * CHUNK, CHUNK)],
            wsems[k],
        ).wait()


@functools.partial(
    pl.kernel,
    out_type=jax.ShapeDtypeStruct((NC * NPAD, D), jnp.float32),
    mesh=_mesh,
    scratch_types=[
        pltpu.VMEM((Q, CHUNK), jnp.int32),
        [pltpu.VMEM((CHUNK, D), jnp.float32) for _ in range(NBUF)],
        [pltpu.SemaphoreType.DMA for _ in range(NBUF)],
        pltpu.SemaphoreType.DMA,
        pltpu.VMEM_SHARED((NPAD, D), jnp.float32),
    ],
)
def _sc_scat(stage_hbm, dst_hbm, out_hbm, dst_v, bufs, rsems, psem, acc):
    c = lax.axis_index("c")
    s = lax.axis_index("s")
    wid = s * NC + c
    row0 = s * RPT

    pltpu.async_copy(dst_hbm.at[wid], dst_v, psem)

    @pl.loop(0, CHUNK)
    def _(i):
        for l in range(D // 16):
            bufs[0][i, pl.ds(l * 16, 16)] = jnp.zeros((16,), jnp.float32)

    for z in range(ZCH):
        pltpu.async_copy(bufs[0], acc.at[pl.ds(row0 + z * CHUNK, CHUNK)], psem)
    for z in range(ZCH):
        pltpu.make_async_copy(
            bufs[0], acc.at[pl.ds(row0 + z * CHUNK, CHUNK)], psem
        ).wait()
    pltpu.make_async_copy(dst_hbm.at[wid], dst_v, psem).wait()
    plsc.subcore_barrier()

    for k in range(NBUF):
        pltpu.async_copy(
            stage_hbm.at[pl.ds((wid * Q + k) * CHUNK, CHUNK)], bufs[k], rsems[k]
        )

    @pl.loop(0, Q, step=NBUF)
    def _(j):
        for k in range(NBUF):
            jj = j + k
            pltpu.make_async_copy(
                stage_hbm.at[pl.ds((wid * Q + jj) * CHUNK, CHUNK)], bufs[k], rsems[k]
            ).wait()
            pltpu.sync_copy(bufs[k], acc.at[dst_v.at[jj]], add=True)

            @pl.when(jj + NBUF < Q)
            def _():
                pltpu.async_copy(
                    stage_hbm.at[pl.ds((wid * Q + jj + NBUF) * CHUNK, CHUNK)],
                    bufs[k],
                    rsems[k],
                )

    plsc.subcore_barrier()

    for z in range(ZCH):
        k = z % NBUF
        if z >= NBUF:
            pltpu.make_async_copy(
                bufs[k],
                out_hbm.at[pl.ds(c * NPAD + row0 + (z - NBUF) * CHUNK, CHUNK)],
                rsems[k],
            ).wait()
        pltpu.sync_copy(acc.at[pl.ds(row0 + z * CHUNK, CHUNK)], bufs[k])
        pltpu.async_copy(
            bufs[k], out_hbm.at[pl.ds(c * NPAD + row0 + z * CHUNK, CHUNK)], rsems[k]
        )
    for z in range(max(ZCH - NBUF, 0), ZCH):
        k = z % NBUF
        pltpu.make_async_copy(
            bufs[k], out_hbm.at[pl.ds(c * NPAD + row0 + z * CHUNK, CHUNK)], rsems[k]
        ).wait()


_BLK = 1000


def _tc_body(x_ref, p_ref, w_ref, b_ref, o_ref):
    hin = x_ref[...] + p_ref[0] + p_ref[1]
    acc = lax.dot_general(
        hin,
        w_ref[...],
        (((1,), (0,)), ((), ())),
        preferred_element_type=jnp.float32,
        precision=lax.Precision.DEFAULT,
    )
    o_ref[...] = jnp.maximum(acc + b_ref[...], 0.0)


def _tc_layer(h, p, W, b):
    return pl.pallas_call(
        _tc_body,
        grid=(N // _BLK,),
        in_specs=[
            pl.BlockSpec((_BLK, D), lambda i: (i, 0)),
            pl.BlockSpec((2, _BLK, D), lambda i: (0, i, 0)),
            pl.BlockSpec((D, D), lambda i: (0, 0)),
            pl.BlockSpec((1, D), lambda i: (0, 0)),
        ],
        out_specs=pl.BlockSpec((_BLK, D), lambda i: (i, 0)),
        out_shape=jax.ShapeDtypeStruct((N, D), jnp.float32),
    )(h, p, W, b)


def _agg(h, src, dst):
    stage = _sc_stage(h, src)
    return _sc_scat(stage, dst).reshape(NC, NPAD, D)


def kernel(x, edge_index, W1, b1, W2, b2):
    pad = EP - E
    src = jnp.concatenate([edge_index[0], jnp.zeros((pad,), jnp.int32)])
    trash = N + jnp.arange(pad, dtype=jnp.int32) % (NPAD - N)
    dst = jnp.concatenate([edge_index[1], trash])
    src = src.reshape(NW, Q, CHUNK)
    dst = dst.reshape(NW, Q, CHUNK)
    b1r = b1.reshape(1, D)
    b2r = b2.reshape(1, D)

    p1 = _agg(x, src, dst)
    h1 = _tc_layer(x, p1, W1, b1r)
    p2 = _agg(h1, src, dst)
    h2 = _tc_layer(h1, p2, W2, b2r)
    return h2

# --- scband reference (transcript-rebuilt; emitter-appended) ---
"""Pipeline reference for scband-structure-extractor-4587025072633 (READ-ONLY COPY).

The authoritative reference and input builder live on the scoring server;
editing this copy changes nothing except your own understanding.
"""

import jax, jax.numpy as jnp
import numpy as np

N = 10000
E = 320000
D = 128
H = 128


def setup_inputs(seed: int = 0) -> dict:
    key = jax.random.key(seed)
    k1, k2, k3, k4, k5, k6 = jax.random.split(key, 6)
    x = jax.random.normal(k1, (N, D), dtype=jnp.float32)
    edge_index = jax.random.randint(k2, (2, E), 0, N, dtype=jnp.int32)
    # GINConv apply_func = nn.Linear(D, H), two layers
    W1 = jax.random.normal(k3, (D, H), dtype=jnp.float32) * (1.0 / np.sqrt(D))
    b1 = jnp.zeros((H,), dtype=jnp.float32)
    W2 = jax.random.normal(k4, (H, H), dtype=jnp.float32) * (1.0 / np.sqrt(H))
    b2 = jnp.zeros((H,), dtype=jnp.float32)
    return {"x": x, "edge_index": edge_index, "W1": W1, "b1": b1, "W2": W2, "b2": b2}


def reference(x, edge_index, W1, b1, W2, b2):
    # DGL GINConv with aggregator_type='sum', eps=0 (default, not learned):
    #   h = activation(Linear((1 + eps) * x + sum_{j in N(i)} x_j))
    src = edge_index[0]
    dst = edge_index[1]

    def gin(h, W, b):
        agg = jnp.zeros_like(h).at[dst].add(h[src])  # scatter-add over dst nodes
        return jax.nn.relu((h + agg) @ W + b)

    h = gin(x, W1, b1)
    h = gin(h, W2, b2)
    return h

if __name__ == "__main__":
    import jax
    _d = setup_inputs()
    print(jax.jit(kernel)(*tuple(_d.values())))

</pallas_src>

<mosaic_0001>
#map = affine_map<(d0, d1) -> (0, 0)>
#map1 = affine_map<(d0, d1) -> (0, 0, 0)>
module attributes {stable_mosaic.version = 14 : i64} {
  func.func @_sc_stage(%arg0: i32, %arg1: i32, %arg2: memref<10000x128xf32, #tpu.memory_space<hbm>>, %arg3: memref<32x80x128xi32, #tpu.memory_space<hbm>>, %arg4: memref<327680x128xf32, #tpu.memory_space<hbm>>, %arg5: memref<80x128xi32, #tpu.memory_space<vmem>>, %arg6: memref<128x128xf32, #tpu.memory_space<vmem>>, %arg7: memref<128x128xf32, #tpu.memory_space<vmem>>, %arg8: memref<!tpu.dma_semaphore, #tpu.memory_space<semaphore_mem>>, %arg9: memref<!tpu.dma_semaphore, #tpu.memory_space<semaphore_mem>>, %arg10: memref<!tpu.dma_semaphore, #tpu.memory_space<semaphore_mem>>, %arg11: memref<!tpu.dma_semaphore, #tpu.memory_space<semaphore_mem>>, %arg12: memref<!tpu.dma_semaphore, #tpu.memory_space<semaphore_mem>>, %arg13: memref<10240x128xf32, #tpu.memory_space<vmem_shared>>) attributes {dimension_semantics = [#tpu.dimension_semantics<core_parallel>, #tpu.dimension_semantics<subcore_parallel>], iteration_bounds = array<i64: 2, 16>, scalar_prefetch = 0 : i64, scratch_operands = 9 : i64, tpu.core_type = #tpu.core_type<sc_vector_subcore>, window_params = [{transform_indices = #map}, {transform_indices = #map1}, {transform_indices = #map}]} {
    %mul3A = arith.constant 2 : i32
    %mul3A_0 = arith.muli %arg1, %mul3A : i32
    %add3A = arith.addi %mul3A_0, %arg0 : i32
    %mul3A_1 = arith.constant 640 : i32
    %mul3A_2 = arith.muli %arg1, %mul3A_1 : i32
    %dma_start3A = arith.constant 0 : i32
    %dma_start3A_3 = arith.constant 0 : i32
    %dma_start3A_4 = tpu.memref_slice %arg3[%add3A, %dma_start3A, %dma_start3A_3] : memref<32x80x128xi32, #tpu.memory_space<hbm>> -> memref<1x80x128xi32, #tpu.memory_space<hbm>>
    %dma_start3A_5 = tpu.memref_squeeze %dma_start3A_4 : memref<1x80x128xi32, #tpu.memory_space<hbm>> -> memref<80x128xi32, #tpu.memory_space<hbm>>
    %dma_start3A_6 = arith.constant 0 : i32
    %dma_start3A_7 = arith.constant 0 : i32
    %dma_start3A_8 = tpu.memref_slice %arg3[%add3A, %dma_start3A_6, %dma_start3A_7] : memref<32x80x128xi32, #tpu.memory_space<hbm>> -> memref<1x80x128xi32, #tpu.memory_space<hbm>>
    %dma_start3A_9 = tpu.memref_squeeze %dma_start3A_8 : memref<1x80x128xi32, #tpu.memory_space<hbm>> -> memref<80x128xi32, #tpu.memory_space<hbm>>
    tpu.enqueue_dma source(%dma_start3A_9 : memref<80x128xi32, #tpu.memory_space<hbm>>) target(%arg5 : memref<80x128xi32, #tpu.memory_space<vmem>>) target_semaphore(%arg12 : memref<!tpu.dma_semaphore, #tpu.memory_space<semaphore_mem>>)
    %min3A = arith.constant 9360 : i32
    %min3A_10 = arith.minsi %mul3A_2, %min3A : i32
    %multiple_of3A = tpu.assume_multiple %min3A_10, 8 : i32
    %add3A_11 = arith.constant 0 : i32
    %add3A_12 = arith.addi %multiple_of3A, %add3A_11 : i32
    "tpu.region"() ({
      %run_scoped3A = tpu.sem_alloc : memref<!tpu.dma_semaphore, #tpu.memory_space<semaphore_mem>>
      %dma_start3A_116 = arith.constant 0 : i32
      %dma_start3A_117 = tpu.memref_slice %arg2[%add3A_12, %dma_start3A_116] : memref<10000x128xf32, #tpu.memory_space<hbm>> -> memref<128x128xf32, #tpu.memory_space<hbm>>
      %dma_start3A_118 = arith.constant 0 : i32
      %dma_start3A_119 = tpu.memref_slice %arg2[%add3A_12, %dma_start3A_118] : memref<10000x128xf32, #tpu.memory_space<hbm>> -> memref<128x128xf32, #tpu.memory_space<hbm>>
      tpu.enqueue_dma source(%dma_start3A_119 : memref<128x128xf32, #tpu.memory_space<hbm>>) target(%arg6 : memref<128x128xf32, #tpu.memory_space<vmem>>) target_semaphore(%run_scoped3A : memref<!tpu.dma_semaphore, #tpu.memory_space<semaphore_mem>>)
      %dma_wait3A_120 = arith.constant 0 : i32
      %dma_wait3A_121 = tpu.memref_slice %arg2[%add3A_12, %dma_wait3A_120] : memref<10000x128xf32, #tpu.memory_space<hbm>> -> memref<128x128xf32, #tpu.memory_space<hbm>>
      %dma_wait3A_122 = arith.constant 0 : i32
      %dma_wait3A_123 = tpu.memref_slice %arg2[%add3A_12, %dma_wait3A_122] : memref<10000x128xf32, #tpu.memory_space<hbm>> -> memref<128x128xf32, #tpu.memory_space<hbm>>
      tpu.wait_dma2 semaphore(%run_scoped3A : memref<!tpu.dma_semaphore, #tpu.memory_space<semaphore_mem>>) src(%dma_wait3A_123 : memref<128x128xf32, #tpu.memory_space<hbm>>) dst(%arg6 : memref<128x128xf32, #tpu.memory_space<vmem>>)
      tpu.yield
    }) : () -> ()
    %dma_start3A_13 = arith.constant 0 : i32
    %dma_start3A_14 = tpu.memref_slice %arg13[%add3A_12, %dma_start3A_13] : memref<10240x128xf32, #tpu.memory_space<vmem_shared>> -> memref<128x128xf32, #tpu.memory_space<vmem_shared>>
    %dma_start3A_15 = arith.constant 0 : i32
    %dma_start3A_16 = tpu.memref_slice %arg13[%add3A_12, %dma_start3A_15] : memref<10240x128xf32, #tpu.memory_space<vmem_shared>> -> memref<128x128xf32, #tpu.memory_space<vmem_shared>>
    tpu.enqueue_dma source(%arg6 : memref<128x128xf32, #tpu.memory_space<vmem>>) target(%dma_start3A_16 : memref<128x128xf32, #tpu.memory_space<vmem_shared>>) target_semaphore(%arg8 : memref<!tpu.dma_semaphore, #tpu.memory_space<semaphore_mem>>)
    %add3A_17 = arith.constant 128 : i32
    %add3A_18 = arith.addi %multiple_of3A, %add3A_17 : i32
    "tpu.region"() ({
      %run_scoped3A = tpu.sem_alloc : memref<!tpu.dma_semaphore, #tpu.memory_space<semaphore_mem>>
      %dma_start3A_116 = arith.constant 0 : i32
      %dma_start3A_117 = tpu.memref_slice %arg2[%add3A_18, %dma_start3A_116] : memref<10000x128xf32, #tpu.memory_space<hbm>> -> memref<128x128xf32, #tpu.memory_space<hbm>>
      %dma_start3A_118 = arith.constant 0 : i32
      %dma_start3A_119 = tpu.memref_slice %arg2[%add3A_18, %dma_start3A_118] : memref<10000x128xf32, #tpu.memory_space<hbm>> -> memref<128x128xf32, #tpu.memory_space<hbm>>
      tpu.enqueue_dma source(%dma_start3A_119 : memref<128x128xf32, #tpu.memory_space<hbm>>) target(%arg7 : memref<128x128xf32, #tpu.memory_space<vmem>>) target_semaphore(%run_scoped3A : memref<!tpu.dma_semaphore, #tpu.memory_space<semaphore_mem>>)
      %dma_wait3A_120 = arith.constant 0 : i32
      %dma_wait3A_121 = tpu.memref_slice %arg2[%add3A_18, %dma_wait3A_120] : memref<10000x128xf32, #tpu.memory_space<hbm>> -> memref<128x128xf32, #tpu.memory_space<hbm>>
      %dma_wait3A_122 = arith.constant 0 : i32
      %dma_wait3A_123 = tpu.memref_slice %arg2[%add3A_18, %dma_wait3A_122] : memref<10000x128xf32, #tpu.memory_space<hbm>> -> memref<128x128xf32, #tpu.memory_space<hbm>>
      tpu.wait_dma2 semaphore(%run_scoped3A : memref<!tpu.dma_semaphore, #tpu.memory_space<semaphore_mem>>) src(%dma_wait3A_123 : memref<128x128xf32, #tpu.memory_space<hbm>>) dst(%arg7 : memref<128x128xf32, #tpu.memory_space<vmem>>)
      tpu.yield
    }) : () -> ()
    %dma_start3A_19 = arith.constant 0 : i32
    %dma_start3A_20 = tpu.memref_slice %arg13[%add3A_18, %dma_start3A_19] : memref<10240x128xf32, #tpu.memory_space<vmem_shared>> -> memref<128x128xf32, #tpu.memory_space<vmem_shared>>
    %dma_start3A_21 = arith.constant 0 : i32
    %dma_start3A_22 = tpu.memref_slice %arg13[%add3A_18, %dma_start3A_21] : memref<10240x128xf32, #tpu.memory_space<vmem_shared>> -> memref<128x128xf32, #tpu.memory_space<vmem_shared>>
    tpu.enqueue_dma source(%arg7 : memref<128x128xf32, #tpu.memory_space<vmem>>) target(%dma_start3A_22 : memref<128x128xf32, #tpu.memory_space<vmem_shared>>) target_semaphore(%arg9 : memref<!tpu.dma_semaphore, #tpu.memory_space<semaphore_mem>>)
    %add3A_23 = arith.constant 256 : i32
    %add3A_24 = arith.addi %multiple_of3A, %add3A_23 : i32
    %add3A_25 = arith.constant 0 : i32
    %add3A_26 = arith.addi %multiple_of3A, %add3A_25 : i32
    %dma_wait3A = arith.constant 0 : i32
    %dma_wait3A_27 = tpu.memref_slice %arg13[%add3A_26, %dma_wait3A] : memref<10240x128xf32, #tpu.memory_space<vmem_shared>> -> memref<128x128xf32, #tpu.memory_space<vmem_shared>>
    %dma_wait3A_28 = arith.constant 0 : i32
    %dma_wait3A_29 = tpu.memref_slice %arg13[%add3A_26, %dma_wait3A_28] : memref<10240x128xf32, #tpu.memory_space<vmem_shared>> -> memref<128x128xf32, #tpu.memory_space<vmem_shared>>
    tpu.wait_dma2 semaphore(%arg8 : memref<!tpu.dma_semaphore, #tpu.memory_space<semaphore_mem>>) src(%arg6 : memref<128x128xf32, #tpu.memory_space<vmem>>) dst(%dma_wait3A_29 : memref<128x128xf32, #tpu.memory_space<vmem_shared>>)
    "tpu.region"() ({
      %run_scoped3A = tpu.sem_alloc : memref<!tpu.dma_semaphore, #tpu.memory_space<semaphore_mem>>
      %dma_start3A_116 = arith.constant 0 : i32
      %dma_start3A_117 = tpu.memref_slice %arg2[%add3A_24, %dma_start3A_116] : memref<10000x128xf32, #tpu.memory_space<hbm>> -> memref<128x128xf32, #tpu.memory_space<hbm>>
      %dma_start3A_118 = arith.constant 0 : i32
      %dma_start3A_119 = tpu.memref_slice %arg2[%add3A_24, %dma_start3A_118] : memref<10000x128xf32, #tpu.memory_space<hbm>> -> memref<128x128xf32, #tpu.memory_space<hbm>>
      tpu.enqueue_dma source(%dma_start3A_119 : memref<128x128xf32, #tpu.memory_space<hbm>>) target(%arg6 : memref<128x128xf32, #tpu.memory_space<vmem>>) target_semaphore(%run_scoped3A : memref<!tpu.dma_semaphore, #tpu.memory_space<semaphore_mem>>)
      %dma_wait3A_120 = arith.constant 0 : i32
      %dma_wait3A_121 = tpu.memref_slice %arg2[%add3A_24, %dma_wait3A_120] : memref<10000x128xf32, #tpu.memory_space<hbm>> -> memref<128x128xf32, #tpu.memory_space<hbm>>
      %dma_wait3A_122 = arith.constant 0 : i32
      %dma_wait3A_123 = tpu.memref_slice %arg2[%add3A_24, %dma_wait3A_122] : memref<10000x128xf32, #tpu.memory_space<hbm>> -> memref<128x128xf32, #tpu.memory_space<hbm>>
      tpu.wait_dma2 semaphore(%run_scoped3A : memref<!tpu.dma_semaphore, #tpu.memory_space<semaphore_mem>>) src(%dma_wait3A_123 : memref<128x128xf32, #tpu.memory_space<hbm>>) dst(%arg6 : memref<128x128xf32, #tpu.memory_space<vmem>>)
      tpu.yield
    }) : () -> ()
    %dma_start3A_30 = arith.constant 0 : i32
    %dma_start3A_31 = tpu.memref_slice %arg13[%add3A_24, %dma_start3A_30] : memref<10240x128xf32, #tpu.memory_space<vmem_shared>> -> memref<128x128xf32, #tpu.memory_space<vmem_shared>>
    %dma_start3A_32 = arith.constant 0 : i32
    %dma_start3A_33 = tpu.memref_slice %arg13[%add3A_24, %dma_start3A_32] : memref<10240x128xf32, #tpu.memory_space<vmem_shared>> -> memref<128x128xf32, #tpu.memory_space<vmem_shared>>
    tpu.enqueue_dma source(%arg6 : memref<128x128xf32, #tpu.memory_space<vmem>>) target(%dma_start3A_33 : memref<128x128xf32, #tpu.memory_space<vmem_shared>>) target_semaphore(%arg8 : memref<!tpu.dma_semaphore, #tpu.memory_space<semaphore_mem>>)
    %add3A_34 = arith.constant 384 : i32
    %add3A_35 = arith.addi %multiple_of3A, %add3A_34 : i32
    %add3A_36 = arith.constant 128 : i32
    %add3A_37 = arith.addi %multiple_of3A, %add3A_36 : i32
    %dma_wait3A_38 = arith.constant 0 : i32
    %dma_wait3A_39 = tpu.memref_slice %arg13[%add3A_37, %dma_wait3A_38] : memref<10240x128xf32, #tpu.memory_space<vmem_shared>> -> memref<128x128xf32, #tpu.memory_space<vmem_shared>>
    %dma_wait3A_40 = arith.constant 0 : i32
    %dma_wait3A_41 = tpu.memref_slice %arg13[%add3A_37, %dma_wait3A_40] : memref<10240x128xf32, #tpu.memory_space<vmem_shared>> -> memref<128x128xf32, #tpu.memory_space<vmem_shared>>
    tpu.wait_dma2 semaphore(%arg9 : memref<!tpu.dma_semaphore, #tpu.memory_space<semaphore_mem>>) src(%arg7 : memref<128x128xf32, #tpu.memory_space<vmem>>) dst(%dma_wait3A_41 : memref<128x128xf32, #tpu.memory_space<vmem_shared>>)
    "tpu.region"() ({
      %run_scoped3A = tpu.sem_alloc : memref<!tpu.dma_semaphore, #tpu.memory_space<semaphore_mem>>
      %dma_start3A_116 = arith.constant 0 : i32
      %dma_start3A_117 = tpu.memref_slice %arg2[%add3A_35, %dma_start3A_116] : memref<10000x128xf32, #tpu.memory_space<hbm>> -> memref<128x128xf32, #tpu.memory_space<hbm>>
      %dma_start3A_118 = arith.constant 0 : i32
      %dma_start3A_119 = tpu.memref_slice %arg2[%add3A_35, %dma_start3A_118] : memref<10000x128xf32, #tpu.memory_space<hbm>> -> memref<128x128xf32, #tpu.memory_space<hbm>>
      tpu.enqueue_dma source(%dma_start3A_119 : memref<128x128xf32, #tpu.memory_space<hbm>>) target(%arg7 : memref<128x128xf32, #tpu.memory_space<vmem>>) target_semaphore(%run_scoped3A : memref<!tpu.dma_semaphore, #tpu.memory_space<semaphore_mem>>)
      %dma_wait3A_120 = arith.constant 0 : i32
      %dma_wait3A_121 = tpu.memref_slice %arg2[%add3A_35, %dma_wait3A_120] : memref<10000x128xf32, #tpu.memory_space<hbm>> -> memref<128x128xf32, #tpu.memory_space<hbm>>
      %dma_wait3A_122 = arith.constant 0 : i32
      %dma_wait3A_123 = tpu.memref_slice %arg2[%add3A_35, %dma_wait3A_122] : memref<10000x128xf32, #tpu.memory_space<hbm>> -> memref<128x128xf32, #tpu.memory_space<hbm>>
      tpu.wait_dma2 semaphore(%run_scoped3A : memref<!tpu.dma_semaphore, #tpu.memory_space<semaphore_mem>>) src(%dma_wait3A_123 : memref<128x128xf32, #tpu.memory_space<hbm>>) dst(%arg7 : memref<128x128xf32, #tpu.memory_space<vmem>>)
      tpu.yield
    }) : () -> ()
    %dma_start3A_42 = arith.constant 0 : i32
    %dma_start3A_43 = tpu.memref_slice %arg13[%add3A_35, %dma_start3A_42] : memref<10240x128xf32, #tpu.memory_space<vmem_shared>> -> memref<128x128xf32, #tpu.memory_space<vmem_shared>>
    %dma_start3A_44 = arith.constant 0 : i32
    %dma_start3A_45 = tpu.memref_slice %arg13[%add3A_35, %dma_start3A_44] : memref<10240x128xf32, #tpu.memory_space<vmem_shared>> -> memref<128x128xf32, #tpu.memory_space<vmem_shared>>
    tpu.enqueue_dma source(%arg7 : memref<128x128xf32, #tpu.memory_space<vmem>>) target(%dma_start3A_45 : memref<128x128xf32, #tpu.memory_space<vmem_shared>>) target_semaphore(%arg9 : memref<!tpu.dma_semaphore, #tpu.memory_space<semaphore_mem>>)
    %add3A_46 = arith.constant 512 : i32
    %add3A_47 = arith.addi %multiple_of3A, %add3A_46 : i32
    %add3A_48 = arith.constant 256 : i32
    %add3A_49 = arith.addi %multiple_of3A, %add3A_48 : i32
    %dma_wait3A_50 = arith.constant 0 : i32
    %dma_wait3A_51 = tpu.memref_slice %arg13[%add3A_49, %dma_wait3A_50] : memref<10240x128xf32, #tpu.memory_space<vmem_shared>> -> memref<128x128xf32, #tpu.memory_space<vmem_shared>>
    %dma_wait3A_52 = arith.constant 0 : i32
    %dma_wait3A_53 = tpu.memref_slice %arg13[%add3A_49, %dma_wait3A_52] : memref<10240x128xf32, #tpu.memory_space<vmem_shared>> -> memref<128x128xf32, #tpu.memory_space<vmem_shared>>
    tpu.wait_dma2 semaphore(%arg8 : memref<!tpu.dma_semaphore, #tpu.memory_space<semaphore_mem>>) src(%arg6 : memref<128x128xf32, #tpu.memory_space<vmem>>) dst(%dma_wait3A_53 : memref<128x128xf32, #tpu.memory_space<vmem_shared>>)
    "tpu.region"() ({
      %run_scoped3A = tpu.sem_alloc : memref<!tpu.dma_semaphore, #tpu.memory_space<semaphore_mem>>
      %dma_start3A_116 = arith.constant 0 : i32
      %dma_start3A_117 = tpu.memref_slice %arg2[%add3A_47, %dma_start3A_116] : memref<10000x128xf32, #tpu.memory_space<hbm>> -> memref<128x128xf32, #tpu.memory_space<hbm>>
      %dma_start3A_118 = arith.constant 0 : i32
      %dma_start3A_119 = tpu.memref_slice %arg2[%add3A_47, %dma_start3A_118] : memref<10000x128xf32, #tpu.memory_space<hbm>> -> memref<128x128xf32, #tpu.memory_space<hbm>>
      tpu.enqueue_dma source(%dma_start3A_119 : memref<128x128xf32, #tpu.memory_space<hbm>>) target(%arg6 : memref<128x128xf32, #tpu.memory_space<vmem>>) target_semaphore(%run_scoped3A : memref<!tpu.dma_semaphore, #tpu.memory_space<semaphore_mem>>)
      %dma_wait3A_120 = arith.constant 0 : i32
      %dma_wait3A_121 = tpu.memref_slice %arg2[%add3A_47, %dma_wait3A_120] : memref<10000x128xf32, #tpu.memory_space<hbm>> -> memref<128x128xf32, #tpu.memory_space<hbm>>
      %dma_wait3A_122 = arith.constant 0 : i32
      %dma_wait3A_123 = tpu.memref_slice %arg2[%add3A_47, %dma_wait3A_122] : memref<10000x128xf32, #tpu.memory_space<hbm>> -> memref<128x128xf32, #tpu.memory_space<hbm>>
      tpu.wait_dma2 semaphore(%run_scoped3A : memref<!tpu.dma_semaphore, #tpu.memory_space<semaphore_mem>>) src(%dma_wait3A_123 : memref<128x128xf32, #tpu.memory_space<hbm>>) dst(%arg6 : memref<128x128xf32, #tpu.memory_space<vmem>>)
      tpu.yield
    }) : () -> ()
    %dma_start3A_54 = arith.constant 0 : i32
    %dma_start3A_55 = tpu.memref_slice %arg13[%add3A_47, %dma_start3A_54] : memref<10240x128xf32, #tpu.memory_space<vmem_shared>> -> memref<128x128xf32, #tpu.memory_space<vmem_shared>>
    %dma_start3A_56 = arith.constant 0 : i32
    %dma_start3A_57 = tpu.memref_slice %arg13[%add3A_47, %dma_start3A_56] : memref<10240x128xf32, #tpu.memory_space<vmem_shared>> -> memref<128x128xf32, #tpu.memory_space<vmem_shared>>
    tpu.enqueue_dma source(%arg6 : memref<128x128xf32, #tpu.memory_space<vmem>>) target(%dma_start3A_57 : memref<128x128xf32, #tpu.memory_space<vmem_shared>>) target_semaphore(%arg8 : memref<!tpu.dma_semaphore, #tpu.memory_space<semaphore_mem>>)
    %add3A_58 = arith.constant 384 : i32
    %add3A_59 = arith.addi %multiple_of3A, %add3A_58 : i32
    %dma_wait3A_60 = arith.constant 0 : i32
    %dma_wait3A_61 = tpu.memref_slice %arg13[%add3A_59, %dma_wait3A_60] : memref<10240x128xf32, #tpu.memory_space<vmem_shared>> -> memref<128x128xf32, #tpu.memory_space<vmem_shared>>
    %dma_wait3A_62 = arith.constant 0 : i32
    %dma_wait3A_63 = tpu.memref_slice %arg13[%add3A_59, %dma_wait3A_62] : memref<10240x128xf32, #tpu.memory_space<vmem_shared>> -> memref<128x128xf32, #tpu.memory_space<vmem_shared>>
    tpu.wait_dma2 semaphore(%arg9 : memref<!tpu.dma_semaphore, #tpu.memory_space<semaphore_mem>>) src(%arg7 : memref<128x128xf32, #tpu.memory_space<vmem>>) dst(%dma_wait3A_63 : memref<128x128xf32, #tpu.memory_space<vmem_shared>>)
    %add3A_64 = arith.constant 512 : i32
    %add3A_65 = arith.addi %multiple_of3A, %add3A_64 : i32
    %dma_wait3A_66 = arith.constant 0 : i32
    %dma_wait3A_67 = tpu.memref_slice %arg13[%add3A_65, %dma_wait3A_66] : memref<10240x128xf32, #tpu.memory_space<vmem_shared>> -> memref<128x128xf32, #tpu.memory_space<vmem_shared>>
    %dma_wait3A_68 = arith.constant 0 : i32
    %dma_wait3A_69 = tpu.memref_slice %arg13[%add3A_65, %dma_wait3A_68] : memref<10240x128xf32, #tpu.memory_space<vmem_shared>> -> memref<128x128xf32, #tpu.memory_space<vmem_shared>>
    tpu.wait_dma2 semaphore(%arg8 : memref<!tpu.dma_semaphore, #tpu.memory_space<semaphore_mem>>) src(%arg6 : memref<128x128xf32, #tpu.memory_space<vmem>>) dst(%dma_wait3A_69 : memref<128x128xf32, #tpu.memory_space<vmem_shared>>)
    %dma_wait3A_70 = arith.constant 0 : i32
    %dma_wait3A_71 = arith.constant 0 : i32
    %dma_wait3A_72 = tpu.memref_slice %arg3[%add3A, %dma_wait3A_70, %dma_wait3A_71] : memref<32x80x128xi32, #tpu.memory_space<hbm>> -> memref<1x80x128xi32, #tpu.memory_space<hbm>>
    %dma_wait3A_73 = tpu.memref_squeeze %dma_wait3A_72 : memref<1x80x128xi32, #tpu.memory_space<hbm>> -> memref<80x128xi32, #tpu.memory_space<hbm>>
    %dma_wait3A_74 = arith.constant 0 : i32
    %dma_wait3A_75 = arith.constant 0 : i32
    %dma_wait3A_76 = tpu.memref_slice %arg3[%add3A, %dma_wait3A_74, %dma_wait3A_75] : memref<32x80x128xi32, #tpu.memory_space<hbm>> -> memref<1x80x128xi32, #tpu.memory_space<hbm>>
    %dma_wait3A_77 = tpu.memref_squeeze %dma_wait3A_76 : memref<1x80x128xi32, #tpu.memory_space<hbm>> -> memref<80x128xi32, #tpu.memory_space<hbm>>
    tpu.wait_dma2 semaphore(%arg12 : memref<!tpu.dma_semaphore, #tpu.memory_space<semaphore_mem>>) src(%dma_wait3A_77 : memref<80x128xi32, #tpu.memory_space<hbm>>) dst(%arg5 : memref<80x128xi32, #tpu.memory_space<vmem>>)
    %barrier3A = arith.constant 0 : index
    tpu.barrier barrier_id(%barrier3A)
    %dma_start3A_78 = arith.constant 0 : i32
    %dma_start3A_79 = arith.constant 0 : i32
    %dma_start3A_80 = tpu.memref_slice %arg5[%dma_start3A_78, %dma_start3A_79] : memref<80x128xi32, #tpu.memory_space<vmem>> -> memref<1x128xi32, #tpu.memory_space<vmem>>
    %dma_start3A_81 = tpu.memref_squeeze %dma_start3A_80 : memref<1x128xi32, #tpu.memory_space<vmem>> -> memref<128xi32, #tpu.memory_space<vmem>>
    %dma_start3A_82 = arith.constant 0 : i32
    %dma_start3A_83 = arith.constant 0 : i32
    %dma_start3A_84 = tpu.memref_slice %arg13[%dma_start3A_82, %dma_start3A_83] : memref<10240x128xf32, #tpu.memory_space<vmem_shared>> -> memref<10240x128xf32, #tpu.memory_space<vmem_shared>>
    tpu.enqueue_indirect_dma source(%dma_start3A_84 : memref<10240x128xf32, #tpu.memory_space<vmem_shared>>) target(%arg6 : memref<128x128xf32, #tpu.memory_space<vmem>>) offsets(%dma_start3A_81 : memref<128xi32, #tpu.memory_space<vmem>>) semaphore(%arg8 : memref<!tpu.dma_semaphore, #tpu.memory_space<semaphore_mem>>)
    %dma_start3A_85 = arith.constant 1 : i32
    %dma_start3A_86 = arith.constant 0 : i32
    %dma_start3A_87 = tpu.memref_slice %arg5[%dma_start3A_85, %dma_start3A_86] : memref<80x128xi32, #tpu.memory_space<vmem>> -> memref<1x128xi32, #tpu.memory_space<vmem>>
    %dma_start3A_88 = tpu.memref_squeeze %dma_start3A_87 : memref<1x128xi32, #tpu.memory_space<vmem>> -> memref<128xi32, #tpu.memory_space<vmem>>
    %dma_start3A_89 = arith.constant 0 : i32
    %dma_start3A_90 = arith.constant 0 : i32
    %dma_start3A_91 = tpu.memref_slice %arg13[%dma_start3A_89, %dma_start3A_90] : memref<10240x128xf32, #tpu.memory_space<vmem_shared>> -> memref<10240x128xf32, #tpu.memory_space<vmem_shared>>
    tpu.enqueue_indirect_dma source(%dma_start3A_91 : memref<10240x128xf32, #tpu.memory_space<vmem_shared>>) target(%arg7 : memref<128x128xf32, #tpu.memory_space<vmem>>) offsets(%dma_start3A_88 : memref<128xi32, #tpu.memory_space<vmem>>) semaphore(%arg9 : memref<!tpu.dma_semaphore, #tpu.memory_space<semaphore_mem>>)
    %scan3A = arith.constant 0 : i32
    %scan3A_92 = arith.constant 40 : i32
    %scan3A_93 = arith.addi %scan3A, %scan3A_92 : i32
    %scan3A_94 = arith.constant 1 : i32
    scf.for %scan3A_116 = %scan3A to %scan3A_93 step %scan3A_94  : i32 {
      %mul3A_117 = arith.constant 2 : i32
      %mul3A_118 = arith.muli %scan3A_116, %mul3A_117 : i32
      %add3A_119 = arith.constant 0 : i32
      %add3A_120 = arith.addi %add3A_119, %mul3A_118 : i32
      %add3A_121 = arith.constant 0 : i32
      %add3A_122 = arith.addi %add3A_120, %add3A_121 : i32
      %dma_wait3A_123 = arith.constant 0 : i32
      %dma_wait3A_124 = tpu.memref_slice %arg5[%add3A_122, %dma_wait3A_123] : memref<80x128xi32, #tpu.memory_space<vmem>> -> memref<1x128xi32, #tpu.memory_space<vmem>>
      %dma_wait3A_125 = tpu.memref_squeeze %dma_wait3A_124 : memref<1x128xi32, #tpu.memory_space<vmem>> -> memref<128xi32, #tpu.memory_space<vmem>>
      %dma_wait3A_126 = arith.constant 0 : i32
      %dma_wait3A_127 = arith.constant 0 : i32
      %dma_wait3A_128 = tpu.memref_slice %arg13[%dma_wait3A_126, %dma_wait3A_127] : memref<10240x128xf32, #tpu.memory_space<vmem_shared>> -> memref<10240x128xf32, #tpu.memory_space<vmem_shared>>
      tpu.wait_indirect_dma semaphore(%arg8 : memref<!tpu.dma_semaphore, #tpu.memory_space<semaphore_mem>>) src(%dma_wait3A_128 : memref<10240x128xf32, #tpu.memory_space<vmem_shared>>) dst(%arg6 : memref<128x128xf32, #tpu.memory_space<vmem>>)
      %mul3A_129 = arith.constant 80 : i32
      %mul3A_130 = arith.muli %add3A, %mul3A_129 : i32
      %add3A_131 = arith.addi %mul3A_130, %add3A_122 : i32
      %mul3A_132 = arith.constant 128 : i32
      %mul3A_133 = arith.muli %add3A_131, %mul3A_132 : i32
      %dma_start3A_134 = arith.constant 0 : i32
      %dma_start3A_135 = tpu.memref_slice %arg4[%mul3A_133, %dma_start3A_134] : memref<327680x128xf32, #tpu.memory_space<hbm>> -> memref<128x128xf32, #tpu.memory_space<hbm>>
      %dma_start3A_136 = arith.constant 0 : i32
      %dma_start3A_137 = tpu.memref_slice %arg4[%mul3A_133, %dma_start3A_136] : memref<327680x128xf32, #tpu.memory_space<hbm>> -> memref<128x128xf32, #tpu.memory_space<hbm>>
      tpu.enqueue_dma source(%arg6 : memref<128x128xf32, #tpu.memory_space<vmem>>) target(%dma_start3A_137 : memref<128x128xf32, #tpu.memory_space<hbm>>) target_semaphore(%arg10 : memref<!tpu.dma_semaphore, #tpu.memory_space<semaphore_mem>>)
      %add3A_138 = arith.constant 2 : i32
      %add3A_139 = arith.addi %add3A_122, %add3A_138 : i32
      %lt3A = arith.constant 80 : i32
      %lt3A_140 = arith.cmpi slt, %add3A_139, %lt3A : i32
      %convert_element_type3A = arith.extui %lt3A_140 : i1 to i32
      %cond3A = arith.constant 0 : i32
      %cond3A_141 = arith.cmpi ne, %convert_element_type3A, %cond3A : i32
      scf.if %cond3A_141 {
        %mul3A_166 = arith.constant 80 : i32
        %mul3A_167 = arith.muli %add3A, %mul3A_166 : i32
        %add3A_168 = arith.addi %mul3A_167, %add3A_122 : i32
        %mul3A_169 = arith.constant 128 : i32
        %mul3A_170 = arith.muli %add3A_168, %mul3A_169 : i32
        %dma_wait3A_171 = arith.constant 0 : i32
        %dma_wait3A_172 = tpu.memref_slice %arg4[%mul3A_170, %dma_wait3A_171] : memref<327680x128xf32, #tpu.memory_space<hbm>> -> memref<128x128xf32, #tpu.memory_space<hbm>>
        %dma_wait3A_173 = arith.constant 0 : i32
        %dma_wait3A_174 = tpu.memref_slice %arg4[%mul3A_170, %dma_wait3A_173] : memref<327680x128xf32, #tpu.memory_space<hbm>> -> memref<128x128xf32, #tpu.memory_space<hbm>>
        tpu.wait_dma2 semaphore(%arg10 : memref<!tpu.dma_semaphore, #tpu.memory_space<semaphore_mem>>) src(%arg6 : memref<128x128xf32, #tpu.memory_space<vmem>>) dst(%dma_wait3A_174 : memref<128x128xf32, #tpu.memory_space<hbm>>)
        %add3A_175 = arith.constant 2 : i32
        %add3A_176 = arith.addi %add3A_122, %add3A_175 : i32
        %dma_start3A_177 = arith.constant 0 : i32
        %dma_start3A_178 = tpu.memref_slice %arg5[%add3A_176, %dma_start3A_177] : memref<80x128xi32, #tpu.memory_space<vmem>> -> memref<1x128xi32, #tpu.memory_space<vmem>>
        %dma_start3A_179 = tpu.memref_squeeze %dma_start3A_178 : memref<1x128xi32, #tpu.memory_space<vmem>> -> memref<128xi32, #tpu.memory_space<vmem>>
        %dma_start3A_180 = arith.constant 0 : i32
        %dma_start3A_181 = arith.constant 0 : i32
        %dma_start3A_182 = tpu.memref_slice %arg13[%dma_start3A_180, %dma_start3A_181] : memref<10240x128xf32, #tpu.memory_space<vmem_shared>> -> memref<10240x128xf32, #tpu.memory_space<vmem_shared>>
        tpu.enqueue_indirect_dma source(%dma_start3A_182 : memref<10240x128xf32, #tpu.memory_space<vmem_shared>>) target(%arg6 : memref<128x128xf32, #tpu.memory_space<vmem>>) offsets(%dma_start3A_179 : memref<128xi32, #tpu.memory_space<vmem>>) semaphore(%arg8 : memref<!tpu.dma_semaphore, #tpu.memory_space<semaphore_mem>>)
      } else {
      }
      %add3A_142 = arith.constant 1 : i32
      %add3A_143 = arith.addi %add3A_120, %add3A_142 : i32
      %dma_wait3A_144 = arith.constant 0 : i32
      %dma_wait3A_145 = tpu.memref_slice %arg5[%add3A_143, %dma_wait3A_144] : memref<80x128xi32, #tpu.memory_space<vmem>> -> memref<1x128xi32, #tpu.memory_space<vmem>>
      %dma_wait3A_146 = tpu.memref_squeeze %dma_wait3A_145 : memref<1x128xi32, #tpu.memory_space<vmem>> -> memref<128xi32, #tpu.memory_space<vmem>>
      %dma_wait3A_147 = arith.constant 0 : i32
      %dma_wait3A_148 = arith.constant 0 : i32
      %dma_wait3A_149 = tpu.memref_slice %arg13[%dma_wait3A_147, %dma_wait3A_148] : memref<10240x128xf32, #tpu.memory_space<vmem_shared>> -> memref<10240x128xf32, #tpu.memory_space<vmem_shared>>
      tpu.wait_indirect_dma semaphore(%arg9 : memref<!tpu.dma_semaphore, #tpu.memory_space<semaphore_mem>>) src(%dma_wait3A_149 : memref<10240x128xf32, #tpu.memory_space<vmem_shared>>) dst(%arg7 : memref<128x128xf32, #tpu.memory_space<vmem>>)
      %mul3A_150 = arith.constant 80 : i32
      %mul3A_151 = arith.muli %add3A, %mul3A_150 : i32
      %add3A_152 = arith.addi %mul3A_151, %add3A_143 : i32
      %mul3A_153 = arith.constant 128 : i32
      %mul3A_154 = arith.muli %add3A_152, %mul3A_153 : i32
      %dma_start3A_155 = arith.constant 0 : i32
      %dma_start3A_156 = tpu.memref_slice %arg4[%mul3A_154, %dma_start3A_155] : memref<327680x128xf32, #tpu.memory_space<hbm>> -> memref<128x128xf32, #tpu.memory_space<hbm>>
      %dma_start3A_157 = arith.constant 0 : i32
      %dma_start3A_158 = tpu.memref_slice %arg4[%mul3A_154, %dma_start3A_157] : memref<327680x128xf32, #tpu.memory_space<hbm>> -> memref<128x128xf32, #tpu.memory_space<hbm>>
      tpu.enqueue_dma source(%arg7 : memref<128x128xf32, #tpu.memory_space<vmem>>) target(%dma_start3A_158 : memref<128x128xf32, #tpu.memory_space<hbm>>) target_semaphore(%arg11 : memref<!tpu.dma_semaphore, #tpu.memory_space<semaphore_mem>>)
      %add3A_159 = arith.constant 2 : i32
      %add3A_160 = arith.addi %add3A_143, %add3A_159 : i32
      %lt3A_161 = arith.constant 80 : i32
      %lt3A_162 = arith.cmpi slt, %add3A_160, %lt3A_161 : i32
      %convert_element_type3A_163 = arith.extui %lt3A_162 : i1 to i32
      %cond3A_164 = arith.constant 0 : i32
      %cond3A_165 = arith.cmpi ne, %convert_element_type3A_163, %cond3A_164 : i32
      scf.if %cond3A_165 {
        %mul3A_166 = arith.constant 80 : i32
        %mul3A_167 = arith.muli %add3A, %mul3A_166 : i32
        %add3A_168 = arith.addi %mul3A_167, %add3A_143 : i32
        %mul3A_169 = arith.constant 128 : i32
        %mul3A_170 = arith.muli %add3A_168, %mul3A_169 : i32
        %dma_wait3A_171 = arith.constant 0 : i32
        %dma_wait3A_172 = tpu.memref_slice %arg4[%mul3A_170, %dma_wait3A_171] : memref<327680x128xf32, #tpu.memory_space<hbm>> -> memref<128x128xf32, #tpu.memory_space<hbm>>
        %dma_wait3A_173 = arith.constant 0 : i32
        %dma_wait3A_174 = tpu.memref_slice %arg4[%mul3A_170, %dma_wait3A_173] : memref<327680x128xf32, #tpu.memory_space<hbm>> -> memref<128x128xf32, #tpu.memory_space<hbm>>
        tpu.wait_dma2 semaphore(%arg11 : memref<!tpu.dma_semaphore, #tpu.memory_space<semaphore_mem>>) src(%arg7 : memref<128x128xf32, #tpu.memory_space<vmem>>) dst(%dma_wait3A_174 : memref<128x128xf32, #tpu.memory_space<hbm>>)
        %add3A_175 = arith.constant 2 : i32
        %add3A_176 = arith.addi %add3A_143, %add3A_175 : i32
        %dma_start3A_177 = arith.constant 0 : i32
        %dma_start3A_178 = tpu.memref_slice %arg5[%add3A_176, %dma_start3A_177] : memref<80x128xi32, #tpu.memory_space<vmem>> -> memref<1x128xi32, #tpu.memory_space<vmem>>
        %dma_start3A_179 = tpu.memref_squeeze %dma_start3A_178 : memref<1x128xi32, #tpu.memory_space<vmem>> -> memref<128xi32, #tpu.memory_space<vmem>>
        %dma_start3A_180 = arith.constant 0 : i32
        %dma_start3A_181 = arith.constant 0 : i32
        %dma_start3A_182 = tpu.memref_slice %arg13[%dma_start3A_180, %dma_start3A_181] : memref<10240x128xf32, #tpu.memory_space<vmem_shared>> -> memref<10240x128xf32, #tpu.memory_space<vmem_shared>>
        tpu.enqueue_indirect_dma source(%dma_start3A_182 : memref<10240x128xf32, #tpu.memory_space<vmem_shared>>) target(%arg7 : memref<128x128xf32, #tpu.memory_space<vmem>>) offsets(%dma_start3A_179 : memref<128xi32, #tpu.memory_space<vmem>>) semaphore(%arg9 : memref<!tpu.dma_semaphore, #tpu.memory_space<semaphore_mem>>)
      } else {
      }
    }
    %scan3A_95 = arith.constant 40 : i32
    %mul3A_96 = arith.constant 80 : i32
    %mul3A_97 = arith.muli %add3A, %mul3A_96 : i32
    %add3A_98 = arith.constant 78 : i32
    %add3A_99 = arith.addi %mul3A_97, %add3A_98 : i32
    %mul3A_100 = arith.constant 128 : i32
    %mul3A_101 = arith.muli %add3A_99, %mul3A_100 : i32
    %dma_wait3A_102 = arith.constant 0 : i32
    %dma_wait3A_103 = tpu.memref_slice %arg4[%mul3A_101, %dma_wait3A_102] : memref<327680x128xf32, #tpu.memory_space<hbm>> -> memref<128x128xf32, #tpu.memory_space<hbm>>
    %dma_wait3A_104 = arith.constant 0 : i32
    %dma_wait3A_105 = tpu.memref_slice %arg4[%mul3A_101, %dma_wait3A_104] : memref<327680x128xf32, #tpu.memory_space<hbm>> -> memref<128x128xf32, #tpu.memory_space<hbm>>
    tpu.wait_dma2 semaphore(%arg10 : memref<!tpu.dma_semaphore, #tpu.memory_space<semaphore_mem>>) src(%arg6 : memref<128x128xf32, #tpu.memory_space<vmem>>) dst(%dma_wait3A_105 : memref<128x128xf32, #tpu.memory_space<hbm>>)
    %mul3A_106 = arith.constant 80 : i32
    %mul3A_107 = arith.muli %add3A, %mul3A_106 : i32
    %add3A_108 = arith.constant 79 : i32
    %add3A_109 = arith.addi %mul3A_107, %add3A_108 : i32
    %mul3A_110 = arith.constant 128 : i32
    %mul3A_111 = arith.muli %add3A_109, %mul3A_110 : i32
    %dma_wait3A_112 = arith.constant 0 : i32
    %dma_wait3A_113 = tpu.memref_slice %arg4[%mul3A_111, %dma_wait3A_112] : memref<327680x128xf32, #tpu.memory_space<hbm>> -> memref<128x128xf32, #tpu.memory_space<hbm>>
    %dma_wait3A_114 = arith.constant 0 : i32
    %dma_wait3A_115 = tpu.memref_slice %arg4[%mul3A_111, %dma_wait3A_114] : memref<327680x128xf32, #tpu.memory_space<hbm>> -> memref<128x128xf32, #tpu.memory_space<hbm>>
    tpu.wait_dma2 semaphore(%arg11 : memref<!tpu.dma_semaphore, #tpu.memory_space<semaphore_mem>>) src(%arg7 : memref<128x128xf32, #tpu.memory_space<vmem>>) dst(%dma_wait3A_115 : memref<128x128xf32, #tpu.memory_space<hbm>>)
    return
  }
}

#map = affine_map<(d0, d1) -> (0, 0)>
#map1 = affine_map<(d0, d1) -> (0, 0, 0)>
module attributes {stable_mosaic.version = 14 : i64} {
  func.func @_sc_stage(%arg0: i32, %arg1: i32, %arg2: memref<10000x128xf32, #tpu.memory_space<hbm>>, %arg3: memref<32x80x128xi32, #tpu.memory_space<hbm>>, %arg4: memref<327680x128xf32, #tpu.memory_space<hbm>>, %arg5: memref<80x128xi32, #tpu.memory_space<vmem>>, %arg6: memref<128x128xf32, #tpu.memory_space<vmem>>, %arg7: memref<128x128xf32, #tpu.memory_space<vmem>>, %arg8: memref<!tpu.dma_semaphore, #tpu.memory_space<semaphore_mem>>, %arg9: memref<!tpu.dma_semaphore, #tpu.memory_space<semaphore_mem>>, %arg10: memref<!tpu.dma_semaphore, #tpu.memory_space<semaphore_mem>>, %arg11: memref<!tpu.dma_semaphore, #tpu.memory_space<semaphore_mem>>, %arg12: memref<!tpu.dma_semaphore, #tpu.memory_space<semaphore_mem>>, %arg13: memref<10240x128xf32, #tpu.memory_space<vmem_shared>>) attributes {dimension_semantics = [#tpu.dimension_semantics<core_parallel>, #tpu.dimension_semantics<subcore_parallel>], iteration_bounds = array<i64: 2, 16>, scalar_prefetch = 0 : i64, scratch_operands = 9 : i64, tpu.core_type = #tpu.core_type<sc_vector_subcore>, window_params = [{transform_indices = #map}, {transform_indices = #map1}, {transform_indices = #map}]} {
    %mul3A = arith.constant 2 : i32
    %mul3A_0 = arith.muli %arg1, %mul3A : i32
    %add3A = arith.addi %mul3A_0, %arg0 : i32
    %mul3A_1 = arith.constant 640 : i32
    %mul3A_2 = arith.muli %arg1, %mul3A_1 : i32
    %dma_start3A = arith.constant 0 : i32
    %dma_start3A_3 = arith.constant 0 : i32
    %dma_start3A_4 = tpu.memref_slice %arg3[%add3A, %dma_start3A, %dma_start3A_3] : memref<32x80x128xi32, #tpu.memory_space<hbm>> -> memref<1x80x128xi32, #tpu.memory_space<hbm>>
    %dma_start3A_5 = tpu.memref_squeeze %dma_start3A_4 : memref<1x80x128xi32, #tpu.memory_space<hbm>> -> memref<80x128xi32, #tpu.memory_space<hbm>>
    %dma_start3A_6 = arith.constant 0 : i32
    %dma_start3A_7 = arith.constant 0 : i32
    %dma_start3A_8 = tpu.memref_slice %arg3[%add3A, %dma_start3A_6, %dma_start3A_7] : memref<32x80x128xi32, #tpu.memory_space<hbm>> -> memref<1x80x128xi32, #tpu.memory_space<hbm>>
    %dma_start3A_9 = tpu.memref_squeeze %dma_start3A_8 : memref<1x80x128xi32, #tpu.memory_space<hbm>> -> memref<80x128xi32, #tpu.memory_space<hbm>>
    tpu.enqueue_dma source(%dma_start3A_9 : memref<80x128xi32, #tpu.memory_space<hbm>>) target(%arg5 : memref<80x128xi32, #tpu.memory_space<vmem>>) target_semaphore(%arg12 : memref<!tpu.dma_semaphore, #tpu.memory_space<semaphore_mem>>)
    %min3A = arith.constant 9360 : i32
    %min3A_10 = arith.minsi %mul3A_2, %min3A : i32
    %multiple_of3A = tpu.assume_multiple %min3A_10, 8 : i32
    %add3A_11 = arith.constant 0 : i32
    %add3A_12 = arith.addi %multiple_of3A, %add3A_11 : i32
    "tpu.region"() ({
      %run_scoped3A = tpu.sem_alloc : memref<!tpu.dma_semaphore, #tpu.memory_space<semaphore_mem>>
      %dma_start3A_116 = arith.constant 0 : i32
      %dma_start3A_117 = tpu.memref_slice %arg2[%add3A_12, %dma_start3A_116] : memref<10000x128xf32, #tpu.memory_space<hbm>> -> memref<128x128xf32, #tpu.memory_space<hbm>>
      %dma_start3A_118 = arith.constant 0 : i32
      %dma_start3A_119 = tpu.memref_slice %arg2[%add3A_12, %dma_start3A_118] : memref<10000x128xf32, #tpu.memory_space<hbm>> -> memref<128x128xf32, #tpu.memory_space<hbm>>
      tpu.enqueue_dma source(%dma_start3A_119 : memref<128x128xf32, #tpu.memory_space<hbm>>) target(%arg6 : memref<128x128xf32, #tpu.memory_space<vmem>>) target_semaphore(%run_scoped3A : memref<!tpu.dma_semaphore, #tpu.memory_space<semaphore_mem>>)
      %dma_wait3A_120 = arith.constant 0 : i32
      %dma_wait3A_121 = tpu.memref_slice %arg2[%add3A_12, %dma_wait3A_120] : memref<10000x128xf32, #tpu.memory_space<hbm>> -> memref<128x128xf32, #tpu.memory_space<hbm>>
      %dma_wait3A_122 = arith.constant 0 : i32
      %dma_wait3A_123 = tpu.memref_slice %arg2[%add3A_12, %dma_wait3A_122] : memref<10000x128xf32, #tpu.memory_space<hbm>> -> memref<128x128xf32, #tpu.memory_space<hbm>>
      tpu.wait_dma2 semaphore(%run_scoped3A : memref<!tpu.dma_semaphore, #tpu.memory_space<semaphore_mem>>) src(%dma_wait3A_123 : memref<128x128xf32, #tpu.memory_space<hbm>>) dst(%arg6 : memref<128x128xf32, #tpu.memory_space<vmem>>)
      tpu.yield
    }) : () -> ()
    %dma_start3A_13 = arith.constant 0 : i32
    %dma_start3A_14 = tpu.memref_slice %arg13[%add3A_12, %dma_start3A_13] : memref<10240x128xf32, #tpu.memory_space<vmem_shared>> -> memref<128x128xf32, #tpu.memory_space<vmem_shared>>
    %dma_start3A_15 = arith.constant 0 : i32
    %dma_start3A_16 = tpu.memref_slice %arg13[%add3A_12, %dma_start3A_15] : memref<10240x128xf32, #tpu.memory_space<vmem_shared>> -> memref<128x128xf32, #tpu.memory_space<vmem_shared>>
    tpu.enqueue_dma source(%arg6 : memref<128x128xf32, #tpu.memory_space<vmem>>) target(%dma_start3A_16 : memref<128x128xf32, #tpu.memory_space<vmem_shared>>) target_semaphore(%arg8 : memref<!tpu.dma_semaphore, #tpu.memory_space<semaphore_mem>>)
    %add3A_17 = arith.constant 128 : i32
    %add3A_18 = arith.addi %multiple_of3A, %add3A_17 : i32
    "tpu.region"() ({
      %run_scoped3A = tpu.sem_alloc : memref<!tpu.dma_semaphore, #tpu.memory_space<semaphore_mem>>
      %dma_start3A_116 = arith.constant 0 : i32
      %dma_start3A_117 = tpu.memref_slice %arg2[%add3A_18, %dma_start3A_116] : memref<10000x128xf32, #tpu.memory_space<hbm>> -> memref<128x128xf32, #tpu.memory_space<hbm>>
      %dma_start3A_118 = arith.constant 0 : i32
      %dma_start3A_119 = tpu.memref_slice %arg2[%add3A_18, %dma_start3A_118] : memref<10000x128xf32, #tpu.memory_space<hbm>> -> memref<128x128xf32, #tpu.memory_space<hbm>>
      tpu.enqueue_dma source(%dma_start3A_119 : memref<128x128xf32, #tpu.memory_space<hbm>>) target(%arg7 : memref<128x128xf32, #tpu.memory_space<vmem>>) target_semaphore(%run_scoped3A : memref<!tpu.dma_semaphore, #tpu.memory_space<semaphore_mem>>)
      %dma_wait3A_120 = arith.constant 0 : i32
      %dma_wait3A_121 = tpu.memref_slice %arg2[%add3A_18, %dma_wait3A_120] : memref<10000x128xf32, #tpu.memory_space<hbm>> -> memref<128x128xf32, #tpu.memory_space<hbm>>
      %dma_wait3A_122 = arith.constant 0 : i32
      %dma_wait3A_123 = tpu.memref_slice %arg2[%add3A_18, %dma_wait3A_122] : memref<10000x128xf32, #tpu.memory_space<hbm>> -> memref<128x128xf32, #tpu.memory_space<hbm>>
      tpu.wait_dma2 semaphore(%run_scoped3A : memref<!tpu.dma_semaphore, #tpu.memory_space<semaphore_mem>>) src(%dma_wait3A_123 : memref<128x128xf32, #tpu.memory_space<hbm>>) dst(%arg7 : memref<128x128xf32, #tpu.memory_space<vmem>>)
      tpu.yield
    }) : () -> ()
    %dma_start3A_19 = arith.constant 0 : i32
    %dma_start3A_20 = tpu.memref_slice %arg13[%add3A_18, %dma_start3A_19] : memref<10240x128xf32, #tpu.memory_space<vmem_shared>> -> memref<128x128xf32, #tpu.memory_space<vmem_shared>>
    %dma_start3A_21 = arith.constant 0 : i32
    %dma_start3A_22 = tpu.memref_slice %arg13[%add3A_18, %dma_start3A_21] : memref<10240x128xf32, #tpu.memory_space<vmem_shared>> -> memref<128x128xf32, #tpu.memory_space<vmem_shared>>
    tpu.enqueue_dma source(%arg7 : memref<128x128xf32, #tpu.memory_space<vmem>>) target(%dma_start3A_22 : memref<128x128xf32, #tpu.memory_space<vmem_shared>>) target_semaphore(%arg9 : memref<!tpu.dma_semaphore, #tpu.memory_space<semaphore_mem>>)
    %add3A_23 = arith.constant 256 : i32
    %add3A_24 = arith.addi %multiple_of3A, %add3A_23 : i32
    %add3A_25 = arith.constant 0 : i32
    %add3A_26 = arith.addi %multiple_of3A, %add3A_25 : i32
    %dma_wait3A = arith.constant 0 : i32
    %dma_wait3A_27 = tpu.memref_slice %arg13[%add3A_26, %dma_wait3A] : memref<10240x128xf32, #tpu.memory_space<vmem_shared>> -> memref<128x128xf32, #tpu.memory_space<vmem_shared>>
    %dma_wait3A_28 = arith.constant 0 : i32
    %dma_wait3A_29 = tpu.memref_slice %arg13[%add3A_26, %dma_wait3A_28] : memref<10240x128xf32, #tpu.memory_space<vmem_shared>> -> memref<128x128xf32, #tpu.memory_space<vmem_shared>>
    tpu.wait_dma2 semaphore(%arg8 : memref<!tpu.dma_semaphore, #tpu.memory_space<semaphore_mem>>) src(%arg6 : memref<128x128xf32, #tpu.memory_space<vmem>>) dst(%dma_wait3A_29 : memref<128x128xf32, #tpu.memory_space<vmem_shared>>)
    "tpu.region"() ({
      %run_scoped3A = tpu.sem_alloc : memref<!tpu.dma_semaphore, #tpu.memory_space<semaphore_mem>>
      %dma_start3A_116 = arith.constant 0 : i32
      %dma_start3A_117 = tpu.memref_slice %arg2[%add3A_24, %dma_start3A_116] : memref<10000x128xf32, #tpu.memory_space<hbm>> -> memref<128x128xf32, #tpu.memory_space<hbm>>
      %dma_start3A_118 = arith.constant 0 : i32
      %dma_start3A_119 = tpu.memref_slice %arg2[%add3A_24, %dma_start3A_118] : memref<10000x128xf32, #tpu.memory_space<hbm>> -> memref<128x128xf32, #tpu.memory_space<hbm>>
      tpu.enqueue_dma source(%dma_start3A_119 : memref<128x128xf32, #tpu.memory_space<hbm>>) target(%arg6 : memref<128x128xf32, #tpu.memory_space<vmem>>) target_semaphore(%run_scoped3A : memref<!tpu.dma_semaphore, #tpu.memory_space<semaphore_mem>>)
      %dma_wait3A_120 = arith.constant 0 : i32
      %dma_wait3A_121 = tpu.memref_slice %arg2[%add3A_24, %dma_wait3A_120] : memref<10000x128xf32, #tpu.memory_space<hbm>> -> memref<128x128xf32, #tpu.memory_space<hbm>>
      %dma_wait3A_122 = arith.constant 0 : i32
      %dma_wait3A_123 = tpu.memref_slice %arg2[%add3A_24, %dma_wait3A_122] : memref<10000x128xf32, #tpu.memory_space<hbm>> -> memref<128x128xf32, #tpu.memory_space<hbm>>
      tpu.wait_dma2 semaphore(%run_scoped3A : memref<!tpu.dma_semaphore, #tpu.memory_space<semaphore_mem>>) src(%dma_wait3A_123 : memref<128x128xf32, #tpu.memory_space<hbm>>) dst(%arg6 : memref<128x128xf32, #tpu.memory_space<vmem>>)
      tpu.yield
    }) : () -> ()
    %dma_start3A_30 = arith.constant 0 : i32
    %dma_start3A_31 = tpu.memref_slice %arg13[%add3A_24, %dma_start3A_30] : memref<10240x128xf32, #tpu.memory_space<vmem_shared>> -> memref<128x128xf32, #tpu.memory_space<vmem_shared>>
    %dma_start3A_32 = arith.constant 0 : i32
    %dma_start3A_33 = tpu.memref_slice %arg13[%add3A_24, %dma_start3A_32] : memref<10240x128xf32, #tpu.memory_space<vmem_shared>> -> memref<128x128xf32, #tpu.memory_space<vmem_shared>>
    tpu.enqueue_dma source(%arg6 : memref<128x128xf32, #tpu.memory_space<vmem>>) target(%dma_start3A_33 : memref<128x128xf32, #tpu.memory_space<vmem_shared>>) target_semaphore(%arg8 : memref<!tpu.dma_semaphore, #tpu.memory_space<semaphore_mem>>)
    %add3A_34 = arith.constant 384 : i32
    %add3A_35 = arith.addi %multiple_of3A, %add3A_34 : i32
    %add3A_36 = arith.constant 128 : i32
    %add3A_37 = arith.addi %multiple_of3A, %add3A_36 : i32
    %dma_wait3A_38 = arith.constant 0 : i32
    %dma_wait3A_39 = tpu.memref_slice %arg13[%add3A_37, %dma_wait3A_38] : memref<10240x128xf32, #tpu.memory_space<vmem_shared>> -> memref<128x128xf32, #tpu.memory_space<vmem_shared>>
    %dma_wait3A_40 = arith.constant 0 : i32
    %dma_wait3A_41 = tpu.memref_slice %arg13[%add3A_37, %dma_wait3A_40] : memref<10240x128xf32, #tpu.memory_space<vmem_shared>> -> memref<128x128xf32, #tpu.memory_space<vmem_shared>>
    tpu.wait_dma2 semaphore(%arg9 : memref<!tpu.dma_semaphore, #tpu.memory_space<semaphore_mem>>) src(%arg7 : memref<128x128xf32, #tpu.memory_space<vmem>>) dst(%dma_wait3A_41 : memref<128x128xf32, #tpu.memory_space<vmem_shared>>)
    "tpu.region"() ({
      %run_scoped3A = tpu.sem_alloc : memref<!tpu.dma_semaphore, #tpu.memory_space<semaphore_mem>>
      %dma_start3A_116 = arith.constant 0 : i32
      %dma_start3A_117 = tpu.memref_slice %arg2[%add3A_35, %dma_start3A_116] : memref<10000x128xf32, #tpu.memory_space<hbm>> -> memref<128x128xf32, #tpu.memory_space<hbm>>
      %dma_start3A_118 = arith.constant 0 : i32
      %dma_start3A_119 = tpu.memref_slice %arg2[%add3A_35, %dma_start3A_118] : memref<10000x128xf32, #tpu.memory_space<hbm>> -> memref<128x128xf32, #tpu.memory_space<hbm>>
      tpu.enqueue_dma source(%dma_start3A_119 : memref<128x128xf32, #tpu.memory_space<hbm>>) target(%arg7 : memref<128x128xf32, #tpu.memory_space<vmem>>) target_semaphore(%run_scoped3A : memref<!tpu.dma_semaphore, #tpu.memory_space<semaphore_mem>>)
      %dma_wait3A_120 = arith.constant 0 : i32
      %dma_wait3A_121 = tpu.memref_slice %arg2[%add3A_35, %dma_wait3A_120] : memref<10000x128xf32, #tpu.memory_space<hbm>> -> memref<128x128xf32, #tpu.memory_space<hbm>>
      %dma_wait3A_122 = arith.constant 0 : i32
      %dma_wait3A_123 = tpu.memref_slice %arg2[%add3A_35, %dma_wait3A_122] : memref<10000x128xf32, #tpu.memory_space<hbm>> -> memref<128x128xf32, #tpu.memory_space<hbm>>
      tpu.wait_dma2 semaphore(%run_scoped3A : memref<!tpu.dma_semaphore, #tpu.memory_space<semaphore_mem>>) src(%dma_wait3A_123 : memref<128x128xf32, #tpu.memory_space<hbm>>) dst(%arg7 : memref<128x128xf32, #tpu.memory_space<vmem>>)
      tpu.yield
    }) : () -> ()
    %dma_start3A_42 = arith.constant 0 : i32
    %dma_start3A_43 = tpu.memref_slice %arg13[%add3A_35, %dma_start3A_42] : memref<10240x128xf32, #tpu.memory_space<vmem_shared>> -> memref<128x128xf32, #tpu.memory_space<vmem_shared>>
    %dma_start3A_44 = arith.constant 0 : i32
    %dma_start3A_45 = tpu.memref_slice %arg13[%add3A_35, %dma_start3A_44] : memref<10240x128xf32, #tpu.memory_space<vmem_shared>> -> memref<128x128xf32, #tpu.memory_space<vmem_shared>>
    tpu.enqueue_dma source(%arg7 : memref<128x128xf32, #tpu.memory_space<vmem>>) target(%dma_start3A_45 : memref<128x128xf32, #tpu.memory_space<vmem_shared>>) target_semaphore(%arg9 : memref<!tpu.dma_semaphore, #tpu.memory_space<semaphore_mem>>)
    %add3A_46 = arith.constant 512 : i32
    %add3A_47 = arith.addi %multiple_of3A, %add3A_46 : i32
    %add3A_48 = arith.constant 256 : i32
    %add3A_49 = arith.addi %multiple_of3A, %add3A_48 : i32
    %dma_wait3A_50 = arith.constant 0 : i32
    %dma_wait3A_51 = tpu.memref_slice %arg13[%add3A_49, %dma_wait3A_50] : memref<10240x128xf32, #tpu.memory_space<vmem_shared>> -> memref<128x128xf32, #tpu.memory_space<vmem_shared>>
    %dma_wait3A_52 = arith.constant 0 : i32
    %dma_wait3A_53 = tpu.memref_slice %arg13[%add3A_49, %dma_wait3A_52] : memref<10240x128xf32, #tpu.memory_space<vmem_shared>> -> memref<128x128xf32, #tpu.memory_space<vmem_shared>>
    tpu.wait_dma2 semaphore(%arg8 : memref<!tpu.dma_semaphore, #tpu.memory_space<semaphore_mem>>) src(%arg6 : memref<128x128xf32, #tpu.memory_space<vmem>>) dst(%dma_wait3A_53 : memref<128x128xf32, #tpu.memory_space<vmem_shared>>)
    "tpu.region"() ({
      %run_scoped3A = tpu.sem_alloc : memref<!tpu.dma_semaphore, #tpu.memory_space<semaphore_mem>>
      %dma_start3A_116 = arith.constant 0 : i32
      %dma_start3A_117 = tpu.memref_slice %arg2[%add3A_47, %dma_start3A_116] : memref<10000x128xf32, #tpu.memory_space<hbm>> -> memref<128x128xf32, #tpu.memory_space<hbm>>
      %dma_start3A_118 = arith.constant 0 : i32
      %dma_start3A_119 = tpu.memref_slice %arg2[%add3A_47, %dma_start3A_118] : memref<10000x128xf32, #tpu.memory_space<hbm>> -> memref<128x128xf32, #tpu.memory_space<hbm>>
      tpu.enqueue_dma source(%dma_start3A_119 : memref<128x128xf32, #tpu.memory_space<hbm>>) target(%arg6 : memref<128x128xf32, #tpu.memory_space<vmem>>) target_semaphore(%run_scoped3A : memref<!tpu.dma_semaphore, #tpu.memory_space<semaphore_mem>>)
      %dma_wait3A_120 = arith.constant 0 : i32
      %dma_wait3A_121 = tpu.memref_slice %arg2[%add3A_47, %dma_wait3A_120] : memref<10000x128xf32, #tpu.memory_space<hbm>> -> memref<128x128xf32, #tpu.memory_space<hbm>>
      %dma_wait3A_122 = arith.constant 0 : i32
      %dma_wait3A_123 = tpu.memref_slice %arg2[%add3A_47, %dma_wait3A_122] : memref<10000x128xf32, #tpu.memory_space<hbm>> -> memref<128x128xf32, #tpu.memory_space<hbm>>
      tpu.wait_dma2 semaphore(%run_scoped3A : memref<!tpu.dma_semaphore, #tpu.memory_space<semaphore_mem>>) src(%dma_wait3A_123 : memref<128x128xf32, #tpu.memory_space<hbm>>) dst(%arg6 : memref<128x128xf32, #tpu.memory_space<vmem>>)
      tpu.yield
    }) : () -> ()
    %dma_start3A_54 = arith.constant 0 : i32
    %dma_start3A_55 = tpu.memref_slice %arg13[%add3A_47, %dma_start3A_54] : memref<10240x128xf32, #tpu.memory_space<vmem_shared>> -> memref<128x128xf32, #tpu.memory_space<vmem_shared>>
    %dma_start3A_56 = arith.constant 0 : i32
    %dma_start3A_57 = tpu.memref_slice %arg13[%add3A_47, %dma_start3A_56] : memref<10240x128xf32, #tpu.memory_space<vmem_shared>> -> memref<128x128xf32, #tpu.memory_space<vmem_shared>>
    tpu.enqueue_dma source(%arg6 : memref<128x128xf32, #tpu.memory_space<vmem>>) target(%dma_start3A_57 : memref<128x128xf32, #tpu.memory_space<vmem_shared>>) target_semaphore(%arg8 : memref<!tpu.dma_semaphore, #tpu.memory_space<semaphore_mem>>)
    %add3A_58 = arith.constant 384 : i32
    %add3A_59 = arith.addi %multiple_of3A, %add3A_58 : i32
    %dma_wait3A_60 = arith.constant 0 : i32
    %dma_wait3A_61 = tpu.memref_slice %arg13[%add3A_59, %dma_wait3A_60] : memref<10240x128xf32, #tpu.memory_space<vmem_shared>> -> memref<128x128xf32, #tpu.memory_space<vmem_shared>>
    %dma_wait3A_62 = arith.constant 0 : i32
    %dma_wait3A_63 = tpu.memref_slice %arg13[%add3A_59, %dma_wait3A_62] : memref<10240x128xf32, #tpu.memory_space<vmem_shared>> -> memref<128x128xf32, #tpu.memory_space<vmem_shared>>
    tpu.wait_dma2 semaphore(%arg9 : memref<!tpu.dma_semaphore, #tpu.memory_space<semaphore_mem>>) src(%arg7 : memref<128x128xf32, #tpu.memory_space<vmem>>) dst(%dma_wait3A_63 : memref<128x128xf32, #tpu.memory_space<vmem_shared>>)
    %add3A_64 = arith.constant 512 : i32
    %add3A_65 = arith.addi %multiple_of3A, %add3A_64 : i32
    %dma_wait3A_66 = arith.constant 0 : i32
    %dma_wait3A_67 = tpu.memref_slice %arg13[%add3A_65, %dma_wait3A_66] : memref<10240x128xf32, #tpu.memory_space<vmem_shared>> -> memref<128x128xf32, #tpu.memory_space<vmem_shared>>
    %dma_wait3A_68 = arith.constant 0 : i32
    %dma_wait3A_69 = tpu.memref_slice %arg13[%add3A_65, %dma_wait3A_68] : memref<10240x128xf32, #tpu.memory_space<vmem_shared>> -> memref<128x128xf32, #tpu.memory_space<vmem_shared>>
    tpu.wait_dma2 semaphore(%arg8 : memref<!tpu.dma_semaphore, #tpu.memory_space<semaphore_mem>>) src(%arg6 : memref<128x128xf32, #tpu.memory_space<vmem>>) dst(%dma_wait3A_69 : memref<128x128xf32, #tpu.memory_space<vmem_shared>>)
    %dma_wait3A_70 = arith.constant 0 : i32
    %dma_wait3A_71 = arith.constant 0 : i32
    %dma_wait3A_72 = tpu.memref_slice %arg3[%add3A, %dma_wait3A_70, %dma_wait3A_71] : memref<32x80x128xi32, #tpu.memory_space<hbm>> -> memref<1x80x128xi32, #tpu.memory_space<hbm>>
    %dma_wait3A_73 = tpu.memref_squeeze %dma_wait3A_72 : memref<1x80x128xi32, #tpu.memory_space<hbm>> -> memref<80x128xi32, #tpu.memory_space<hbm>>
    %dma_wait3A_74 = arith.constant 0 : i32
    %dma_wait3A_75 = arith.constant 0 : i32
    %dma_wait3A_76 = tpu.memref_slice %arg3[%add3A, %dma_wait3A_74, %dma_wait3A_75] : memref<32x80x128xi32, #tpu.memory_space<hbm>> -> memref<1x80x128xi32, #tpu.memory_space<hbm>>
    %dma_wait3A_77 = tpu.memref_squeeze %dma_wait3A_76 : memref<1x80x128xi32, #tpu.memory_space<hbm>> -> memref<80x128xi32, #tpu.memory_space<hbm>>
    tpu.wait_dma2 semaphore(%arg12 : memref<!tpu.dma_semaphore, #tpu.memory_space<semaphore_mem>>) src(%dma_wait3A_77 : memref<80x128xi32, #tpu.memory_space<hbm>>) dst(%arg5 : memref<80x128xi32, #tpu.memory_space<vmem>>)
    %barrier3A = arith.constant 0 : index
    tpu.barrier barrier_id(%barrier3A)
    %dma_start3A_78 = arith.constant 0 : i32
    %dma_start3A_79 = arith.constant 0 : i32
    %dma_start3A_80 = tpu.memref_slice %arg5[%dma_start3A_78, %dma_start3A_79] : memref<80x128xi32, #tpu.memory_space<vmem>> -> memref<1x128xi32, #tpu.memory_space<vmem>>
    %dma_start3A_81 = tpu.memref_squeeze %dma_start3A_80 : memref<1x128xi32, #tpu.memory_space<vmem>> -> memref<128xi32, #tpu.memory_space<vmem>>
    %dma_start3A_82 = arith.constant 0 : i32
    %dma_start3A_83 = arith.constant 0 : i32
    %dma_start3A_84 = tpu.memref_slice %arg13[%dma_start3A_82, %dma_start3A_83] : memref<10240x128xf32, #tpu.memory_space<vmem_shared>> -> memref<10240x128xf32, #tpu.memory_space<vmem_shared>>
    tpu.enqueue_indirect_dma source(%dma_start3A_84 : memref<10240x128xf32, #tpu.memory_space<vmem_shared>>) target(%arg6 : memref<128x128xf32, #tpu.memory_space<vmem>>) offsets(%dma_start3A_81 : memref<128xi32, #tpu.memory_space<vmem>>) semaphore(%arg8 : memref<!tpu.dma_semaphore, #tpu.memory_space<semaphore_mem>>)
    %dma_start3A_85 = arith.constant 1 : i32
    %dma_start3A_86 = arith.constant 0 : i32
    %dma_start3A_87 = tpu.memref_slice %arg5[%dma_start3A_85, %dma_start3A_86] : memref<80x128xi32, #tpu.memory_space<vmem>> -> memref<1x128xi32, #tpu.memory_space<vmem>>
    %dma_start3A_88 = tpu.memref_squeeze %dma_start3A_87 : memref<1x128xi32, #tpu.memory_space<vmem>> -> memref<128xi32, #tpu.memory_space<vmem>>
    %dma_start3A_89 = arith.constant 0 : i32
    %dma_start3A_90 = arith.constant 0 : i32
    %dma_start3A_91 = tpu.memref_slice %arg13[%dma_start3A_89, %dma_start3A_90] : memref<10240x128xf32, #tpu.memory_space<vmem_shared>> -> memref<10240x128xf32, #tpu.memory_space<vmem_shared>>
    tpu.enqueue_indirect_dma source(%dma_start3A_91 : memref<10240x128xf32, #tpu.memory_space<vmem_shared>>) target(%arg7 : memref<128x128xf32, #tpu.memory_space<vmem>>) offsets(%dma_start3A_88 : memref<128xi32, #tpu.memory_space<vmem>>) semaphore(%arg9 : memref<!tpu.dma_semaphore, #tpu.memory_space<semaphore_mem>>)
    %scan3A = arith.constant 0 : i32
    %scan3A_92 = arith.constant 40 : i32
    %scan3A_93 = arith.addi %scan3A, %scan3A_92 : i32
    %scan3A_94 = arith.constant 1 : i32
    scf.for %scan3A_116 = %scan3A to %scan3A_93 step %scan3A_94  : i32 {
      %mul3A_117 = arith.constant 2 : i32
      %mul3A_118 = arith.muli %scan3A_116, %mul3A_117 : i32
      %add3A_119 = arith.constant 0 : i32
      %add3A_120 = arith.addi %add3A_119, %mul3A_118 : i32
      %add3A_121 = arith.constant 0 : i32
      %add3A_122 = arith.addi %add3A_120, %add3A_121 : i32
      %dma_wait3A_123 = arith.constant 0 : i32
      %dma_wait3A_124 = tpu.memref_slice %arg5[%add3A_122, %dma_wait3A_123] : memref<80x128xi32, #tpu.memory_space<vmem>> -> memref<1x128xi32, #tpu.memory_space<vmem>>
      %dma_wait3A_125 = tpu.memref_squeeze %dma_wait3A_124 : memref<1x128xi32, #tpu.memory_space<vmem>> -> memref<128xi32, #tpu.memory_space<vmem>>
      %dma_wait3A_126 = arith.constant 0 : i32
      %dma_wait3A_127 = arith.constant 0 : i32
      %dma_wait3A_128 = tpu.memref_slice %arg13[%dma_wait3A_126, %dma_wait3A_127] : memref<10240x128xf32, #tpu.memory_space<vmem_shared>> -> memref<10240x128xf32, #tpu.memory_space<vmem_shared>>
      tpu.wait_indirect_dma semaphore(%arg8 : memref<!tpu.dma_semaphore, #tpu.memory_space<semaphore_mem>>) src(%dma_wait3A_128 : memref<10240x128xf32, #tpu.memory_space<vmem_shared>>) dst(%arg6 : memref<128x128xf32, #tpu.memory_space<vmem>>)
      %mul3A_129 = arith.constant 80 : i32
      %mul3A_130 = arith.muli %add3A, %mul3A_129 : i32
      %add3A_131 = arith.addi %mul3A_130, %add3A_122 : i32
      %mul3A_132 = arith.constant 128 : i32
      %mul3A_133 = arith.muli %add3A_131, %mul3A_132 : i32
      %dma_start3A_134 = arith.constant 0 : i32
      %dma_start3A_135 = tpu.memref_slice %arg4[%mul3A_133, %dma_start3A_134] : memref<327680x128xf32, #tpu.memory_space<hbm>> -> memref<128x128xf32, #tpu.memory_space<hbm>>
      %dma_start3A_136 = arith.constant 0 : i32
      %dma_start3A_137 = tpu.memref_slice %arg4[%mul3A_133, %dma_start3A_136] : memref<327680x128xf32, #tpu.memory_space<hbm>> -> memref<128x128xf32, #tpu.memory_space<hbm>>
      tpu.enqueue_dma source(%arg6 : memref<128x128xf32, #tpu.memory_space<vmem>>) target(%dma_start3A_137 : memref<128x128xf32, #tpu.memory_space<hbm>>) target_semaphore(%arg10 : memref<!tpu.dma_semaphore, #tpu.memory_space<semaphore_mem>>)
      %add3A_138 = arith.constant 2 : i32
      %add3A_139 = arith.addi %add3A_122, %add3A_138 : i32
      %lt3A = arith.constant 80 : i32
      %lt3A_140 = arith.cmpi slt, %add3A_139, %lt3A : i32
      %convert_element_type3A = arith.extui %lt3A_140 : i1 to i32
      %cond3A = arith.constant 0 : i32
      %cond3A_141 = arith.cmpi ne, %convert_element_type3A, %cond3A : i32
      scf.if %cond3A_141 {
        %mul3A_166 = arith.constant 80 : i32
        %mul3A_167 = arith.muli %add3A, %mul3A_166 : i32
        %add3A_168 = arith.addi %mul3A_167, %add3A_122 : i32
        %mul3A_169 = arith.constant 128 : i32
        %mul3A_170 = arith.muli %add3A_168, %mul3A_169 : i32
        %dma_wait3A_171 = arith.constant 0 : i32
        %dma_wait3A_172 = tpu.memref_slice %arg4[%mul3A_170, %dma_wait3A_171] : memref<327680x128xf32, #tpu.memory_space<hbm>> -> memref<128x128xf32, #tpu.memory_space<hbm>>
        %dma_wait3A_173 = arith.constant 0 : i32
        %dma_wait3A_174 = tpu.memref_slice %arg4[%mul3A_170, %dma_wait3A_173] : memref<327680x128xf32, #tpu.memory_space<hbm>> -> memref<128x128xf32, #tpu.memory_space<hbm>>
        tpu.wait_dma2 semaphore(%arg10 : memref<!tpu.dma_semaphore, #tpu.memory_space<semaphore_mem>>) src(%arg6 : memref<128x128xf32, #tpu.memory_space<vmem>>) dst(%dma_wait3A_174 : memref<128x128xf32, #tpu.memory_space<hbm>>)
        %add3A_175 = arith.constant 2 : i32
        %add3A_176 = arith.addi %add3A_122, %add3A_175 : i32
        %dma_start3A_177 = arith.constant 0 : i32
        %dma_start3A_178 = tpu.memref_slice %arg5[%add3A_176, %dma_start3A_177] : memref<80x128xi32, #tpu.memory_space<vmem>> -> memref<1x128xi32, #tpu.memory_space<vmem>>
        %dma_start3A_179 = tpu.memref_squeeze %dma_start3A_178 : memref<1x128xi32, #tpu.memory_space<vmem>> -> memref<128xi32, #tpu.memory_space<vmem>>
        %dma_start3A_180 = arith.constant 0 : i32
        %dma_start3A_181 = arith.constant 0 : i32
        %dma_start3A_182 = tpu.memref_slice %arg13[%dma_start3A_180, %dma_start3A_181] : memref<10240x128xf32, #tpu.memory_space<vmem_shared>> -> memref<10240x128xf32, #tpu.memory_space<vmem_shared>>
        tpu.enqueue_indirect_dma source(%dma_start3A_182 : memref<10240x128xf32, #tpu.memory_space<vmem_shared>>) target(%arg6 : memref<128x128xf32, #tpu.memory_space<vmem>>) offsets(%dma_start3A_179 : memref<128xi32, #tpu.memory_space<vmem>>) semaphore(%arg8 : memref<!tpu.dma_semaphore, #tpu.memory_space<semaphore_mem>>)
      } else {
      }
      %add3A_142 = arith.constant 1 : i32
      %add3A_143 = arith.addi %add3A_120, %add3A_142 : i32
      %dma_wait3A_144 = arith.constant 0 : i32
      %dma_wait3A_145 = tpu.memref_slice %arg5[%add3A_143, %dma_wait3A_144] : memref<80x128xi32, #tpu.memory_space<vmem>> -> memref<1x128xi32, #tpu.memory_space<vmem>>
      %dma_wait3A_146 = tpu.memref_squeeze %dma_wait3A_145 : memref<1x128xi32, #tpu.memory_space<vmem>> -> memref<128xi32, #tpu.memory_space<vmem>>
      %dma_wait3A_147 = arith.constant 0 : i32
      %dma_wait3A_148 = arith.constant 0 : i32
      %dma_wait3A_149 = tpu.memref_slice %arg13[%dma_wait3A_147, %dma_wait3A_148] : memref<10240x128xf32, #tpu.memory_space<vmem_shared>> -> memref<10240x128xf32, #tpu.memory_space<vmem_shared>>
      tpu.wait_indirect_dma semaphore(%arg9 : memref<!tpu.dma_semaphore, #tpu.memory_space<semaphore_mem>>) src(%dma_wait3A_149 : memref<10240x128xf32, #tpu.memory_space<vmem_shared>>) dst(%arg7 : memref<128x128xf32, #tpu.memory_space<vmem>>)
      %mul3A_150 = arith.constant 80 : i32
      %mul3A_151 = arith.muli %add3A, %mul3A_150 : i32
      %add3A_152 = arith.addi %mul3A_151, %add3A_143 : i32
      %mul3A_153 = arith.constant 128 : i32
      %mul3A_154 = arith.muli %add3A_152, %mul3A_153 : i32
      %dma_start3A_155 = arith.constant 0 : i32
      %dma_start3A_156 = tpu.memref_slice %arg4[%mul3A_154, %dma_start3A_155] : memref<327680x128xf32, #tpu.memory_space<hbm>> -> memref<128x128xf32, #tpu.memory_space<hbm>>
      %dma_start3A_157 = arith.constant 0 : i32
      %dma_start3A_158 = tpu.memref_slice %arg4[%mul3A_154, %dma_start3A_157] : memref<327680x128xf32, #tpu.memory_space<hbm>> -> memref<128x128xf32, #tpu.memory_space<hbm>>
      tpu.enqueue_dma source(%arg7 : memref<128x128xf32, #tpu.memory_space<vmem>>) target(%dma_start3A_158 : memref<128x128xf32, #tpu.memory_space<hbm>>) target_semaphore(%arg11 : memref<!tpu.dma_semaphore, #tpu.memory_space<semaphore_mem>>)
      %add3A_159 = arith.constant 2 : i32
      %add3A_160 = arith.addi %add3A_143, %add3A_159 : i32
      %lt3A_161 = arith.constant 80 : i32
      %lt3A_162 = arith.cmpi slt, %add3A_160, %lt3A_161 : i32
      %convert_element_type3A_163 = arith.extui %lt3A_162 : i1 to i32
      %cond3A_164 = arith.constant 0 : i32
      %cond3A_165 = arith.cmpi ne, %convert_element_type3A_163, %cond3A_164 : i32
      scf.if %cond3A_165 {
        %mul3A_166 = arith.constant 80 : i32
        %mul3A_167 = arith.muli %add3A, %mul3A_166 : i32
        %add3A_168 = arith.addi %mul3A_167, %add3A_143 : i32
        %mul3A_169 = arith.constant 128 : i32
        %mul3A_170 = arith.muli %add3A_168, %mul3A_169 : i32
        %dma_wait3A_171 = arith.constant 0 : i32
        %dma_wait3A_172 = tpu.memref_slice %arg4[%mul3A_170, %dma_wait3A_171] : memref<327680x128xf32, #tpu.memory_space<hbm>> -> memref<128x128xf32, #tpu.memory_space<hbm>>
        %dma_wait3A_173 = arith.constant 0 : i32
        %dma_wait3A_174 = tpu.memref_slice %arg4[%mul3A_170, %dma_wait3A_173] : memref<327680x128xf32, #tpu.memory_space<hbm>> -> memref<128x128xf32, #tpu.memory_space<hbm>>
        tpu.wait_dma2 semaphore(%arg11 : memref<!tpu.dma_semaphore, #tpu.memory_space<semaphore_mem>>) src(%arg7 : memref<128x128xf32, #tpu.memory_space<vmem>>) dst(%dma_wait3A_174 : memref<128x128xf32, #tpu.memory_space<hbm>>)
        %add3A_175 = arith.constant 2 : i32
        %add3A_176 = arith.addi %add3A_143, %add3A_175 : i32
        %dma_start3A_177 = arith.constant 0 : i32
        %dma_start3A_178 = tpu.memref_slice %arg5[%add3A_176, %dma_start3A_177] : memref<80x128xi32, #tpu.memory_space<vmem>> -> memref<1x128xi32, #tpu.memory_space<vmem>>
        %dma_start3A_179 = tpu.memref_squeeze %dma_start3A_178 : memref<1x128xi32, #tpu.memory_space<vmem>> -> memref<128xi32, #tpu.memory_space<vmem>>
        %dma_start3A_180 = arith.constant 0 : i32
        %dma_start3A_181 = arith.constant 0 : i32
        %dma_start3A_182 = tpu.memref_slice %arg13[%dma_start3A_180, %dma_start3A_181] : memref<10240x128xf32, #tpu.memory_space<vmem_shared>> -> memref<10240x128xf32, #tpu.memory_space<vmem_shared>>
        tpu.enqueue_indirect_dma source(%dma_start3A_182 : memref<10240x128xf32, #tpu.memory_space<vmem_shared>>) target(%arg7 : memref<128x128xf32, #tpu.memory_space<vmem>>) offsets(%dma_start3A_179 : memref<128xi32, #tpu.memory_space<vmem>>) semaphore(%arg9 : memref<!tpu.dma_semaphore, #tpu.memory_space<semaphore_mem>>)
      } else {
      }
    }
    %scan3A_95 = arith.constant 40 : i32
    %mul3A_96 = arith.constant 80 : i32
    %mul3A_97 = arith.muli %add3A, %mul3A_96 : i32
    %add3A_98 = arith.constant 78 : i32
    %add3A_99 = arith.addi %mul3A_97, %add3A_98 : i32
    %mul3A_100 = arith.constant 128 : i32
    %mul3A_101 = arith.muli %add3A_99, %mul3A_100 : i32
    %dma_wait3A_102 = arith.constant 0 : i32
    %dma_wait3A_103 = tpu.memref_slice %arg4[%mul3A_101, %dma_wait3A_102] : memref<327680x128xf32, #tpu.memory_space<hbm>> -> memref<128x128xf32, #tpu.memory_space<hbm>>
    %dma_wait3A_104 = arith.constant 0 : i32
    %dma_wait3A_105 = tpu.memref_slice %arg4[%mul3A_101, %dma_wait3A_104] : memref<327680x128xf32, #tpu.memory_space<hbm>> -> memref<128x128xf32, #tpu.memory_space<hbm>>
    tpu.wait_dma2 semaphore(%arg10 : memref<!tpu.dma_semaphore, #tpu.memory_space<semaphore_mem>>) src(%arg6 : memref<128x128xf32, #tpu.memory_space<vmem>>) dst(%dma_wait3A_105 : memref<128x128xf32, #tpu.memory_space<hbm>>)
    %mul3A_106 = arith.constant 80 : i32
    %mul3A_107 = arith.muli %add3A, %mul3A_106 : i32
    %add3A_108 = arith.constant 79 : i32
    %add3A_109 = arith.addi %mul3A_107, %add3A_108 : i32
    %mul3A_110 = arith.constant 128 : i32
    %mul3A_111 = arith.muli %add3A_109, %mul3A_110 : i32
    %dma_wait3A_112 = arith.constant 0 : i32
    %dma_wait3A_113 = tpu.memref_slice %arg4[%mul3A_111, %dma_wait3A_112] : memref<327680x128xf32, #tpu.memory_space<hbm>> -> memref<128x128xf32, #tpu.memory_space<hbm>>
    %dma_wait3A_114 = arith.constant 0 : i32
    %dma_wait3A_115 = tpu.memref_slice %arg4[%mul3A_111, %dma_wait3A_114] : memref<327680x128xf32, #tpu.memory_space<hbm>> -> memref<128x128xf32, #tpu.memory_space<hbm>>
    tpu.wait_dma2 semaphore(%arg11 : memref<!tpu.dma_semaphore, #tpu.memory_space<semaphore_mem>>) src(%arg7 : memref<128x128xf32, #tpu.memory_space<vmem>>) dst(%dma_wait3A_115 : memref<128x128xf32, #tpu.memory_space<hbm>>)
    return
  }
}

#map = affine_map<(d0, d1) -> (0, 0)>
#map1 = affine_map<(d0, d1) -> (0, 0, 0)>
module attributes {stable_mosaic.version = 14 : i64} {
  func.func @_sc_scat(%arg0: i32, %arg1: i32, %arg2: memref<327680x128xf32, #tpu.memory_space<hbm>>, %arg3: memref<32x80x128xi32, #tpu.memory_space<hbm>>, %arg4: memref<20480x128xf32, #tpu.memory_space<hbm>>, %arg5: memref<80x128xi32, #tpu.memory_space<vmem>>, %arg6: memref<128x128xf32, #tpu.memory_space<vmem>>, %arg7: memref<128x128xf32, #tpu.memory_space<vmem>>, %arg8: memref<!tpu.dma_semaphore, #tpu.memory_space<semaphore_mem>>, %arg9: memref<!tpu.dma_semaphore, #tpu.memory_space<semaphore_mem>>, %arg10: memref<!tpu.dma_semaphore, #tpu.memory_space<semaphore_mem>>, %arg11: memref<10240x128xf32, #tpu.memory_space<vmem_shared>>) attributes {dimension_semantics = [#tpu.dimension_semantics<core_parallel>, #tpu.dimension_semantics<subcore_parallel>], iteration_bounds = array<i64: 2, 16>, scalar_prefetch = 0 : i64, scratch_operands = 7 : i64, tpu.core_type = #tpu.core_type<sc_vector_subcore>, window_params = [{transform_indices = #map}, {transform_indices = #map1}, {transform_indices = #map}]} {
    %mul3A = arith.constant 2 : i32
    %mul3A_0 = arith.muli %arg1, %mul3A : i32
    %add3A = arith.addi %mul3A_0, %arg0 : i32
    %mul3A_1 = arith.constant 640 : i32
    %mul3A_2 = arith.muli %arg1, %mul3A_1 : i32
    %dma_start3A = arith.constant 0 : i32
    %dma_start3A_3 = arith.constant 0 : i32
    %dma_start3A_4 = tpu.memref_slice %arg3[%add3A, %dma_start3A, %dma_start3A_3] : memref<32x80x128xi32, #tpu.memory_space<hbm>> -> memref<1x80x128xi32, #tpu.memory_space<hbm>>
    %dma_start3A_5 = tpu.memref_squeeze %dma_start3A_4 : memref<1x80x128xi32, #tpu.memory_space<hbm>> -> memref<80x128xi32, #tpu.memory_space<hbm>>
    %dma_start3A_6 = arith.constant 0 : i32
    %dma_start3A_7 = arith.constant 0 : i32
    %dma_start3A_8 = tpu.memref_slice %arg3[%add3A, %dma_start3A_6, %dma_start3A_7] : memref<32x80x128xi32, #tpu.memory_space<hbm>> -> memref<1x80x128xi32, #tpu.memory_space<hbm>>
    %dma_start3A_9 = tpu.memref_squeeze %dma_start3A_8 : memref<1x80x128xi32, #tpu.memory_space<hbm>> -> memref<80x128xi32, #tpu.memory_space<hbm>>
    tpu.enqueue_dma source(%dma_start3A_9 : memref<80x128xi32, #tpu.memory_space<hbm>>) target(%arg5 : memref<80x128xi32, #tpu.memory_space<vmem>>) target_semaphore(%arg10 : memref<!tpu.dma_semaphore, #tpu.memory_space<semaphore_mem>>)
    %scan3A = arith.constant 0 : i32
    %scan3A_10 = arith.constant 128 : i32
    %scan3A_11 = arith.addi %scan3A, %scan3A_10 : i32
    %scan3A_12 = arith.constant 1 : i32
    scf.for %scan3A_207 = %scan3A to %scan3A_11 step %scan3A_12  : i32 {
      %mul3A_208 = arith.constant 1 : i32
      %mul3A_209 = arith.muli %scan3A_207, %mul3A_208 : i32
      %add3A_210 = arith.constant 0 : i32
      %add3A_211 = arith.addi %add3A_210, %mul3A_209 : i32
      %broadcast_in_dim3A = arith.constant 0.000000e+00 : f32
      %broadcast_in_dim3A_212 = vector.broadcast %broadcast_in_dim3A : f32 to vector<16xf32>
      %swap3A = arith.index_cast %add3A_211 : i32 to index
      %swap3A_213 = arith.constant 0 : index
      %swap3A_214 = tpu.vector_load %arg6[%swap3A, %swap3A_213] {strides = array<i32>} : memref<128x128xf32, #tpu.memory_space<vmem>>, vector<1x16xf32>,
      %swap3A_215 = vector.shape_cast %swap3A_214 : vector<1x16xf32> to vector<16xf32>
      %swap3A_216 = vector.shape_cast %broadcast_in_dim3A_212 : vector<16xf32> to vector<1x16xf32>
      tpu.vector_store %arg6[%swap3A, %swap3A_213], %swap3A_216 {strides = array<i32>} : memref<128x128xf32, #tpu.memory_space<vmem>>, vector<1x16xf32>,
      %broadcast_in_dim3A_217 = arith.constant 0.000000e+00 : f32
      %broadcast_in_dim3A_218 = vector.broadcast %broadcast_in_dim3A_217 : f32 to vector<16xf32>
      %swap3A_219 = arith.index_cast %add3A_211 : i32 to index
      %swap3A_220 = arith.constant 16 : index
      %swap3A_221 = tpu.vector_load %arg6[%swap3A_219, %swap3A_220] {strides = array<i32>} : memref<128x128xf32, #tpu.memory_space<vmem>>, vector<1x16xf32>,
      %swap3A_222 = vector.shape_cast %swap3A_221 : vector<1x16xf32> to vector<16xf32>
      %swap3A_223 = vector.shape_cast %broadcast_in_dim3A_218 : vector<16xf32> to vector<1x16xf32>
      tpu.vector_store %arg6[%swap3A_219, %swap3A_220], %swap3A_223 {strides = array<i32>} : memref<128x128xf32, #tpu.memory_space<vmem>>, vector<1x16xf32>,
      %broadcast_in_dim3A_224 = arith.constant 0.000000e+00 : f32
      %broadcast_in_dim3A_225 = vector.broadcast %broadcast_in_dim3A_224 : f32 to vector<16xf32>
      %swap3A_226 = arith.index_cast %add3A_211 : i32 to index
      %swap3A_227 = arith.constant 32 : index
      %swap3A_228 = tpu.vector_load %arg6[%swap3A_226, %swap3A_227] {strides = array<i32>} : memref<128x128xf32, #tpu.memory_space<vmem>>, vector<1x16xf32>,
      %swap3A_229 = vector.shape_cast %swap3A_228 : vector<1x16xf32> to vector<16xf32>
      %swap3A_230 = vector.shape_cast %broadcast_in_dim3A_225 : vector<16xf32> to vector<1x16xf32>
      tpu.vector_store %arg6[%swap3A_226, %swap3A_227], %swap3A_230 {strides = array<i32>} : memref<128x128xf32, #tpu.memory_space<vmem>>, vector<1x16xf32>,
      %broadcast_in_dim3A_231 = arith.constant 0.000000e+00 : f32
      %broadcast_in_dim3A_232 = vector.broadcast %broadcast_in_dim3A_231 : f32 to vector<16xf32>
      %swap3A_233 = arith.index_cast %add3A_211 : i32 to index
      %swap3A_234 = arith.constant 48 : index
      %swap3A_235 = tpu.vector_load %arg6[%swap3A_233, %swap3A_234] {strides = array<i32>} : memref<128x128xf32, #tpu.memory_space<vmem>>, vector<1x16xf32>,
      %swap3A_236 = vector.shape_cast %swap3A_235 : vector<1x16xf32> to vector<16xf32>
      %swap3A_237 = vector.shape_cast %broadcast_in_dim3A_232 : vector<16xf32> to vector<1x16xf32>
      tpu.vector_store %arg6[%swap3A_233, %swap3A_234], %swap3A_237 {strides = array<i32>} : memref<128x128xf32, #tpu.memory_space<vmem>>, vector<1x16xf32>,
      %broadcast_in_dim3A_238 = arith.constant 0.000000e+00 : f32
      %broadcast_in_dim3A_239 = vector.broadcast %broadcast_in_dim3A_238 : f32 to vector<16xf32>
      %swap3A_240 = arith.index_cast %add3A_211 : i32 to index
      %swap3A_241 = arith.constant 64 : index
      %swap3A_242 = tpu.vector_load %arg6[%swap3A_240, %swap3A_241] {strides = array<i32>} : memref<128x128xf32, #tpu.memory_space<vmem>>, vector<1x16xf32>,
      %swap3A_243 = vector.shape_cast %swap3A_242 : vector<1x16xf32> to vector<16xf32>
      %swap3A_244 = vector.shape_cast %broadcast_in_dim3A_239 : vector<16xf32> to vector<1x16xf32>
      tpu.vector_store %arg6[%swap3A_240, %swap3A_241], %swap3A_244 {strides = array<i32>} : memref<128x128xf32, #tpu.memory_space<vmem>>, vector<1x16xf32>,
      %broadcast_in_dim3A_245 = arith.constant 0.000000e+00 : f32
      %broadcast_in_dim3A_246 = vector.broadcast %broadcast_in_dim3A_245 : f32 to vector<16xf32>
      %swap3A_247 = arith.index_cast %add3A_211 : i32 to index
      %swap3A_248 = arith.constant 80 : index
      %swap3A_249 = tpu.vector_load %arg6[%swap3A_247, %swap3A_248] {strides = array<i32>} : memref<128x128xf32, #tpu.memory_space<vmem>>, vector<1x16xf32>,
      %swap3A_250 = vector.shape_cast %swap3A_249 : vector<1x16xf32> to vector<16xf32>
      %swap3A_251 = vector.shape_cast %broadcast_in_dim3A_246 : vector<16xf32> to vector<1x16xf32>
      tpu.vector_store %arg6[%swap3A_247, %swap3A_248], %swap3A_251 {strides = array<i32>} : memref<128x128xf32, #tpu.memory_space<vmem>>, vector<1x16xf32>,
      %broadcast_in_dim3A_252 = arith.constant 0.000000e+00 : f32
      %broadcast_in_dim3A_253 = vector.broadcast %broadcast_in_dim3A_252 : f32 to vector<16xf32>
      %swap3A_254 = arith.index_cast %add3A_211 : i32 to index
      %swap3A_255 = arith.constant 96 : index
      %swap3A_256 = tpu.vector_load %arg6[%swap3A_254, %swap3A_255] {strides = array<i32>} : memref<128x128xf32, #tpu.memory_space<vmem>>, vector<1x16xf32>,
      %swap3A_257 = vector.shape_cast %swap3A_256 : vector<1x16xf32> to vector<16xf32>
      %swap3A_258 = vector.shape_cast %broadcast_in_dim3A_253 : vector<16xf32> to vector<1x16xf32>
      tpu.vector_store %arg6[%swap3A_254, %swap3A_255], %swap3A_258 {strides = array<i32>} : memref<128x128xf32, #tpu.memory_space<vmem>>, vector<1x16xf32>,
      %broadcast_in_dim3A_259 = arith.constant 0.000000e+00 : f32
      %broadcast_in_dim3A_260 = vector.broadcast %broadcast_in_dim3A_259 : f32 to vector<16xf32>
      %swap3A_261 = arith.index_cast %add3A_211 : i32 to index
      %swap3A_262 = arith.constant 112 : index
      %swap3A_263 = tpu.vector_load %arg6[%swap3A_261, %swap3A_262] {strides = array<i32>} : memref<128x128xf32, #tpu.memory_space<vmem>>, vector<1x16xf32>,
      %swap3A_264 = vector.shape_cast %swap3A_263 : vector<1x16xf32> to vector<16xf32>
      %swap3A_265 = vector.shape_cast %broadcast_in_dim3A_260 : vector<16xf32> to vector<1x16xf32>
      tpu.vector_store %arg6[%swap3A_261, %swap3A_262], %swap3A_265 {strides = array<i32>} : memref<128x128xf32, #tpu.memory_space<vmem>>, vector<1x16xf32>,
    }
    %scan3A_13 = arith.constant 128 : i32
    %add3A_14 = arith.constant 0 : i32
    %add3A_15 = arith.addi %mul3A_2, %add3A_14 : i32
    %dma_start3A_16 = arith.constant 0 : i32
    %dma_start3A_17 = tpu.memref_slice %arg11[%add3A_15, %dma_start3A_16] : memref<10240x128xf32, #tpu.memory_space<vmem_shared>> -> memref<128x128xf32, #tpu.memory_space<vmem_shared>>
    %dma_start3A_18 = arith.constant 0 : i32
    %dma_start3A_19 = tpu.memref_slice %arg11[%add3A_15, %dma_start3A_18] : memref<10240x128xf32, #tpu.memory_space<vmem_shared>> -> memref<128x128xf32, #tpu.memory_space<vmem_shared>>
    tpu.enqueue_dma source(%arg6 : memref<128x128xf32, #tpu.memory_space<vmem>>) target(%dma_start3A_19 : memref<128x128xf32, #tpu.memory_space<vmem_shared>>) target_semaphore(%arg10 : memref<!tpu.dma_semaphore, #tpu.memory_space<semaphore_mem>>)
    %add3A_20 = arith.constant 128 : i32
    %add3A_21 = arith.addi %mul3A_2, %add3A_20 : i32
    %dma_start3A_22 = arith.constant 0 : i32
    %dma_start3A_23 = tpu.memref_slice %arg11[%add3A_21, %dma_start3A_22] : memref<10240x128xf32, #tpu.memory_space<vmem_shared>> -> memref<128x128xf32, #tpu.memory_space<vmem_shared>>
    %dma_start3A_24 = arith.constant 0 : i32
    %dma_start3A_25 = tpu.memref_slice %arg11[%add3A_21, %dma_start3A_24] : memref<10240x128xf32, #tpu.memory_space<vmem_shared>> -> memref<128x128xf32, #tpu.memory_space<vmem_shared>>
    tpu.enqueue_dma source(%arg6 : memref<128x128xf32, #tpu.memory_space<vmem>>) target(%dma_start3A_25 : memref<128x128xf32, #tpu.memory_space<vmem_shared>>) target_semaphore(%arg10 : memref<!tpu.dma_semaphore, #tpu.memory_space<semaphore_mem>>)
    %add3A_26 = arith.constant 256 : i32
    %add3A_27 = arith.addi %mul3A_2, %add3A_26 : i32
    %dma_start3A_28 = arith.constant 0 : i32
    %dma_start3A_29 = tpu.memref_slice %arg11[%add3A_27, %dma_start3A_28] : memref<10240x128xf32, #tpu.memory_space<vmem_shared>> -> memref<128x128xf32, #tpu.memory_space<vmem_shared>>
    %dma_start3A_30 = arith.constant 0 : i32
    %dma_start3A_31 = tpu.memref_slice %arg11[%add3A_27, %dma_start3A_30] : memref<10240x128xf32, #tpu.memory_space<vmem_shared>> -> memref<128x128xf32, #tpu.memory_space<vmem_shared>>
    tpu.enqueue_dma source(%arg6 : memref<128x128xf32, #tpu.memory_space<vmem>>) target(%dma_start3A_31 : memref<128x128xf32, #tpu.memory_space<vmem_shared>>) target_semaphore(%arg10 : memref<!tpu.dma_semaphore, #tpu.memory_space<semaphore_mem>>)
    %add3A_32 = arith.constant 384 : i32
    %add3A_33 = arith.addi %mul3A_2, %add3A_32 : i32
    %dma_start3A_34 = arith.constant 0 : i32
    %dma_start3A_35 = tpu.memref_slice %arg11[%add3A_33, %dma_start3A_34] : memref<10240x128xf32, #tpu.memory_space<vmem_shared>> -> memref<128x128xf32, #tpu.memory_space<vmem_shared>>
    %dma_start3A_36 = arith.constant 0 : i32
    %dma_start3A_37 = tpu.memref_slice %arg11[%add3A_33, %dma_start3A_36] : memref<10240x128xf32, #tpu.memory_space<vmem_shared>> -> memref<128x128xf32, #tpu.memory_space<vmem_shared>>
    tpu.enqueue_dma source(%arg6 : memref<128x128xf32, #tpu.memory_space<vmem>>) target(%dma_start3A_37 : memref<128x128xf32, #tpu.memory_space<vmem_shared>>) target_semaphore(%arg10 : memref<!tpu.dma_semaphore, #tpu.memory_space<semaphore_mem>>)
    %add3A_38 = arith.constant 512 : i32
    %add3A_39 = arith.addi %mul3A_2, %add3A_38 : i32
    %dma_start3A_40 = arith.constant 0 : i32
    %dma_start3A_41 = tpu.memref_slice %arg11[%add3A_39, %dma_start3A_40] : memref<10240x128xf32, #tpu.memory_space<vmem_shared>> -> memref<128x128xf32, #tpu.memory_space<vmem_shared>>
    %dma_start3A_42 = arith.constant 0 : i32
    %dma_start3A_43 = tpu.memref_slice %arg11[%add3A_39, %dma_start3A_42] : memref<10240x128xf32, #tpu.memory_space<vmem_shared>> -> memref<128x128xf32, #tpu.memory_space<vmem_shared>>
    tpu.enqueue_dma source(%arg6 : memref<128x128xf32, #tpu.memory_space<vmem>>) target(%dma_start3A_43 : memref<128x128xf32, #tpu.memory_space<vmem_shared>>) target_semaphore(%arg10 : memref<!tpu.dma_semaphore, #tpu.memory_space<semaphore_mem>>)
    %add3A_44 = arith.constant 0 : i32
    %add3A_45 = arith.addi %mul3A_2, %add3A_44 : i32
    %dma_wait3A = arith.constant 0 : i32
    %dma_wait3A_46 = tpu.memref_slice %arg11[%add3A_45, %dma_wait3A] : memref<10240x128xf32, #tpu.memory_space<vmem_shared>> -> memref<128x128xf32, #tpu.memory_space<vmem_shared>>
    %dma_wait3A_47 = arith.constant 0 : i32
    %dma_wait3A_48 = tpu.memref_slice %arg11[%add3A_45, %dma_wait3A_47] : memref<10240x128xf32, #tpu.memory_space<vmem_shared>> -> memref<128x128xf32, #tpu.memory_space<vmem_shared>>
    tpu.wait_dma2 semaphore(%arg10 : memref<!tpu.dma_semaphore, #tpu.memory_space<semaphore_mem>>) src(%arg6 : memref<128x128xf32, #tpu.memory_space<vmem>>) dst(%dma_wait3A_48 : memref<128x128xf32, #tpu.memory_space<vmem_shared>>)
    %add3A_49 = arith.constant 128 : i32
    %add3A_50 = arith.addi %mul3A_2, %add3A_49 : i32
    %dma_wait3A_51 = arith.constant 0 : i32
    %dma_wait3A_52 = tpu.memref_slice %arg11[%add3A_50, %dma_wait3A_51] : memref<10240x128xf32, #tpu.memory_space<vmem_shared>> -> memref<128x128xf32, #tpu.memory_space<vmem_shared>>
    %dma_wait3A_53 = arith.constant 0 : i32
    %dma_wait3A_54 = tpu.memref_slice %arg11[%add3A_50, %dma_wait3A_53] : memref<10240x128xf32, #tpu.memory_space<vmem_shared>> -> memref<128x128xf32, #tpu.memory_space<vmem_shared>>
    tpu.wait_dma2 semaphore(%arg10 : memref<!tpu.dma_semaphore, #tpu.memory_space<semaphore_mem>>) src(%arg6 : memref<128x128xf32, #tpu.memory_space<vmem>>) dst(%dma_wait3A_54 : memref<128x128xf32, #tpu.memory_space<vmem_shared>>)
    %add3A_55 = arith.constant 256 : i32
    %add3A_56 = arith.addi %mul3A_2, %add3A_55 : i32
    %dma_wait3A_57 = arith.constant 0 : i32
    %dma_wait3A_58 = tpu.memref_slice %arg11[%add3A_56, %dma_wait3A_57] : memref<10240x128xf32, #tpu.memory_space<vmem_shared>> -> memref<128x128xf32, #tpu.memory_space<vmem_shared>>
    %dma_wait3A_59 = arith.constant 0 : i32
    %dma_wait3A_60 = tpu.memref_slice %arg11[%add3A_56, %dma_wait3A_59] : memref<10240x128xf32, #tpu.memory_space<vmem_shared>> -> memref<128x128xf32, #tpu.memory_space<vmem_shared>>
    tpu.wait_dma2 semaphore(%arg10 : memref<!tpu.dma_semaphore, #tpu.memory_space<semaphore_mem>>) src(%arg6 : memref<128x128xf32, #tpu.memory_space<vmem>>) dst(%dma_wait3A_60 : memref<128x128xf32, #tpu.memory_space<vmem_shared>>)
    %add3A_61 = arith.constant 384 : i32
    %add3A_62 = arith.addi %mul3A_2, %add3A_61 : i32
    %dma_wait3A_63 = arith.constant 0 : i32
    %dma_wait3A_64 = tpu.memref_slice %arg11[%add3A_62, %dma_wait3A_63] : memref<10240x128xf32, #tpu.memory_space<vmem_shared>> -> memref<128x128xf32, #tpu.memory_space<vmem_shared>>
    %dma_wait3A_65 = arith.constant 0 : i32
    %dma_wait3A_66 = tpu.memref_slice %arg11[%add3A_62, %dma_wait3A_65] : memref<10240x128xf32, #tpu.memory_space<vmem_shared>> -> memref<128x128xf32, #tpu.memory_space<vmem_shared>>
    tpu.wait_dma2 semaphore(%arg10 : memref<!tpu.dma_semaphore, #tpu.memory_space<semaphore_mem>>) src(%arg6 : memref<128x128xf32, #tpu.memory_space<vmem>>) dst(%dma_wait3A_66 : memref<128x128xf32, #tpu.memory_space<vmem_shared>>)
    %add3A_67 = arith.constant 512 : i32
    %add3A_68 = arith.addi %mul3A_2, %add3A_67 : i32
    %dma_wait3A_69 = arith.constant 0 : i32
    %dma_wait3A_70 = tpu.memref_slice %arg11[%add3A_68, %dma_wait3A_69] : memref<10240x128xf32, #tpu.memory_space<vmem_shared>> -> memref<128x128xf32, #tpu.memory_space<vmem_shared>>
    %dma_wait3A_71 = arith.constant 0 : i32
    %dma_wait3A_72 = tpu.memref_slice %arg11[%add3A_68, %dma_wait3A_71] : memref<10240x128xf32, #tpu.memory_space<vmem_shared>> -> memref<128x128xf32, #tpu.memory_space<vmem_shared>>
    tpu.wait_dma2 semaphore(%arg10 : memref<!tpu.dma_semaphore, #tpu.memory_space<semaphore_mem>>) src(%arg6 : memref<128x128xf32, #tpu.memory_space<vmem>>) dst(%dma_wait3A_72 : memref<128x128xf32, #tpu.memory_space<vmem_shared>>)
    %dma_wait3A_73 = arith.constant 0 : i32
    %dma_wait3A_74 = arith.constant 0 : i32
    %dma_wait3A_75 = tpu.memref_slice %arg3[%add3A, %dma_wait3A_73, %dma_wait3A_74] : memref<32x80x128xi32, #tpu.memory_space<hbm>> -> memref<1x80x128xi32, #tpu.memory_space<hbm>>
    %dma_wait3A_76 = tpu.memref_squeeze %dma_wait3A_75 : memref<1x80x128xi32, #tpu.memory_space<hbm>> -> memref<80x128xi32, #tpu.memory_space<hbm>>
    %dma_wait3A_77 = arith.constant 0 : i32
    %dma_wait3A_78 = arith.constant 0 : i32
    %dma_wait3A_79 = tpu.memref_slice %arg3[%add3A, %dma_wait3A_77, %dma_wait3A_78] : memref<32x80x128xi32, #tpu.memory_space<hbm>> -> memref<1x80x128xi32, #tpu.memory_space<hbm>>
    %dma_wait3A_80 = tpu.memref_squeeze %dma_wait3A_79 : memref<1x80x128xi32, #tpu.memory_space<hbm>> -> memref<80x128xi32, #tpu.memory_space<hbm>>
    tpu.wait_dma2 semaphore(%arg10 : memref<!tpu.dma_semaphore, #tpu.memory_space<semaphore_mem>>) src(%dma_wait3A_80 : memref<80x128xi32, #tpu.memory_space<hbm>>) dst(%arg5 : memref<80x128xi32, #tpu.memory_space<vmem>>)
    %barrier3A = arith.constant 0 : index
    tpu.barrier barrier_id(%barrier3A)
    %mul3A_81 = arith.constant 80 : i32
    %mul3A_82 = arith.muli %add3A, %mul3A_81 : i32
    %add3A_83 = arith.constant 0 : i32
    %add3A_84 = arith.addi %mul3A_82, %add3A_83 : i32
    %mul3A_85 = arith.constant 128 : i32
    %mul3A_86 = arith.muli %add3A_84, %mul3A_85 : i32
    %dma_start3A_87 = arith.constant 0 : i32
    %dma_start3A_88 = tpu.memref_slice %arg2[%mul3A_86, %dma_start3A_87] : memref<327680x128xf32, #tpu.memory_space<hbm>> -> memref<128x128xf32, #tpu.memory_space<hbm>>
    %dma_start3A_89 = arith.constant 0 : i32
    %dma_start3A_90 = tpu.memref_slice %arg2[%mul3A_86, %dma_start3A_89] : memref<327680x128xf32, #tpu.memory_space<hbm>> -> memref<128x128xf32, #tpu.memory_space<hbm>>
    tpu.enqueue_dma source(%dma_start3A_90 : memref<128x128xf32, #tpu.memory_space<hbm>>) target(%arg6 : memref<128x128xf32, #tpu.memory_space<vmem>>) target_semaphore(%arg8 : memref<!tpu.dma_semaphore, #tpu.memory_space<semaphore_mem>>)
    %mul3A_91 = arith.constant 80 : i32
    %mul3A_92 = arith.muli %add3A, %mul3A_91 : i32
    %add3A_93 = arith.constant 1 : i32
    %add3A_94 = arith.addi %mul3A_92, %add3A_93 : i32
    %mul3A_95 = arith.constant 128 : i32
    %mul3A_96 = arith.muli %add3A_94, %mul3A_95 : i32
    %dma_start3A_97 = arith.constant 0 : i32
    %dma_start3A_98 = tpu.memref_slice %arg2[%mul3A_96, %dma_start3A_97] : memref<327680x128xf32, #tpu.memory_space<hbm>> -> memref<128x128xf32, #tpu.memory_space<hbm>>
    %dma_start3A_99 = arith.constant 0 : i32
    %dma_start3A_100 = tpu.memref_slice %arg2[%mul3A_96, %dma_start3A_99] : memref<327680x128xf32, #tpu.memory_space<hbm>> -> memref<128x128xf32, #tpu.memory_space<hbm>>
    tpu.enqueue_dma source(%dma_start3A_100 : memref<128x128xf32, #tpu.memory_space<hbm>>) target(%arg7 : memref<128x128xf32, #tpu.memory_space<vmem>>) target_semaphore(%arg9 : memref<!tpu.dma_semaphore, #tpu.memory_space<semaphore_mem>>)
    %scan3A_101 = arith.constant 0 : i32
    %scan3A_102 = arith.constant 40 : i32
    %scan3A_103 = arith.addi %scan3A_101, %scan3A_102 : i32
    %scan3A_104 = arith.constant 1 : i32
    scf.for %scan3A_207 = %scan3A_101 to %scan3A_103 step %scan3A_104  : i32 {
      %mul3A_208 = arith.constant 2 : i32
      %mul3A_209 = arith.muli %scan3A_207, %mul3A_208 : i32
      %add3A_210 = arith.constant 0 : i32
      %add3A_211 = arith.addi %add3A_210, %mul3A_209 : i32
      %add3A_212 = arith.constant 0 : i32
      %add3A_213 = arith.addi %add3A_211, %add3A_212 : i32
      %mul3A_214 = arith.constant 80 : i32
      %mul3A_215 = arith.muli %add3A, %mul3A_214 : i32
      %add3A_216 = arith.addi %mul3A_215, %add3A_213 : i32
      %mul3A_217 = arith.constant 128 : i32
      %mul3A_218 = arith.muli %add3A_216, %mul3A_217 : i32
      %dma_wait3A_219 = arith.constant 0 : i32
      %dma_wait3A_220 = tpu.memref_slice %arg2[%mul3A_218, %dma_wait3A_219] : memref<327680x128xf32, #tpu.memory_space<hbm>> -> memref<128x128xf32, #tpu.memory_space<hbm>>
      %dma_wait3A_221 = arith.constant 0 : i32
      %dma_wait3A_222 = tpu.memref_slice %arg2[%mul3A_218, %dma_wait3A_221] : memref<327680x128xf32, #tpu.memory_space<hbm>> -> memref<128x128xf32, #tpu.memory_space<hbm>>
      tpu.wait_dma2 semaphore(%arg8 : memref<!tpu.dma_semaphore, #tpu.memory_space<semaphore_mem>>) src(%dma_wait3A_222 : memref<128x128xf32, #tpu.memory_space<hbm>>) dst(%arg6 : memref<128x128xf32, #tpu.memory_space<vmem>>)
      "tpu.region"() ({
        %run_scoped3A = tpu.sem_alloc : memref<!tpu.dma_semaphore, #tpu.memory_space<semaphore_mem>>
        %dma_start3A_245 = arith.constant 0 : i32
        %dma_start3A_246 = tpu.memref_slice %arg5[%add3A_213, %dma_start3A_245] : memref<80x128xi32, #tpu.memory_space<vmem>> -> memref<1x128xi32, #tpu.memory_space<vmem>>
        %dma_start3A_247 = tpu.memref_squeeze %dma_start3A_246 : memref<1x128xi32, #tpu.memory_space<vmem>> -> memref<128xi32, #tpu.memory_space<vmem>>
        %dma_start3A_248 = arith.constant 0 : i32
        %dma_start3A_249 = arith.constant 0 : i32
        %dma_start3A_250 = tpu.memref_slice %arg11[%dma_start3A_248, %dma_start3A_249] : memref<10240x128xf32, #tpu.memory_space<vmem_shared>> -> memref<10240x128xf32, #tpu.memory_space<vmem_shared>>
        tpu.enqueue_indirect_dma source(%arg6 : memref<128x128xf32, #tpu.memory_space<vmem>>) target(%dma_start3A_250 : memref<10240x128xf32, #tpu.memory_space<vmem_shared>>) offsets(%dma_start3A_247 : memref<128xi32, #tpu.memory_space<vmem>>) semaphore(%run_scoped3A : memref<!tpu.dma_semaphore, #tpu.memory_space<semaphore_mem>>) {add = true}
        %dma_wait3A_251 = arith.constant 0 : i32
        %dma_wait3A_252 = tpu.memref_slice %arg5[%add3A_213, %dma_wait3A_251] : memref<80x128xi32, #tpu.memory_space<vmem>> -> memref<1x128xi32, #tpu.memory_space<vmem>>
        %dma_wait3A_253 = tpu.memref_squeeze %dma_wait3A_252 : memref<1x128xi32, #tpu.memory_space<vmem>> -> memref<128xi32, #tpu.memory_space<vmem>>
        %dma_wait3A_254 = arith.constant 0 : i32
        %dma_wait3A_255 = arith.constant 0 : i32
        %dma_wait3A_256 = tpu.memref_slice %arg11[%dma_wait3A_254, %dma_wait3A_255] : memref<10240x128xf32, #tpu.memory_space<vmem_shared>> -> memref<10240x128xf32, #tpu.memory_space<vmem_shared>>
        tpu.wait_indirect_dma semaphore(%run_scoped3A : memref<!tpu.dma_semaphore, #tpu.memory_space<semaphore_mem>>) src(%arg6 : memref<128x128xf32, #tpu.memory_space<vmem>>) dst(%dma_wait3A_256 : memref<10240x128xf32, #tpu.memory_space<vmem_shared>>)
        tpu.yield
      }) : () -> ()
      %add3A_223 = arith.constant 2 : i32
      %add3A_224 = arith.addi %add3A_213, %add3A_223 : i32
      %lt3A = arith.constant 80 : i32
      %lt3A_225 = arith.cmpi slt, %add3A_224, %lt3A : i32
      %convert_element_type3A = arith.extui %lt3A_225 : i1 to i32
      %cond3A = arith.constant 0 : i32
      %cond3A_226 = arith.cmpi ne, %convert_element_type3A, %cond3A : i32
      scf.if %cond3A_226 {
        %mul3A_245 = arith.constant 80 : i32
        %mul3A_246 = arith.muli %add3A, %mul3A_245 : i32
        %add3A_247 = arith.addi %mul3A_246, %add3A_213 : i32
        %add3A_248 = arith.constant 2 : i32
        %add3A_249 = arith.addi %add3A_247, %add3A_248 : i32
        %mul3A_250 = arith.constant 128 : i32
        %mul3A_251 = arith.muli %add3A_249, %mul3A_250 : i32
        %dma_start3A_252 = arith.constant 0 : i32
        %dma_start3A_253 = tpu.memref_slice %arg2[%mul3A_251, %dma_start3A_252] : memref<327680x128xf32, #tpu.memory_space<hbm>> -> memref<128x128xf32, #tpu.memory_space<hbm>>
        %dma_start3A_254 = arith.constant 0 : i32
        %dma_start3A_255 = tpu.memref_slice %arg2[%mul3A_251, %dma_start3A_254] : memref<327680x128xf32, #tpu.memory_space<hbm>> -> memref<128x128xf32, #tpu.memory_space<hbm>>
        tpu.enqueue_dma source(%dma_start3A_255 : memref<128x128xf32, #tpu.memory_space<hbm>>) target(%arg6 : memref<128x128xf32, #tpu.memory_space<vmem>>) target_semaphore(%arg8 : memref<!tpu.dma_semaphore, #tpu.memory_space<semaphore_mem>>)
      } else {
      }
      %add3A_227 = arith.constant 1 : i32
      %add3A_228 = arith.addi %add3A_211, %add3A_227 : i32
      %mul3A_229 = arith.constant 80 : i32
      %mul3A_230 = arith.muli %add3A, %mul3A_229 : i32
      %add3A_231 = arith.addi %mul3A_230, %add3A_228 : i32
      %mul3A_232 = arith.constant 128 : i32
      %mul3A_233 = arith.muli %add3A_231, %mul3A_232 : i32
      %dma_wait3A_234 = arith.constant 0 : i32
      %dma_wait3A_235 = tpu.memref_slice %arg2[%mul3A_233, %dma_wait3A_234] : memref<327680x128xf32, #tpu.memory_space<hbm>> -> memref<128x128xf32, #tpu.memory_space<hbm>>
      %dma_wait3A_236 = arith.constant 0 : i32
      %dma_wait3A_237 = tpu.memref_slice %arg2[%mul3A_233, %dma_wait3A_236] : memref<327680x128xf32, #tpu.memory_space<hbm>> -> memref<128x128xf32, #tpu.memory_space<hbm>>
      tpu.wait_dma2 semaphore(%arg9 : memref<!tpu.dma_semaphore, #tpu.memory_space<semaphore_mem>>) src(%dma_wait3A_237 : memref<128x128xf32, #tpu.memory_space<hbm>>) dst(%arg7 : memref<128x128xf32, #tpu.memory_space<vmem>>)
      "tpu.region"() ({
        %run_scoped3A = tpu.sem_alloc : memref<!tpu.dma_semaphore, #tpu.memory_space<semaphore_mem>>
        %dma_start3A_245 = arith.constant 0 : i32
        %dma_start3A_246 = tpu.memref_slice %arg5[%add3A_228, %dma_start3A_245] : memref<80x128xi32, #tpu.memory_space<vmem>> -> memref<1x128xi32, #tpu.memory_space<vmem>>
        %dma_start3A_247 = tpu.memref_squeeze %dma_start3A_246 : memref<1x128xi32, #tpu.memory_space<vmem>> -> memref<128xi32, #tpu.memory_space<vmem>>
        %dma_start3A_248 = arith.constant 0 : i32
        %dma_start3A_249 = arith.constant 0 : i32
        %dma_start3A_250 = tpu.memref_slice %arg11[%dma_start3A_248, %dma_start3A_249] : memref<10240x128xf32, #tpu.memory_space<vmem_shared>> -> memref<10240x128xf32, #tpu.memory_space<vmem_shared>>
        tpu.enqueue_indirect_dma source(%arg7 : memref<128x128xf32, #tpu.memory_space<vmem>>) target(%dma_start3A_250 : memref<10240x128xf32, #tpu.memory_space<vmem_shared>>) offsets(%dma_start3A_247 : memref<128xi32, #tpu.memory_space<vmem>>) semaphore(%run_scoped3A : memref<!tpu.dma_semaphore, #tpu.memory_space<semaphore_mem>>) {add = true}
        %dma_wait3A_251 = arith.constant 0 : i32
        %dma_wait3A_252 = tpu.memref_slice %arg5[%add3A_228, %dma_wait3A_251] : memref<80x128xi32, #tpu.memory_space<vmem>> -> memref<1x128xi32, #tpu.memory_space<vmem>>
        %dma_wait3A_253 = tpu.memref_squeeze %dma_wait3A_252 : memref<1x128xi32, #tpu.memory_space<vmem>> -> memref<128xi32, #tpu.memory_space<vmem>>
        %dma_wait3A_254 = arith.constant 0 : i32
        %dma_wait3A_255 = arith.constant 0 : i32
        %dma_wait3A_256 = tpu.memref_slice %arg11[%dma_wait3A_254, %dma_wait3A_255] : memref<10240x128xf32, #tpu.memory_space<vmem_shared>> -> memref<10240x128xf32, #tpu.memory_space<vmem_shared>>
        tpu.wait_indirect_dma semaphore(%run_scoped3A : memref<!tpu.dma_semaphore, #tpu.memory_space<semaphore_mem>>) src(%arg7 : memref<128x128xf32, #tpu.memory_space<vmem>>) dst(%dma_wait3A_256 : memref<10240x128xf32, #tpu.memory_space<vmem_shared>>)
        tpu.yield
      }) : () -> ()
      %add3A_238 = arith.constant 2 : i32
      %add3A_239 = arith.addi %add3A_228, %add3A_238 : i32
      %lt3A_240 = arith.constant 80 : i32
      %lt3A_241 = arith.cmpi slt, %add3A_239, %lt3A_240 : i32
      %convert_element_type3A_242 = arith.extui %lt3A_241 : i1 to i32
      %cond3A_243 = arith.constant 0 : i32
      %cond3A_244 = arith.cmpi ne, %convert_element_type3A_242, %cond3A_243 : i32
      scf.if %cond3A_244 {
        %mul3A_245 = arith.constant 80 : i32
        %mul3A_246 = arith.muli %add3A, %mul3A_245 : i32
        %add3A_247 = arith.addi %mul3A_246, %add3A_228 : i32
        %add3A_248 = arith.constant 2 : i32
        %add3A_249 = arith.addi %add3A_247, %add3A_248 : i32
        %mul3A_250 = arith.constant 128 : i32
        %mul3A_251 = arith.muli %add3A_249, %mul3A_250 : i32
        %dma_start3A_252 = arith.constant 0 : i32
        %dma_start3A_253 = tpu.memref_slice %arg2[%mul3A_251, %dma_start3A_252] : memref<327680x128xf32, #tpu.memory_space<hbm>> -> memref<128x128xf32, #tpu.memory_space<hbm>>
        %dma_start3A_254 = arith.constant 0 : i32
        %dma_start3A_255 = tpu.memref_slice %arg2[%mul3A_251, %dma_start3A_254] : memref<327680x128xf32, #tpu.memory_space<hbm>> -> memref<128x128xf32, #tpu.memory_space<hbm>>
        tpu.enqueue_dma source(%dma_start3A_255 : memref<128x128xf32, #tpu.memory_space<hbm>>) target(%arg7 : memref<128x128xf32, #tpu.memory_space<vmem>>) target_semaphore(%arg9 : memref<!tpu.dma_semaphore, #tpu.memory_space<semaphore_mem>>)
      } else {
      }
    }
    %scan3A_105 = arith.constant 40 : i32
    %barrier3A_106 = arith.constant 0 : index
    tpu.barrier barrier_id(%barrier3A_106)
    %add3A_107 = arith.constant 0 : i32
    %add3A_108 = arith.addi %mul3A_2, %add3A_107 : i32
    "tpu.region"() ({
      %run_scoped3A = tpu.sem_alloc : memref<!tpu.dma_semaphore, #tpu.memory_space<semaphore_mem>>
      %dma_start3A_207 = arith.constant 0 : i32
      %dma_start3A_208 = tpu.memref_slice %arg11[%add3A_108, %dma_start3A_207] : memref<10240x128xf32, #tpu.memory_space<vmem_shared>> -> memref<128x128xf32, #tpu.memory_space<vmem_shared>>
      %dma_start3A_209 = arith.constant 0 : i32
      %dma_start3A_210 = tpu.memref_slice %arg11[%add3A_108, %dma_start3A_209] : memref<10240x128xf32, #tpu.memory_space<vmem_shared>> -> memref<128x128xf32, #tpu.memory_space<vmem_shared>>
      tpu.enqueue_dma source(%dma_start3A_210 : memref<128x128xf32, #tpu.memory_space<vmem_shared>>) target(%arg6 : memref<128x128xf32, #tpu.memory_space<vmem>>) target_semaphore(%run_scoped3A : memref<!tpu.dma_semaphore, #tpu.memory_space<semaphore_mem>>)
      %dma_wait3A_211 = arith.constant 0 : i32
      %dma_wait3A_212 = tpu.memref_slice %arg11[%add3A_108, %dma_wait3A_211] : memref<10240x128xf32, #tpu.memory_space<vmem_shared>> -> memref<128x128xf32, #tpu.memory_space<vmem_shared>>
      %dma_wait3A_213 = arith.constant 0 : i32
      %dma_wait3A_214 = tpu.memref_slice %arg11[%add3A_108, %dma_wait3A_213] : memref<10240x128xf32, #tpu.memory_space<vmem_shared>> -> memref<128x128xf32, #tpu.memory_space<vmem_shared>>
      tpu.wait_dma2 semaphore(%run_scoped3A : memref<!tpu.dma_semaphore, #tpu.memory_space<semaphore_mem>>) src(%dma_wait3A_214 : memref<128x128xf32, #tpu.memory_space<vmem_shared>>) dst(%arg6 : memref<128x128xf32, #tpu.memory_space<vmem>>)
      tpu.yield
    }) : () -> ()
    %mul3A_109 = arith.constant 10240 : i32
    %mul3A_110 = arith.muli %arg0, %mul3A_109 : i32
    %add3A_111 = arith.addi %mul3A_110, %mul3A_2 : i32
    %add3A_112 = arith.constant 0 : i32
    %add3A_113 = arith.addi %add3A_111, %add3A_112 : i32
    %dma_start3A_114 = arith.constant 0 : i32
    %dma_start3A_115 = tpu.memref_slice %arg4[%add3A_113, %dma_start3A_114] : memref<20480x128xf32, #tpu.memory_space<hbm>> -> memref<128x128xf32, #tpu.memory_space<hbm>>
    %dma_start3A_116 = arith.constant 0 : i32
    %dma_start3A_117 = tpu.memref_slice %arg4[%add3A_113, %dma_start3A_116] : memref<20480x128xf32, #tpu.memory_space<hbm>> -> memref<128x128xf32, #tpu.memory_space<hbm>>
    tpu.enqueue_dma source(%arg6 : memref<128x128xf32, #tpu.memory_space<vmem>>) target(%dma_start3A_117 : memref<128x128xf32, #tpu.memory_space<hbm>>) target_semaphore(%arg8 : memref<!tpu.dma_semaphore, #tpu.memory_space<semaphore_mem>>)
    %add3A_118 = arith.constant 128 : i32
    %add3A_119 = arith.addi %mul3A_2, %add3A_118 : i32
    "tpu.region"() ({
      %run_scoped3A = tpu.sem_alloc : memref<!tpu.dma_semaphore, #tpu.memory_space<semaphore_mem>>
      %dma_start3A_207 = arith.constant 0 : i32
      %dma_start3A_208 = tpu.memref_slice %arg11[%add3A_119, %dma_start3A_207] : memref<10240x128xf32, #tpu.memory_space<vmem_shared>> -> memref<128x128xf32, #tpu.memory_space<vmem_shared>>
      %dma_start3A_209 = arith.constant 0 : i32
      %dma_start3A_210 = tpu.memref_slice %arg11[%add3A_119, %dma_start3A_209] : memref<10240x128xf32, #tpu.memory_space<vmem_shared>> -> memref<128x128xf32, #tpu.memory_space<vmem_shared>>
      tpu.enqueue_dma source(%dma_start3A_210 : memref<128x128xf32, #tpu.memory_space<vmem_shared>>) target(%arg7 : memref<128x128xf32, #tpu.memory_space<vmem>>) target_semaphore(%run_scoped3A : memref<!tpu.dma_semaphore, #tpu.memory_space<semaphore_mem>>)
      %dma_wait3A_211 = arith.constant 0 : i32
      %dma_wait3A_212 = tpu.memref_slice %arg11[%add3A_119, %dma_wait3A_211] : memref<10240x128xf32, #tpu.memory_space<vmem_shared>> -> memref<128x128xf32, #tpu.memory_space<vmem_shared>>
      %dma_wait3A_213 = arith.constant 0 : i32
      %dma_wait3A_214 = tpu.memref_slice %arg11[%add3A_119, %dma_wait3A_213] : memref<10240x128xf32, #tpu.memory_space<vmem_shared>> -> memref<128x128xf32, #tpu.memory_space<vmem_shared>>
      tpu.wait_dma2 semaphore(%run_scoped3A : memref<!tpu.dma_semaphore, #tpu.memory_space<semaphore_mem>>) src(%dma_wait3A_214 : memref<128x128xf32, #tpu.memory_space<vmem_shared>>) dst(%arg7 : memref<128x128xf32, #tpu.memory_space<vmem>>)
      tpu.yield
    }) : () -> ()
    %mul3A_120 = arith.constant 10240 : i32
    %mul3A_121 = arith.muli %arg0, %mul3A_120 : i32
    %add3A_122 = arith.addi %mul3A_121, %mul3A_2 : i32
    %add3A_123 = arith.constant 128 : i32
    %add3A_124 = arith.addi %add3A_122, %add3A_123 : i32
    %dma_start3A_125 = arith.constant 0 : i32
    %dma_start3A_126 = tpu.memref_slice %arg4[%add3A_124, %dma_start3A_125] : memref<20480x128xf32, #tpu.memory_space<hbm>> -> memref<128x128xf32, #tpu.memory_space<hbm>>
    %dma_start3A_127 = arith.constant 0 : i32
    %dma_start3A_128 = tpu.memref_slice %arg4[%add3A_124, %dma_start3A_127] : memref<20480x128xf32, #tpu.memory_space<hbm>> -> memref<128x128xf32, #tpu.memory_space<hbm>>
    tpu.enqueue_dma source(%arg7 : memref<128x128xf32, #tpu.memory_space<vmem>>) target(%dma_start3A_128 : memref<128x128xf32, #tpu.memory_space<hbm>>) target_semaphore(%arg9 : memref<!tpu.dma_semaphore, #tpu.memory_space<semaphore_mem>>)
    %mul3A_129 = arith.constant 10240 : i32
    %mul3A_130 = arith.muli %arg0, %mul3A_129 : i32
    %add3A_131 = arith.addi %mul3A_130, %mul3A_2 : i32
    %add3A_132 = arith.constant 0 : i32
    %add3A_133 = arith.addi %add3A_131, %add3A_132 : i32
    %dma_wait3A_134 = arith.constant 0 : i32
    %dma_wait3A_135 = tpu.memref_slice %arg4[%add3A_133, %dma_wait3A_134] : memref<20480x128xf32, #tpu.memory_space<hbm>> -> memref<128x128xf32, #tpu.memory_space<hbm>>
    %dma_wait3A_136 = arith.constant 0 : i32
    %dma_wait3A_137 = tpu.memref_slice %arg4[%add3A_133, %dma_wait3A_136] : memref<20480x128xf32, #tpu.memory_space<hbm>> -> memref<128x128xf32, #tpu.memory_space<hbm>>
    tpu.wait_dma2 semaphore(%arg8 : memref<!tpu.dma_semaphore, #tpu.memory_space<semaphore_mem>>) src(%arg6 : memref<128x128xf32, #tpu.memory_space<vmem>>) dst(%dma_wait3A_137 : memref<128x128xf32, #tpu.memory_space<hbm>>)
    %add3A_138 = arith.constant 256 : i32
    %add3A_139 = arith.addi %mul3A_2, %add3A_138 : i32
    "tpu.region"() ({
      %run_scoped3A = tpu.sem_alloc : memref<!tpu.dma_semaphore, #tpu.memory_space<semaphore_mem>>
      %dma_start3A_207 = arith.constant 0 : i32
      %dma_start3A_208 = tpu.memref_slice %arg11[%add3A_139, %dma_start3A_207] : memref<10240x128xf32, #tpu.memory_space<vmem_shared>> -> memref<128x128xf32, #tpu.memory_space<vmem_shared>>
      %dma_start3A_209 = arith.constant 0 : i32
      %dma_start3A_210 = tpu.memref_slice %arg11[%add3A_139, %dma_start3A_209] : memref<10240x128xf32, #tpu.memory_space<vmem_shared>> -> memref<128x128xf32, #tpu.memory_space<vmem_shared>>
      tpu.enqueue_dma source(%dma_start3A_210 : memref<128x128xf32, #tpu.memory_space<vmem_shared>>) target(%arg6 : memref<128x128xf32, #tpu.memory_space<vmem>>) target_semaphore(%run_scoped3A : memref<!tpu.dma_semaphore, #tpu.memory_space<semaphore_mem>>)
      %dma_wait3A_211 = arith.constant 0 : i32
      %dma_wait3A_212 = tpu.memref_slice %arg11[%add3A_139, %dma_wait3A_211] : memref<10240x128xf32, #tpu.memory_space<vmem_shared>> -> memref<128x128xf32, #tpu.memory_space<vmem_shared>>
      %dma_wait3A_213 = arith.constant 0 : i32
      %dma_wait3A_214 = tpu.memref_slice %arg11[%add3A_139, %dma_wait3A_213] : memref<10240x128xf32, #tpu.memory_space<vmem_shared>> -> memref<128x128xf32, #tpu.memory_space<vmem_shared>>
      tpu.wait_dma2 semaphore(%run_scoped3A : memref<!tpu.dma_semaphore, #tpu.memory_space<semaphore_mem>>) src(%dma_wait3A_214 : memref<128x128xf32, #tpu.memory_space<vmem_shared>>) dst(%arg6 : memref<128x128xf32, #tpu.memory_space<vmem>>)
      tpu.yield
    }) : () -> ()
    %mul3A_140 = arith.constant 10240 : i32
    %mul3A_141 = arith.muli %arg0, %mul3A_140 : i32
    %add3A_142 = arith.addi %mul3A_141, %mul3A_2 : i32
    %add3A_143 = arith.constant 256 : i32
    %add3A_144 = arith.addi %add3A_142, %add3A_143 : i32
    %dma_start3A_145 = arith.constant 0 : i32
    %dma_start3A_146 = tpu.memref_slice %arg4[%add3A_144, %dma_start3A_145] : memref<20480x128xf32, #tpu.memory_space<hbm>> -> memref<128x128xf32, #tpu.memory_space<hbm>>
    %dma_start3A_147 = arith.constant 0 : i32
    %dma_start3A_148 = tpu.memref_slice %arg4[%add3A_144, %dma_start3A_147] : memref<20480x128xf32, #tpu.memory_space<hbm>> -> memref<128x128xf32, #tpu.memory_space<hbm>>
    tpu.enqueue_dma source(%arg6 : memref<128x128xf32, #tpu.memory_space<vmem>>) target(%dma_start3A_148 : memref<128x128xf32, #tpu.memory_space<hbm>>) target_semaphore(%arg8 : memref<!tpu.dma_semaphore, #tpu.memory_space<semaphore_mem>>)
    %mul3A_149 = arith.constant 10240 : i32
    %mul3A_150 = arith.muli %arg0, %mul3A_149 : i32
    %add3A_151 = arith.addi %mul3A_150, %mul3A_2 : i32
    %add3A_152 = arith.constant 128 : i32
    %add3A_153 = arith.addi %add3A_151, %add3A_152 : i32
    %dma_wait3A_154 = arith.constant 0 : i32
    %dma_wait3A_155 = tpu.memref_slice %arg4[%add3A_153, %dma_wait3A_154] : memref<20480x128xf32, #tpu.memory_space<hbm>> -> memref<128x128xf32, #tpu.memory_space<hbm>>
    %dma_wait3A_156 = arith.constant 0 : i32
    %dma_wait3A_157 = tpu.memref_slice %arg4[%add3A_153, %dma_wait3A_156] : memref<20480x128xf32, #tpu.memory_space<hbm>> -> memref<128x128xf32, #tpu.memory_space<hbm>>
    tpu.wait_dma2 semaphore(%arg9 : memref<!tpu.dma_semaphore, #tpu.memory_space<semaphore_mem>>) src(%arg7 : memref<128x128xf32, #tpu.memory_space<vmem>>) dst(%dma_wait3A_157 : memref<128x128xf32, #tpu.memory_space<hbm>>)
    %add3A_158 = arith.constant 384 : i32
    %add3A_159 = arith.addi %mul3A_2, %add3A_158 : i32
    "tpu.region"() ({
      %run_scoped3A = tpu.sem_alloc : memref<!tpu.dma_semaphore, #tpu.memory_space<semaphore_mem>>
      %dma_start3A_207 = arith.constant 0 : i32
      %dma_start3A_208 = tpu.memref_slice %arg11[%add3A_159, %dma_start3A_207] : memref<10240x128xf32, #tpu.memory_space<vmem_shared>> -> memref<128x128xf32, #tpu.memory_space<vmem_shared>>
      %dma_start3A_209 = arith.constant 0 : i32
      %dma_start3A_210 = tpu.memref_slice %arg11[%add3A_159, %dma_start3A_209] : memref<10240x128xf32, #tpu.memory_space<vmem_shared>> -> memref<128x128xf32, #tpu.memory_space<vmem_shared>>
      tpu.enqueue_dma source(%dma_start3A_210 : memref<128x128xf32, #tpu.memory_space<vmem_shared>>) target(%arg7 : memref<128x128xf32, #tpu.memory_space<vmem>>) target_semaphore(%run_scoped3A : memref<!tpu.dma_semaphore, #tpu.memory_space<semaphore_mem>>)
      %dma_wait3A_211 = arith.constant 0 : i32
      %dma_wait3A_212 = tpu.memref_slice %arg11[%add3A_159, %dma_wait3A_211] : memref<10240x128xf32, #tpu.memory_space<vmem_shared>> -> memref<128x128xf32, #tpu.memory_space<vmem_shared>>
      %dma_wait3A_213 = arith.constant 0 : i32
      %dma_wait3A_214 = tpu.memref_slice %arg11[%add3A_159, %dma_wait3A_213] : memref<10240x128xf32, #tpu.memory_space<vmem_shared>> -> memref<128x128xf32, #tpu.memory_space<vmem_shared>>
      tpu.wait_dma2 semaphore(%run_scoped3A : memref<!tpu.dma_semaphore, #tpu.memory_space<semaphore_mem>>) src(%dma_wait3A_214 : memref<128x128xf32, #tpu.memory_space<vmem_shared>>) dst(%arg7 : memref<128x128xf32, #tpu.memory_space<vmem>>)
      tpu.yield
    }) : () -> ()
    %mul3A_160 = arith.constant 10240 : i32
    %mul3A_161 = arith.muli %arg0, %mul3A_160 : i32
    %add3A_162 = arith.addi %mul3A_161, %mul3A_2 : i32
    %add3A_163 = arith.constant 384 : i32
    %add3A_164 = arith.addi %add3A_162, %add3A_163 : i32
    %dma_start3A_165 = arith.constant 0 : i32
    %dma_start3A_166 = tpu.memref_slice %arg4[%add3A_164, %dma_start3A_165] : memref<20480x128xf32, #tpu.memory_space<hbm>> -> memref<128x128xf32, #tpu.memory_space<hbm>>
    %dma_start3A_167 = arith.constant 0 : i32
    %dma_start3A_168 = tpu.memref_slice %arg4[%add3A_164, %dma_start3A_167] : memref<20480x128xf32, #tpu.memory_space<hbm>> -> memref<128x128xf32, #tpu.memory_space<hbm>>
    tpu.enqueue_dma source(%arg7 : memref<128x128xf32, #tpu.memory_space<vmem>>) target(%dma_start3A_168 : memref<128x128xf32, #tpu.memory_space<hbm>>) target_semaphore(%arg9 : memref<!tpu.dma_semaphore, #tpu.memory_space<semaphore_mem>>)
    %mul3A_169 = arith.constant 10240 : i32
    %mul3A_170 = arith.muli %arg0, %mul3A_169 : i32
    %add3A_171 = arith.addi %mul3A_170, %mul3A_2 : i32
    %add3A_172 = arith.constant 256 : i32
    %add3A_173 = arith.addi %add3A_171, %add3A_172 : i32
    %dma_wait3A_174 = arith.constant 0 : i32
    %dma_wait3A_175 = tpu.memref_slice %arg4[%add3A_173, %dma_wait3A_174] : memref<20480x128xf32, #tpu.memory_space<hbm>> -> memref<128x128xf32, #tpu.memory_space<hbm>>
    %dma_wait3A_176 = arith.constant 0 : i32
    %dma_wait3A_177 = tpu.memref_slice %arg4[%add3A_173, %dma_wait3A_176] : memref<20480x128xf32, #tpu.memory_space<hbm>> -> memref<128x128xf32, #tpu.memory_space<hbm>>
    tpu.wait_dma2 semaphore(%arg8 : memref<!tpu.dma_semaphore, #tpu.memory_space<semaphore_mem>>) src(%arg6 : memref<128x128xf32, #tpu.memory_space<vmem>>) dst(%dma_wait3A_177 : memref<128x128xf32, #tpu.memory_space<hbm>>)
    %add3A_178 = arith.constant 512 : i32
    %add3A_179 = arith.addi %mul3A_2, %add3A_178 : i32
    "tpu.region"() ({
      %run_scoped3A = tpu.sem_alloc : memref<!tpu.dma_semaphore, #tpu.memory_space<semaphore_mem>>
      %dma_start3A_207 = arith.constant 0 : i32
      %dma_start3A_208 = tpu.memref_slice %arg11[%add3A_179, %dma_start3A_207] : memref<10240x128xf32, #tpu.memory_space<vmem_shared>> -> memref<128x128xf32, #tpu.memory_space<vmem_shared>>
      %dma_start3A_209 = arith.constant 0 : i32
      %dma_start3A_210 = tpu.memref_slice %arg11[%add3A_179, %dma_start3A_209] : memref<10240x128xf32, #tpu.memory_space<vmem_shared>> -> memref<128x128xf32, #tpu.memory_space<vmem_shared>>
      tpu.enqueue_dma source(%dma_start3A_210 : memref<128x128xf32, #tpu.memory_space<vmem_shared>>) target(%arg6 : memref<128x128xf32, #tpu.memory_space<vmem>>) target_semaphore(%run_scoped3A : memref<!tpu.dma_semaphore, #tpu.memory_space<semaphore_mem>>)
      %dma_wait3A_211 = arith.constant 0 : i32
      %dma_wait3A_212 = tpu.memref_slice %arg11[%add3A_179, %dma_wait3A_211] : memref<10240x128xf32, #tpu.memory_space<vmem_shared>> -> memref<128x128xf32, #tpu.memory_space<vmem_shared>>
      %dma_wait3A_213 = arith.constant 0 : i32
      %dma_wait3A_214 = tpu.memref_slice %arg11[%add3A_179, %dma_wait3A_213] : memref<10240x128xf32, #tpu.memory_space<vmem_shared>> -> memref<128x128xf32, #tpu.memory_space<vmem_shared>>
      tpu.wait_dma2 semaphore(%run_scoped3A : memref<!tpu.dma_semaphore, #tpu.memory_space<semaphore_mem>>) src(%dma_wait3A_214 : memref<128x128xf32, #tpu.memory_space<vmem_shared>>) dst(%arg6 : memref<128x128xf32, #tpu.memory_space<vmem>>)
      tpu.yield
    }) : () -> ()
    %mul3A_180 = arith.constant 10240 : i32
    %mul3A_181 = arith.muli %arg0, %mul3A_180 : i32
    %add3A_182 = arith.addi %mul3A_181, %mul3A_2 : i32
    %add3A_183 = arith.constant 512 : i32
    %add3A_184 = arith.addi %add3A_182, %add3A_183 : i32
    %dma_start3A_185 = arith.constant 0 : i32
    %dma_start3A_186 = tpu.memref_slice %arg4[%add3A_184, %dma_start3A_185] : memref<20480x128xf32, #tpu.memory_space<hbm>> -> memref<128x128xf32, #tpu.memory_space<hbm>>
    %dma_start3A_187 = arith.constant 0 : i32
    %dma_start3A_188 = tpu.memref_slice %arg4[%add3A_184, %dma_start3A_187] : memref<20480x128xf32, #tpu.memory_space<hbm>> -> memref<128x128xf32, #tpu.memory_space<hbm>>
    tpu.enqueue_dma source(%arg6 : memref<128x128xf32, #tpu.memory_space<vmem>>) target(%dma_start3A_188 : memref<128x128xf32, #tpu.memory_space<hbm>>) target_semaphore(%arg8 : memref<!tpu.dma_semaphore, #tpu.memory_space<semaphore_mem>>)
    %mul3A_189 = arith.constant 10240 : i32
    %mul3A_190 = arith.muli %arg0, %mul3A_189 : i32
    %add3A_191 = arith.addi %mul3A_190, %mul3A_2 : i32
    %add3A_192 = arith.constant 384 : i32
    %add3A_193 = arith.addi %add3A_191, %add3A_192 : i32
    %dma_wait3A_194 = arith.constant 0 : i32
    %dma_wait3A_195 = tpu.memref_slice %arg4[%add3A_193, %dma_wait3A_194] : memref<20480x128xf32, #tpu.memory_space<hbm>> -> memref<128x128xf32, #tpu.memory_space<hbm>>
    %dma_wait3A_196 = arith.constant 0 : i32
    %dma_wait3A_197 = tpu.memref_slice %arg4[%add3A_193, %dma_wait3A_196] : memref<20480x128xf32, #tpu.memory_space<hbm>> -> memref<128x128xf32, #tpu.memory_space<hbm>>
    tpu.wait_dma2 semaphore(%arg9 : memref<!tpu.dma_semaphore, #tpu.memory_space<semaphore_mem>>) src(%arg7 : memref<128x128xf32, #tpu.memory_space<vmem>>) dst(%dma_wait3A_197 : memref<128x128xf32, #tpu.memory_space<hbm>>)
    %mul3A_198 = arith.constant 10240 : i32
    %mul3A_199 = arith.muli %arg0, %mul3A_198 : i32
    %add3A_200 = arith.addi %mul3A_199, %mul3A_2 : i32
    %add3A_201 = arith.constant 512 : i32
    %add3A_202 = arith.addi %add3A_200, %add3A_201 : i32
    %dma_wait3A_203 = arith.constant 0 : i32
    %dma_wait3A_204 = tpu.memref_slice %arg4[%add3A_202, %dma_wait3A_203] : memref<20480x128xf32, #tpu.memory_space<hbm>> -> memref<128x128xf32, #tpu.memory_space<hbm>>
    %dma_wait3A_205 = arith.constant 0 : i32
    %dma_wait3A_206 = tpu.memref_slice %arg4[%add3A_202, %dma_wait3A_205] : memref<20480x128xf32, #tpu.memory_space<hbm>> -> memref<128x128xf32, #tpu.memory_space<hbm>>
    tpu.wait_dma2 semaphore(%arg8 : memref<!tpu.dma_semaphore, #tpu.memory_space<semaphore_mem>>) src(%arg6 : memref<128x128xf32, #tpu.memory_space<vmem>>) dst(%dma_wait3A_206 : memref<128x128xf32, #tpu.memory_space<hbm>>)
    return
  }
}

#map = affine_map<(d0, d1) -> (0, 0)>
#map1 = affine_map<(d0, d1) -> (0, 0, 0)>
module attributes {stable_mosaic.version = 14 : i64} {
  func.func @_sc_scat(%arg0: i32, %arg1: i32, %arg2: memref<327680x128xf32, #tpu.memory_space<hbm>>, %arg3: memref<32x80x128xi32, #tpu.memory_space<hbm>>, %arg4: memref<20480x128xf32, #tpu.memory_space<hbm>>, %arg5: memref<80x128xi32, #tpu.memory_space<vmem>>, %arg6: memref<128x128xf32, #tpu.memory_space<vmem>>, %arg7: memref<128x128xf32, #tpu.memory_space<vmem>>, %arg8: memref<!tpu.dma_semaphore, #tpu.memory_space<semaphore_mem>>, %arg9: memref<!tpu.dma_semaphore, #tpu.memory_space<semaphore_mem>>, %arg10: memref<!tpu.dma_semaphore, #tpu.memory_space<semaphore_mem>>, %arg11: memref<10240x128xf32, #tpu.memory_space<vmem_shared>>) attributes {dimension_semantics = [#tpu.dimension_semantics<core_parallel>, #tpu.dimension_semantics<subcore_parallel>], iteration_bounds = array<i64: 2, 16>, scalar_prefetch = 0 : i64, scratch_operands = 7 : i64, tpu.core_type = #tpu.core_type<sc_vector_subcore>, window_params = [{transform_indices = #map}, {transform_indices = #map1}, {transform_indices = #map}]} {
    %mul3A = arith.constant 2 : i32
    %mul3A_0 = arith.muli %arg1, %mul3A : i32
    %add3A = arith.addi %mul3A_0, %arg0 : i32
    %mul3A_1 = arith.constant 640 : i32
    %mul3A_2 = arith.muli %arg1, %mul3A_1 : i32
    %dma_start3A = arith.constant 0 : i32
    %dma_start3A_3 = arith.constant 0 : i32
    %dma_start3A_4 = tpu.memref_slice %arg3[%add3A, %dma_start3A, %dma_start3A_3] : memref<32x80x128xi32, #tpu.memory_space<hbm>> -> memref<1x80x128xi32, #tpu.memory_space<hbm>>
    %dma_start3A_5 = tpu.memref_squeeze %dma_start3A_4 : memref<1x80x128xi32, #tpu.memory_space<hbm>> -> memref<80x128xi32, #tpu.memory_space<hbm>>
    %dma_start3A_6 = arith.constant 0 : i32
    %dma_start3A_7 = arith.constant 0 : i32
    %dma_start3A_8 = tpu.memref_slice %arg3[%add3A, %dma_start3A_6, %dma_start3A_7] : memref<32x80x128xi32, #tpu.memory_space<hbm>> -> memref<1x80x128xi32, #tpu.memory_space<hbm>>
    %dma_start3A_9 = tpu.memref_squeeze %dma_start3A_8 : memref<1x80x128xi32, #tpu.memory_space<hbm>> -> memref<80x128xi32, #tpu.memory_space<hbm>>
    tpu.enqueue_dma source(%dma_start3A_9 : memref<80x128xi32, #tpu.memory_space<hbm>>) target(%arg5 : memref<80x128xi32, #tpu.memory_space<vmem>>) target_semaphore(%arg10 : memref<!tpu.dma_semaphore, #tpu.memory_space<semaphore_mem>>)
    %scan3A = arith.constant 0 : i32
    %scan3A_10 = arith.constant 128 : i32
    %scan3A_11 = arith.addi %scan3A, %scan3A_10 : i32
    %scan3A_12 = arith.constant 1 : i32
    scf.for %scan3A_207 = %scan3A to %scan3A_11 step %scan3A_12  : i32 {
      %mul3A_208 = arith.constant 1 : i32
      %mul3A_209 = arith.muli %scan3A_207, %mul3A_208 : i32
      %add3A_210 = arith.constant 0 : i32
      %add3A_211 = arith.addi %add3A_210, %mul3A_209 : i32
      %broadcast_in_dim3A = arith.constant 0.000000e+00 : f32
      %broadcast_in_dim3A_212 = vector.broadcast %broadcast_in_dim3A : f32 to vector<16xf32>
      %swap3A = arith.index_cast %add3A_211 : i32 to index
      %swap3A_213 = arith.constant 0 : index
      %swap3A_214 = tpu.vector_load %arg6[%swap3A, %swap3A_213] {strides = array<i32>} : memref<128x128xf32, #tpu.memory_space<vmem>>, vector<1x16xf32>,
      %swap3A_215 = vector.shape_cast %swap3A_214 : vector<1x16xf32> to vector<16xf32>
      %swap3A_216 = vector.shape_cast %broadcast_in_dim3A_212 : vector<16xf32> to vector<1x16xf32>
      tpu.vector_store %arg6[%swap3A, %swap3A_213], %swap3A_216 {strides = array<i32>} : memref<128x128xf32, #tpu.memory_space<vmem>>, vector<1x16xf32>,
      %broadcast_in_dim3A_217 = arith.constant 0.000000e+00 : f32
      %broadcast_in_dim3A_218 = vector.broadcast %broadcast_in_dim3A_217 : f32 to vector<16xf32>
      %swap3A_219 = arith.index_cast %add3A_211 : i32 to index
      %swap3A_220 = arith.constant 16 : index
      %swap3A_221 = tpu.vector_load %arg6[%swap3A_219, %swap3A_220] {strides = array<i32>} : memref<128x128xf32, #tpu.memory_space<vmem>>, vector<1x16xf32>,
      %swap3A_222 = vector.shape_cast %swap3A_221 : vector<1x16xf32> to vector<16xf32>
      %swap3A_223 = vector.shape_cast %broadcast_in_dim3A_218 : vector<16xf32> to vector<1x16xf32>
      tpu.vector_store %arg6[%swap3A_219, %swap3A_220], %swap3A_223 {strides = array<i32>} : memref<128x128xf32, #tpu.memory_space<vmem>>, vector<1x16xf32>,
      %broadcast_in_dim3A_224 = arith.constant 0.000000e+00 : f32
      %broadcast_in_dim3A_225 = vector.broadcast %broadcast_in_dim3A_224 : f32 to vector<16xf32>
      %swap3A_226 = arith.index_cast %add3A_211 : i32 to index
      %swap3A_227 = arith.constant 32 : index
      %swap3A_228 = tpu.vector_load %arg6[%swap3A_226, %swap3A_227] {strides = array<i32>} : memref<128x128xf32, #tpu.memory_space<vmem>>, vector<1x16xf32>,
      %swap3A_229 = vector.shape_cast %swap3A_228 : vector<1x16xf32> to vector<16xf32>
      %swap3A_230 = vector.shape_cast %broadcast_in_dim3A_225 : vector<16xf32> to vector<1x16xf32>
      tpu.vector_store %arg6[%swap3A_226, %swap3A_227], %swap3A_230 {strides = array<i32>} : memref<128x128xf32, #tpu.memory_space<vmem>>, vector<1x16xf32>,
      %broadcast_in_dim3A_231 = arith.constant 0.000000e+00 : f32
      %broadcast_in_dim3A_232 = vector.broadcast %broadcast_in_dim3A_231 : f32 to vector<16xf32>
      %swap3A_233 = arith.index_cast %add3A_211 : i32 to index
      %swap3A_234 = arith.constant 48 : index
      %swap3A_235 = tpu.vector_load %arg6[%swap3A_233, %swap3A_234] {strides = array<i32>} : memref<128x128xf32, #tpu.memory_space<vmem>>, vector<1x16xf32>,
      %swap3A_236 = vector.shape_cast %swap3A_235 : vector<1x16xf32> to vector<16xf32>
      %swap3A_237 = vector.shape_cast %broadcast_in_dim3A_232 : vector<16xf32> to vector<1x16xf32>
      tpu.vector_store %arg6[%swap3A_233, %swap3A_234], %swap3A_237 {strides = array<i32>} : memref<128x128xf32, #tpu.memory_space<vmem>>, vector<1x16xf32>,
      %broadcast_in_dim3A_238 = arith.constant 0.000000e+00 : f32
      %broadcast_in_dim3A_239 = vector.broadcast %broadcast_in_dim3A_238 : f32 to vector<16xf32>
      %swap3A_240 = arith.index_cast %add3A_211 : i32 to index
      %swap3A_241 = arith.constant 64 : index
      %swap3A_242 = tpu.vector_load %arg6[%swap3A_240, %swap3A_241] {strides = array<i32>} : memref<128x128xf32, #tpu.memory_space<vmem>>, vector<1x16xf32>,
      %swap3A_243 = vector.shape_cast %swap3A_242 : vector<1x16xf32> to vector<16xf32>
      %swap3A_244 = vector.shape_cast %broadcast_in_dim3A_239 : vector<16xf32> to vector<1x16xf32>
      tpu.vector_store %arg6[%swap3A_240, %swap3A_241], %swap3A_244 {strides = array<i32>} : memref<128x128xf32, #tpu.memory_space<vmem>>, vector<1x16xf32>,
      %broadcast_in_dim3A_245 = arith.constant 0.000000e+00 : f32
      %broadcast_in_dim3A_246 = vector.broadcast %broadcast_in_dim3A_245 : f32 to vector<16xf32>
      %swap3A_247 = arith.index_cast %add3A_211 : i32 to index
      %swap3A_248 = arith.constant 80 : index
      %swap3A_249 = tpu.vector_load %arg6[%swap3A_247, %swap3A_248] {strides = array<i32>} : memref<128x128xf32, #tpu.memory_space<vmem>>, vector<1x16xf32>,
      %swap3A_250 = vector.shape_cast %swap3A_249 : vector<1x16xf32> to vector<16xf32>
      %swap3A_251 = vector.shape_cast %broadcast_in_dim3A_246 : vector<16xf32> to vector<1x16xf32>
      tpu.vector_store %arg6[%swap3A_247, %swap3A_248], %swap3A_251 {strides = array<i32>} : memref<128x128xf32, #tpu.memory_space<vmem>>, vector<1x16xf32>,
      %broadcast_in_dim3A_252 = arith.constant 0.000000e+00 : f32
      %broadcast_in_dim3A_253 = vector.broadcast %broadcast_in_dim3A_252 : f32 to vector<16xf32>
      %swap3A_254 = arith.index_cast %add3A_211 : i32 to index
      %swap3A_255 = arith.constant 96 : index
      %swap3A_256 = tpu.vector_load %arg6[%swap3A_254, %swap3A_255] {strides = array<i32>} : memref<128x128xf32, #tpu.memory_space<vmem>>, vector<1x16xf32>,
      %swap3A_257 = vector.shape_cast %swap3A_256 : vector<1x16xf32> to vector<16xf32>
      %swap3A_258 = vector.shape_cast %broadcast_in_dim3A_253 : vector<16xf32> to vector<1x16xf32>
      tpu.vector_store %arg6[%swap3A_254, %swap3A_255], %swap3A_258 {strides = array<i32>} : memref<128x128xf32, #tpu.memory_space<vmem>>, vector<1x16xf32>,
      %broadcast_in_dim3A_259 = arith.constant 0.000000e+00 : f32
      %broadcast_in_dim3A_260 = vector.broadcast %broadcast_in_dim3A_259 : f32 to vector<16xf32>
      %swap3A_261 = arith.index_cast %add3A_211 : i32 to index
      %swap3A_262 = arith.constant 112 : index
      %swap3A_263 = tpu.vector_load %arg6[%swap3A_261, %swap3A_262] {strides = array<i32>} : memref<128x128xf32, #tpu.memory_space<vmem>>, vector<1x16xf32>,
      %swap3A_264 = vector.shape_cast %swap3A_263 : vector<1x16xf32> to vector<16xf32>
      %swap3A_265 = vector.shape_cast %broadcast_in_dim3A_260 : vector<16xf32> to vector<1x16xf32>
      tpu.vector_store %arg6[%swap3A_261, %swap3A_262], %swap3A_265 {strides = array<i32>} : memref<128x128xf32, #tpu.memory_space<vmem>>, vector<1x16xf32>,
    }
    %scan3A_13 = arith.constant 128 : i32
    %add3A_14 = arith.constant 0 : i32
    %add3A_15 = arith.addi %mul3A_2, %add3A_14 : i32
    %dma_start3A_16 = arith.constant 0 : i32
    %dma_start3A_17 = tpu.memref_slice %arg11[%add3A_15, %dma_start3A_16] : memref<10240x128xf32, #tpu.memory_space<vmem_shared>> -> memref<128x128xf32, #tpu.memory_space<vmem_shared>>
    %dma_start3A_18 = arith.constant 0 : i32
    %dma_start3A_19 = tpu.memref_slice %arg11[%add3A_15, %dma_start3A_18] : memref<10240x128xf32, #tpu.memory_space<vmem_shared>> -> memref<128x128xf32, #tpu.memory_space<vmem_shared>>
    tpu.enqueue_dma source(%arg6 : memref<128x128xf32, #tpu.memory_space<vmem>>) target(%dma_start3A_19 : memref<128x128xf32, #tpu.memory_space<vmem_shared>>) target_semaphore(%arg10 : memref<!tpu.dma_semaphore, #tpu.memory_space<semaphore_mem>>)
    %add3A_20 = arith.constant 128 : i32
    %add3A_21 = arith.addi %mul3A_2, %add3A_20 : i32
    %dma_start3A_22 = arith.constant 0 : i32
    %dma_start3A_23 = tpu.memref_slice %arg11[%add3A_21, %dma_start3A_22] : memref<10240x128xf32, #tpu.memory_space<vmem_shared>> -> memref<128x128xf32, #tpu.memory_space<vmem_shared>>
    %dma_start3A_24 = arith.constant 0 : i32
    %dma_start3A_25 = tpu.memref_slice %arg11[%add3A_21, %dma_start3A_24] : memref<10240x128xf32, #tpu.memory_space<vmem_shared>> -> memref<128x128xf32, #tpu.memory_space<vmem_shared>>
    tpu.enqueue_dma source(%arg6 : memref<128x128xf32, #tpu.memory_space<vmem>>) target(%dma_start3A_25 : memref<128x128xf32, #tpu.memory_space<vmem_shared>>) target_semaphore(%arg10 : memref<!tpu.dma_semaphore, #tpu.memory_space<semaphore_mem>>)
    %add3A_26 = arith.constant 256 : i32
    %add3A_27 = arith.addi %mul3A_2, %add3A_26 : i32
    %dma_start3A_28 = arith.constant 0 : i32
    %dma_start3A_29 = tpu.memref_slice %arg11[%add3A_27, %dma_start3A_28] : memref<10240x128xf32, #tpu.memory_space<vmem_shared>> -> memref<128x128xf32, #tpu.memory_space<vmem_shared>>
    %dma_start3A_30 = arith.constant 0 : i32
    %dma_start3A_31 = tpu.memref_slice %arg11[%add3A_27, %dma_start3A_30] : memref<10240x128xf32, #tpu.memory_space<vmem_shared>> -> memref<128x128xf32, #tpu.memory_space<vmem_shared>>
    tpu.enqueue_dma source(%arg6 : memref<128x128xf32, #tpu.memory_space<vmem>>) target(%dma_start3A_31 : memref<128x128xf32, #tpu.memory_space<vmem_shared>>) target_semaphore(%arg10 : memref<!tpu.dma_semaphore, #tpu.memory_space<semaphore_mem>>)
    %add3A_32 = arith.constant 384 : i32
    %add3A_33 = arith.addi %mul3A_2, %add3A_32 : i32
    %dma_start3A_34 = arith.constant 0 : i32
    %dma_start3A_35 = tpu.memref_slice %arg11[%add3A_33, %dma_start3A_34] : memref<10240x128xf32, #tpu.memory_space<vmem_shared>> -> memref<128x128xf32, #tpu.memory_space<vmem_shared>>
    %dma_start3A_36 = arith.constant 0 : i32
    %dma_start3A_37 = tpu.memref_slice %arg11[%add3A_33, %dma_start3A_36] : memref<10240x128xf32, #tpu.memory_space<vmem_shared>> -> memref<128x128xf32, #tpu.memory_space<vmem_shared>>
    tpu.enqueue_dma source(%arg6 : memref<128x128xf32, #tpu.memory_space<vmem>>) target(%dma_start3A_37 : memref<128x128xf32, #tpu.memory_space<vmem_shared>>) target_semaphore(%arg10 : memref<!tpu.dma_semaphore, #tpu.memory_space<semaphore_mem>>)
    %add3A_38 = arith.constant 512 : i32
    %add3A_39 = arith.addi %mul3A_2, %add3A_38 : i32
    %dma_start3A_40 = arith.constant 0 : i32
    %dma_start3A_41 = tpu.memref_slice %arg11[%add3A_39, %dma_start3A_40] : memref<10240x128xf32, #tpu.memory_space<vmem_shared>> -> memref<128x128xf32, #tpu.memory_space<vmem_shared>>
    %dma_start3A_42 = arith.constant 0 : i32
    %dma_start3A_43 = tpu.memref_slice %arg11[%add3A_39, %dma_start3A_42] : memref<10240x128xf32, #tpu.memory_space<vmem_shared>> -> memref<128x128xf32, #tpu.memory_space<vmem_shared>>
    tpu.enqueue_dma source(%arg6 : memref<128x128xf32, #tpu.memory_space<vmem>>) target(%dma_start3A_43 : memref<128x128xf32, #tpu.memory_space<vmem_shared>>) target_semaphore(%arg10 : memref<!tpu.dma_semaphore, #tpu.memory_space<semaphore_mem>>)
    %add3A_44 = arith.constant 0 : i32
    %add3A_45 = arith.addi %mul3A_2, %add3A_44 : i32
    %dma_wait3A = arith.constant 0 : i32
    %dma_wait3A_46 = tpu.memref_slice %arg11[%add3A_45, %dma_wait3A] : memref<10240x128xf32, #tpu.memory_space<vmem_shared>> -> memref<128x128xf32, #tpu.memory_space<vmem_shared>>
    %dma_wait3A_47 = arith.constant 0 : i32
    %dma_wait3A_48 = tpu.memref_slice %arg11[%add3A_45, %dma_wait3A_47] : memref<10240x128xf32, #tpu.memory_space<vmem_shared>> -> memref<128x128xf32, #tpu.memory_space<vmem_shared>>
    tpu.wait_dma2 semaphore(%arg10 : memref<!tpu.dma_semaphore, #tpu.memory_space<semaphore_mem>>) src(%arg6 : memref<128x128xf32, #tpu.memory_space<vmem>>) dst(%dma_wait3A_48 : memref<128x128xf32, #tpu.memory_space<vmem_shared>>)
    %add3A_49 = arith.constant 128 : i32
    %add3A_50 = arith.addi %mul3A_2, %add3A_49 : i32
    %dma_wait3A_51 = arith.constant 0 : i32
    %dma_wait3A_52 = tpu.memref_slice %arg11[%add3A_50, %dma_wait3A_51] : memref<10240x128xf32, #tpu.memory_space<vmem_shared>> -> memref<128x128xf32, #tpu.memory_space<vmem_shared>>
    %dma_wait3A_53 = arith.constant 0 : i32
    %dma_wait3A_54 = tpu.memref_slice %arg11[%add3A_50, %dma_wait3A_53] : memref<10240x128xf32, #tpu.memory_space<vmem_shared>> -> memref<128x128xf32, #tpu.memory_space<vmem_shared>>
    tpu.wait_dma2 semaphore(%arg10 : memref<!tpu.dma_semaphore, #tpu.memory_space<semaphore_mem>>) src(%arg6 : memref<128x128xf32, #tpu.memory_space<vmem>>) dst(%dma_wait3A_54 : memref<128x128xf32, #tpu.memory_space<vmem_shared>>)
    %add3A_55 = arith.constant 256 : i32
    %add3A_56 = arith.addi %mul3A_2, %add3A_55 : i32
    %dma_wait3A_57 = arith.constant 0 : i32
    %dma_wait3A_58 = tpu.memref_slice %arg11[%add3A_56, %dma_wait3A_57] : memref<10240x128xf32, #tpu.memory_space<vmem_shared>> -> memref<128x128xf32, #tpu.memory_space<vmem_shared>>
    %dma_wait3A_59 = arith.constant 0 : i32
    %dma_wait3A_60 = tpu.memref_slice %arg11[%add3A_56, %dma_wait3A_59] : memref<10240x128xf32, #tpu.memory_space<vmem_shared>> -> memref<128x128xf32, #tpu.memory_space<vmem_shared>>
    tpu.wait_dma2 semaphore(%arg10 : memref<!tpu.dma_semaphore, #tpu.memory_space<semaphore_mem>>) src(%arg6 : memref<128x128xf32, #tpu.memory_space<vmem>>) dst(%dma_wait3A_60 : memref<128x128xf32, #tpu.memory_space<vmem_shared>>)
    %add3A_61 = arith.constant 384 : i32
    %add3A_62 = arith.addi %mul3A_2, %add3A_61 : i32
    %dma_wait3A_63 = arith.constant 0 : i32
    %dma_wait3A_64 = tpu.memref_slice %arg11[%add3A_62, %dma_wait3A_63] : memref<10240x128xf32, #tpu.memory_space<vmem_shared>> -> memref<128x128xf32, #tpu.memory_space<vmem_shared>>
    %dma_wait3A_65 = arith.constant 0 : i32
    %dma_wait3A_66 = tpu.memref_slice %arg11[%add3A_62, %dma_wait3A_65] : memref<10240x128xf32, #tpu.memory_space<vmem_shared>> -> memref<128x128xf32, #tpu.memory_space<vmem_shared>>
    tpu.wait_dma2 semaphore(%arg10 : memref<!tpu.dma_semaphore, #tpu.memory_space<semaphore_mem>>) src(%arg6 : memref<128x128xf32, #tpu.memory_space<vmem>>) dst(%dma_wait3A_66 : memref<128x128xf32, #tpu.memory_space<vmem_shared>>)
    %add3A_67 = arith.constant 512 : i32
    %add3A_68 = arith.addi %mul3A_2, %add3A_67 : i32
    %dma_wait3A_69 = arith.constant 0 : i32
    %dma_wait3A_70 = tpu.memref_slice %arg11[%add3A_68, %dma_wait3A_69] : memref<10240x128xf32, #tpu.memory_space<vmem_shared>> -> memref<128x128xf32, #tpu.memory_space<vmem_shared>>
    %dma_wait3A_71 = arith.constant 0 : i32
    %dma_wait3A_72 = tpu.memref_slice %arg11[%add3A_68, %dma_wait3A_71] : memref<10240x128xf32, #tpu.memory_space<vmem_shared>> -> memref<128x128xf32, #tpu.memory_space<vmem_shared>>
    tpu.wait_dma2 semaphore(%arg10 : memref<!tpu.dma_semaphore, #tpu.memory_space<semaphore_mem>>) src(%arg6 : memref<128x128xf32, #tpu.memory_space<vmem>>) dst(%dma_wait3A_72 : memref<128x128xf32, #tpu.memory_space<vmem_shared>>)
    %dma_wait3A_73 = arith.constant 0 : i32
    %dma_wait3A_74 = arith.constant 0 : i32
    %dma_wait3A_75 = tpu.memref_slice %arg3[%add3A, %dma_wait3A_73, %dma_wait3A_74] : memref<32x80x128xi32, #tpu.memory_space<hbm>> -> memref<1x80x128xi32, #tpu.memory_space<hbm>>
    %dma_wait3A_76 = tpu.memref_squeeze %dma_wait3A_75 : memref<1x80x128xi32, #tpu.memory_space<hbm>> -> memref<80x128xi32, #tpu.memory_space<hbm>>
    %dma_wait3A_77 = arith.constant 0 : i32
    %dma_wait3A_78 = arith.constant 0 : i32
    %dma_wait3A_79 = tpu.memref_slice %arg3[%add3A, %dma_wait3A_77, %dma_wait3A_78] : memref<32x80x128xi32, #tpu.memory_space<hbm>> -> memref<1x80x128xi32, #tpu.memory_space<hbm>>
    %dma_wait3A_80 = tpu.memref_squeeze %dma_wait3A_79 : memref<1x80x128xi32, #tpu.memory_space<hbm>> -> memref<80x128xi32, #tpu.memory_space<hbm>>
    tpu.wait_dma2 semaphore(%arg10 : memref<!tpu.dma_semaphore, #tpu.memory_space<semaphore_mem>>) src(%dma_wait3A_80 : memref<80x128xi32, #tpu.memory_space<hbm>>) dst(%arg5 : memref<80x128xi32, #tpu.memory_space<vmem>>)
    %barrier3A = arith.constant 0 : index
    tpu.barrier barrier_id(%barrier3A)
    %mul3A_81 = arith.constant 80 : i32
    %mul3A_82 = arith.muli %add3A, %mul3A_81 : i32
    %add3A_83 = arith.constant 0 : i32
    %add3A_84 = arith.addi %mul3A_82, %add3A_83 : i32
    %mul3A_85 = arith.constant 128 : i32
    %mul3A_86 = arith.muli %add3A_84, %mul3A_85 : i32
    %dma_start3A_87 = arith.constant 0 : i32
    %dma_start3A_88 = tpu.memref_slice %arg2[%mul3A_86, %dma_start3A_87] : memref<327680x128xf32, #tpu.memory_space<hbm>> -> memref<128x128xf32, #tpu.memory_space<hbm>>
    %dma_start3A_89 = arith.constant 0 : i32
    %dma_start3A_90 = tpu.memref_slice %arg2[%mul3A_86, %dma_start3A_89] : memref<327680x128xf32, #tpu.memory_space<hbm>> -> memref<128x128xf32, #tpu.memory_space<hbm>>
    tpu.enqueue_dma source(%dma_start3A_90 : memref<128x128xf32, #tpu.memory_space<hbm>>) target(%arg6 : memref<128x128xf32, #tpu.memory_space<vmem>>) target_semaphore(%arg8 : memref<!tpu.dma_semaphore, #tpu.memory_space<semaphore_mem>>)
    %mul3A_91 = arith.constant 80 : i32
    %mul3A_92 = arith.muli %add3A, %mul3A_91 : i32
    %add3A_93 = arith.constant 1 : i32
    %add3A_94 = arith.addi %mul3A_92, %add3A_93 : i32
    %mul3A_95 = arith.constant 128 : i32
    %mul3A_96 = arith.muli %add3A_94, %mul3A_95 : i32
    %dma_start3A_97 = arith.constant 0 : i32
    %dma_start3A_98 = tpu.memref_slice %arg2[%mul3A_96, %dma_start3A_97] : memref<327680x128xf32, #tpu.memory_space<hbm>> -> memref<128x128xf32, #tpu.memory_space<hbm>>
    %dma_start3A_99 = arith.constant 0 : i32
    %dma_start3A_100 = tpu.memref_slice %arg2[%mul3A_96, %dma_start3A_99] : memref<327680x128xf32, #tpu.memory_space<hbm>> -> memref<128x128xf32, #tpu.memory_space<hbm>>
    tpu.enqueue_dma source(%dma_start3A_100 : memref<128x128xf32, #tpu.memory_space<hbm>>) target(%arg7 : memref<128x128xf32, #tpu.memory_space<vmem>>) target_semaphore(%arg9 : memref<!tpu.dma_semaphore, #tpu.memory_space<semaphore_mem>>)
    %scan3A_101 = arith.constant 0 : i32
    %scan3A_102 = arith.constant 40 : i32
    %scan3A_103 = arith.addi %scan3A_101, %scan3A_102 : i32
    %scan3A_104 = arith.constant 1 : i32
    scf.for %scan3A_207 = %scan3A_101 to %scan3A_103 step %scan3A_104  : i32 {
      %mul3A_208 = arith.constant 2 : i32
      %mul3A_209 = arith.muli %scan3A_207, %mul3A_208 : i32
      %add3A_210 = arith.constant 0 : i32
      %add3A_211 = arith.addi %add3A_210, %mul3A_209 : i32
      %add3A_212 = arith.constant 0 : i32
      %add3A_213 = arith.addi %add3A_211, %add3A_212 : i32
      %mul3A_214 = arith.constant 80 : i32
      %mul3A_215 = arith.muli %add3A, %mul3A_214 : i32
      %add3A_216 = arith.addi %mul3A_215, %add3A_213 : i32
      %mul3A_217 = arith.constant 128 : i32
      %mul3A_218 = arith.muli %add3A_216, %mul3A_217 : i32
      %dma_wait3A_219 = arith.constant 0 : i32
      %dma_wait3A_220 = tpu.memref_slice %arg2[%mul3A_218, %dma_wait3A_219] : memref<327680x128xf32, #tpu.memory_space<hbm>> -> memref<128x128xf32, #tpu.memory_space<hbm>>
      %dma_wait3A_221 = arith.constant 0 : i32
      %dma_wait3A_222 = tpu.memref_slice %arg2[%mul3A_218, %dma_wait3A_221] : memref<327680x128xf32, #tpu.memory_space<hbm>> -> memref<128x128xf32, #tpu.memory_space<hbm>>
      tpu.wait_dma2 semaphore(%arg8 : memref<!tpu.dma_semaphore, #tpu.memory_space<semaphore_mem>>) src(%dma_wait3A_222 : memref<128x128xf32, #tpu.memory_space<hbm>>) dst(%arg6 : memref<128x128xf32, #tpu.memory_space<vmem>>)
      "tpu.region"() ({
        %run_scoped3A = tpu.sem_alloc : memref<!tpu.dma_semaphore, #tpu.memory_space<semaphore_mem>>
        %dma_start3A_245 = arith.constant 0 : i32
        %dma_start3A_246 = tpu.memref_slice %arg5[%add3A_213, %dma_start3A_245] : memref<80x128xi32, #tpu.memory_space<vmem>> -> memref<1x128xi32, #tpu.memory_space<vmem>>
        %dma_start3A_247 = tpu.memref_squeeze %dma_start3A_246 : memref<1x128xi32, #tpu.memory_space<vmem>> -> memref<128xi32, #tpu.memory_space<vmem>>
        %dma_start3A_248 = arith.constant 0 : i32
        %dma_start3A_249 = arith.constant 0 : i32
        %dma_start3A_250 = tpu.memref_slice %arg11[%dma_start3A_248, %dma_start3A_249] : memref<10240x128xf32, #tpu.memory_space<vmem_shared>> -> memref<10240x128xf32, #tpu.memory_space<vmem_shared>>
        tpu.enqueue_indirect_dma source(%arg6 : memref<128x128xf32, #tpu.memory_space<vmem>>) target(%dma_start3A_250 : memref<10240x128xf32, #tpu.memory_space<vmem_shared>>) offsets(%dma_start3A_247 : memref<128xi32, #tpu.memory_space<vmem>>) semaphore(%run_scoped3A : memref<!tpu.dma_semaphore, #tpu.memory_space<semaphore_mem>>) {add = true}
        %dma_wait3A_251 = arith.constant 0 : i32
        %dma_wait3A_252 = tpu.memref_slice %arg5[%add3A_213, %dma_wait3A_251] : memref<80x128xi32, #tpu.memory_space<vmem>> -> memref<1x128xi32, #tpu.memory_space<vmem>>
        %dma_wait3A_253 = tpu.memref_squeeze %dma_wait3A_252 : memref<1x128xi32, #tpu.memory_space<vmem>> -> memref<128xi32, #tpu.memory_space<vmem>>
        %dma_wait3A_254 = arith.constant 0 : i32
        %dma_wait3A_255 = arith.constant 0 : i32
        %dma_wait3A_256 = tpu.memref_slice %arg11[%dma_wait3A_254, %dma_wait3A_255] : memref<10240x128xf32, #tpu.memory_space<vmem_shared>> -> memref<10240x128xf32, #tpu.memory_space<vmem_shared>>
        tpu.wait_indirect_dma semaphore(%run_scoped3A : memref<!tpu.dma_semaphore, #tpu.memory_space<semaphore_mem>>) src(%arg6 : memref<128x128xf32, #tpu.memory_space<vmem>>) dst(%dma_wait3A_256 : memref<10240x128xf32, #tpu.memory_space<vmem_shared>>)
        tpu.yield
      }) : () -> ()
      %add3A_223 = arith.constant 2 : i32
      %add3A_224 = arith.addi %add3A_213, %add3A_223 : i32
      %lt3A = arith.constant 80 : i32
      %lt3A_225 = arith.cmpi slt, %add3A_224, %lt3A : i32
      %convert_element_type3A = arith.extui %lt3A_225 : i1 to i32
      %cond3A = arith.constant 0 : i32
      %cond3A_226 = arith.cmpi ne, %convert_element_type3A, %cond3A : i32
      scf.if %cond3A_226 {
        %mul3A_245 = arith.constant 80 : i32
        %mul3A_246 = arith.muli %add3A, %mul3A_245 : i32
        %add3A_247 = arith.addi %mul3A_246, %add3A_213 : i32
        %add3A_248 = arith.constant 2 : i32
        %add3A_249 = arith.addi %add3A_247, %add3A_248 : i32
        %mul3A_250 = arith.constant 128 : i32
        %mul3A_251 = arith.muli %add3A_249, %mul3A_250 : i32
        %dma_start3A_252 = arith.constant 0 : i32
        %dma_start3A_253 = tpu.memref_slice %arg2[%mul3A_251, %dma_start3A_252] : memref<327680x128xf32, #tpu.memory_space<hbm>> -> memref<128x128xf32, #tpu.memory_space<hbm>>
        %dma_start3A_254 = arith.constant 0 : i32
        %dma_start3A_255 = tpu.memref_slice %arg2[%mul3A_251, %dma_start3A_254] : memref<327680x128xf32, #tpu.memory_space<hbm>> -> memref<128x128xf32, #tpu.memory_space<hbm>>
        tpu.enqueue_dma source(%dma_start3A_255 : memref<128x128xf32, #tpu.memory_space<hbm>>) target(%arg6 : memref<128x128xf32, #tpu.memory_space<vmem>>) target_semaphore(%arg8 : memref<!tpu.dma_semaphore, #tpu.memory_space<semaphore_mem>>)
      } else {
      }
      %add3A_227 = arith.constant 1 : i32
      %add3A_228 = arith.addi %add3A_211, %add3A_227 : i32
      %mul3A_229 = arith.constant 80 : i32
      %mul3A_230 = arith.muli %add3A, %mul3A_229 : i32
      %add3A_231 = arith.addi %mul3A_230, %add3A_228 : i32
      %mul3A_232 = arith.constant 128 : i32
      %mul3A_233 = arith.muli %add3A_231, %mul3A_232 : i32
      %dma_wait3A_234 = arith.constant 0 : i32
      %dma_wait3A_235 = tpu.memref_slice %arg2[%mul3A_233, %dma_wait3A_234] : memref<327680x128xf32, #tpu.memory_space<hbm>> -> memref<128x128xf32, #tpu.memory_space<hbm>>
      %dma_wait3A_236 = arith.constant 0 : i32
      %dma_wait3A_237 = tpu.memref_slice %arg2[%mul3A_233, %dma_wait3A_236] : memref<327680x128xf32, #tpu.memory_space<hbm>> -> memref<128x128xf32, #tpu.memory_space<hbm>>
      tpu.wait_dma2 semaphore(%arg9 : memref<!tpu.dma_semaphore, #tpu.memory_space<semaphore_mem>>) src(%dma_wait3A_237 : memref<128x128xf32, #tpu.memory_space<hbm>>) dst(%arg7 : memref<128x128xf32, #tpu.memory_space<vmem>>)
      "tpu.region"() ({
        %run_scoped3A = tpu.sem_alloc : memref<!tpu.dma_semaphore, #tpu.memory_space<semaphore_mem>>
        %dma_start3A_245 = arith.constant 0 : i32
        %dma_start3A_246 = tpu.memref_slice %arg5[%add3A_228, %dma_start3A_245] : memref<80x128xi32, #tpu.memory_space<vmem>> -> memref<1x128xi32, #tpu.memory_space<vmem>>
        %dma_start3A_247 = tpu.memref_squeeze %dma_start3A_246 : memref<1x128xi32, #tpu.memory_space<vmem>> -> memref<128xi32, #tpu.memory_space<vmem>>
        %dma_start3A_248 = arith.constant 0 : i32
        %dma_start3A_249 = arith.constant 0 : i32
        %dma_start3A_250 = tpu.memref_slice %arg11[%dma_start3A_248, %dma_start3A_249] : memref<10240x128xf32, #tpu.memory_space<vmem_shared>> -> memref<10240x128xf32, #tpu.memory_space<vmem_shared>>
        tpu.enqueue_indirect_dma source(%arg7 : memref<128x128xf32, #tpu.memory_space<vmem>>) target(%dma_start3A_250 : memref<10240x128xf32, #tpu.memory_space<vmem_shared>>) offsets(%dma_start3A_247 : memref<128xi32, #tpu.memory_space<vmem>>) semaphore(%run_scoped3A : memref<!tpu.dma_semaphore, #tpu.memory_space<semaphore_mem>>) {add = true}
        %dma_wait3A_251 = arith.constant 0 : i32
        %dma_wait3A_252 = tpu.memref_slice %arg5[%add3A_228, %dma_wait3A_251] : memref<80x128xi32, #tpu.memory_space<vmem>> -> memref<1x128xi32, #tpu.memory_space<vmem>>
        %dma_wait3A_253 = tpu.memref_squeeze %dma_wait3A_252 : memref<1x128xi32, #tpu.memory_space<vmem>> -> memref<128xi32, #tpu.memory_space<vmem>>
        %dma_wait3A_254 = arith.constant 0 : i32
        %dma_wait3A_255 = arith.constant 0 : i32
        %dma_wait3A_256 = tpu.memref_slice %arg11[%dma_wait3A_254, %dma_wait3A_255] : memref<10240x128xf32, #tpu.memory_space<vmem_shared>> -> memref<10240x128xf32, #tpu.memory_space<vmem_shared>>
        tpu.wait_indirect_dma semaphore(%run_scoped3A : memref<!tpu.dma_semaphore, #tpu.memory_space<semaphore_mem>>) src(%arg7 : memref<128x128xf32, #tpu.memory_space<vmem>>) dst(%dma_wait3A_256 : memref<10240x128xf32, #tpu.memory_space<vmem_shared>>)
        tpu.yield
      }) : () -> ()
      %add3A_238 = arith.constant 2 : i32
      %add3A_239 = arith.addi %add3A_228, %add3A_238 : i32
      %lt3A_240 = arith.constant 80 : i32
      %lt3A_241 = arith.cmpi slt, %add3A_239, %lt3A_240 : i32
      %convert_element_type3A_242 = arith.extui %lt3A_241 : i1 to i32
      %cond3A_243 = arith.constant 0 : i32
      %cond3A_244 = arith.cmpi ne, %convert_element_type3A_242, %cond3A_243 : i32
      scf.if %cond3A_244 {
        %mul3A_245 = arith.constant 80 : i32
        %mul3A_246 = arith.muli %add3A, %mul3A_245 : i32
        %add3A_247 = arith.addi %mul3A_246, %add3A_228 : i32
        %add3A_248 = arith.constant 2 : i32
        %add3A_249 = arith.addi %add3A_247, %add3A_248 : i32
        %mul3A_250 = arith.constant 128 : i32
        %mul3A_251 = arith.muli %add3A_249, %mul3A_250 : i32
        %dma_start3A_252 = arith.constant 0 : i32
        %dma_start3A_253 = tpu.memref_slice %arg2[%mul3A_251, %dma_start3A_252] : memref<327680x128xf32, #tpu.memory_space<hbm>> -> memref<128x128xf32, #tpu.memory_space<hbm>>
        %dma_start3A_254 = arith.constant 0 : i32
        %dma_start3A_255 = tpu.memref_slice %arg2[%mul3A_251, %dma_start3A_254] : memref<327680x128xf32, #tpu.memory_space<hbm>> -> memref<128x128xf32, #tpu.memory_space<hbm>>
        tpu.enqueue_dma source(%dma_start3A_255 : memref<128x128xf32, #tpu.memory_space<hbm>>) target(%arg7 : memref<128x128xf32, #tpu.memory_space<vmem>>) target_semaphore(%arg9 : memref<!tpu.dma_semaphore, #tpu.memory_space<semaphore_mem>>)
      } else {
      }
    }
    %scan3A_105 = arith.constant 40 : i32
    %barrier3A_106 = arith.constant 0 : index
    tpu.barrier barrier_id(%barrier3A_106)
    %add3A_107 = arith.constant 0 : i32
    %add3A_108 = arith.addi %mul3A_2, %add3A_107 : i32
    "tpu.region"() ({
      %run_scoped3A = tpu.sem_alloc : memref<!tpu.dma_semaphore, #tpu.memory_space<semaphore_mem>>
      %dma_start3A_207 = arith.constant 0 : i32
      %dma_start3A_208 = tpu.memref_slice %arg11[%add3A_108, %dma_start3A_207] : memref<10240x128xf32, #tpu.memory_space<vmem_shared>> -> memref<128x128xf32, #tpu.memory_space<vmem_shared>>
      %dma_start3A_209 = arith.constant 0 : i32
      %dma_start3A_210 = tpu.memref_slice %arg11[%add3A_108, %dma_start3A_209] : memref<10240x128xf32, #tpu.memory_space<vmem_shared>> -> memref<128x128xf32, #tpu.memory_space<vmem_shared>>
      tpu.enqueue_dma source(%dma_start3A_210 : memref<128x128xf32, #tpu.memory_space<vmem_shared>>) target(%arg6 : memref<128x128xf32, #tpu.memory_space<vmem>>) target_semaphore(%run_scoped3A : memref<!tpu.dma_semaphore, #tpu.memory_space<semaphore_mem>>)
      %dma_wait3A_211 = arith.constant 0 : i32
      %dma_wait3A_212 = tpu.memref_slice %arg11[%add3A_108, %dma_wait3A_211] : memref<10240x128xf32, #tpu.memory_space<vmem_shared>> -> memref<128x128xf32, #tpu.memory_space<vmem_shared>>
      %dma_wait3A_213 = arith.constant 0 : i32
      %dma_wait3A_214 = tpu.memref_slice %arg11[%add3A_108, %dma_wait3A_213] : memref<10240x128xf32, #tpu.memory_space<vmem_shared>> -> memref<128x128xf32, #tpu.memory_space<vmem_shared>>
      tpu.wait_dma2 semaphore(%run_scoped3A : memref<!tpu.dma_semaphore, #tpu.memory_space<semaphore_mem>>) src(%dma_wait3A_214 : memref<128x128xf32, #tpu.memory_space<vmem_shared>>) dst(%arg6 : memref<128x128xf32, #tpu.memory_space<vmem>>)
      tpu.yield
    }) : () -> ()
    %mul3A_109 = arith.constant 10240 : i32
    %mul3A_110 = arith.muli %arg0, %mul3A_109 : i32
    %add3A_111 = arith.addi %mul3A_110, %mul3A_2 : i32
    %add3A_112 = arith.constant 0 : i32
    %add3A_113 = arith.addi %add3A_111, %add3A_112 : i32
    %dma_start3A_114 = arith.constant 0 : i32
    %dma_start3A_115 = tpu.memref_slice %arg4[%add3A_113, %dma_start3A_114] : memref<20480x128xf32, #tpu.memory_space<hbm>> -> memref<128x128xf32, #tpu.memory_space<hbm>>
    %dma_start3A_116 = arith.constant 0 : i32
    %dma_start3A_117 = tpu.memref_slice %arg4[%add3A_113, %dma_start3A_116] : memref<20480x128xf32, #tpu.memory_space<hbm>> -> memref<128x128xf32, #tpu.memory_space<hbm>>
    tpu.enqueue_dma source(%arg6 : memref<128x128xf32, #tpu.memory_space<vmem>>) target(%dma_start3A_117 : memref<128x128xf32, #tpu.memory_space<hbm>>) target_semaphore(%arg8 : memref<!tpu.dma_semaphore, #tpu.memory_space<semaphore_mem>>)
    %add3A_118 = arith.constant 128 : i32
    %add3A_119 = arith.addi %mul3A_2, %add3A_118 : i32
    "tpu.region"() ({
      %run_scoped3A = tpu.sem_alloc : memref<!tpu.dma_semaphore, #tpu.memory_space<semaphore_mem>>
      %dma_start3A_207 = arith.constant 0 : i32
      %dma_start3A_208 = tpu.memref_slice %arg11[%add3A_119, %dma_start3A_207] : memref<10240x128xf32, #tpu.memory_space<vmem_shared>> -> memref<128x128xf32, #tpu.memory_space<vmem_shared>>
      %dma_start3A_209 = arith.constant 0 : i32
      %dma_start3A_210 = tpu.memref_slice %arg11[%add3A_119, %dma_start3A_209] : memref<10240x128xf32, #tpu.memory_space<vmem_shared>> -> memref<128x128xf32, #tpu.memory_space<vmem_shared>>
      tpu.enqueue_dma source(%dma_start3A_210 : memref<128x128xf32, #tpu.memory_space<vmem_shared>>) target(%arg7 : memref<128x128xf32, #tpu.memory_space<vmem>>) target_semaphore(%run_scoped3A : memref<!tpu.dma_semaphore, #tpu.memory_space<semaphore_mem>>)
      %dma_wait3A_211 = arith.constant 0 : i32
      %dma_wait3A_212 = tpu.memref_slice %arg11[%add3A_119, %dma_wait3A_211] : memref<10240x128xf32, #tpu.memory_space<vmem_shared>> -> memref<128x128xf32, #tpu.memory_space<vmem_shared>>
      %dma_wait3A_213 = arith.constant 0 : i32
      %dma_wait3A_214 = tpu.memref_slice %arg11[%add3A_119, %dma_wait3A_213] : memref<10240x128xf32, #tpu.memory_space<vmem_shared>> -> memref<128x128xf32, #tpu.memory_space<vmem_shared>>
      tpu.wait_dma2 semaphore(%run_scoped3A : memref<!tpu.dma_semaphore, #tpu.memory_space<semaphore_mem>>) src(%dma_wait3A_214 : memref<128x128xf32, #tpu.memory_space<vmem_shared>>) dst(%arg7 : memref<128x128xf32, #tpu.memory_space<vmem>>)
      tpu.yield
    }) : () -> ()
    %mul3A_120 = arith.constant 10240 : i32
    %mul3A_121 = arith.muli %arg0, %mul3A_120 : i32
    %add3A_122 = arith.addi %mul3A_121, %mul3A_2 : i32
    %add3A_123 = arith.constant 128 : i32
    %add3A_124 = arith.addi %add3A_122, %add3A_123 : i32
    %dma_start3A_125 = arith.constant 0 : i32
    %dma_start3A_126 = tpu.memref_slice %arg4[%add3A_124, %dma_start3A_125] : memref<20480x128xf32, #tpu.memory_space<hbm>> -> memref<128x128xf32, #tpu.memory_space<hbm>>
    %dma_start3A_127 = arith.constant 0 : i32
    %dma_start3A_128 = tpu.memref_slice %arg4[%add3A_124, %dma_start3A_127] : memref<20480x128xf32, #tpu.memory_space<hbm>> -> memref<128x128xf32, #tpu.memory_space<hbm>>
    tpu.enqueue_dma source(%arg7 : memref<128x128xf32, #tpu.memory_space<vmem>>) target(%dma_start3A_128 : memref<128x128xf32, #tpu.memory_space<hbm>>) target_semaphore(%arg9 : memref<!tpu.dma_semaphore, #tpu.memory_space<semaphore_mem>>)
    %mul3A_129 = arith.constant 10240 : i32
    %mul3A_130 = arith.muli %arg0, %mul3A_129 : i32
    %add3A_131 = arith.addi %mul3A_130, %mul3A_2 : i32
    %add3A_132 = arith.constant 0 : i32
    %add3A_133 = arith.addi %add3A_131, %add3A_132 : i32
    %dma_wait3A_134 = arith.constant 0 : i32
    %dma_wait3A_135 = tpu.memref_slice %arg4[%add3A_133, %dma_wait3A_134] : memref<20480x128xf32, #tpu.memory_space<hbm>> -> memref<128x128xf32, #tpu.memory_space<hbm>>
    %dma_wait3A_136 = arith.constant 0 : i32
    %dma_wait3A_137 = tpu.memref_slice %arg4[%add3A_133, %dma_wait3A_136] : memref<20480x128xf32, #tpu.memory_space<hbm>> -> memref<128x128xf32, #tpu.memory_space<hbm>>
    tpu.wait_dma2 semaphore(%arg8 : memref<!tpu.dma_semaphore, #tpu.memory_space<semaphore_mem>>) src(%arg6 : memref<128x128xf32, #tpu.memory_space<vmem>>) dst(%dma_wait3A_137 : memref<128x128xf32, #tpu.memory_space<hbm>>)
    %add3A_138 = arith.constant 256 : i32
    %add3A_139 = arith.addi %mul3A_2, %add3A_138 : i32
    "tpu.region"() ({
      %run_scoped3A = tpu.sem_alloc : memref<!tpu.dma_semaphore, #tpu.memory_space<semaphore_mem>>
      %dma_start3A_207 = arith.constant 0 : i32
      %dma_start3A_208 = tpu.memref_slice %arg11[%add3A_139, %dma_start3A_207] : memref<10240x128xf32, #tpu.memory_space<vmem_shared>> -> memref<128x128xf32, #tpu.memory_space<vmem_shared>>
      %dma_start3A_209 = arith.constant 0 : i32
      %dma_start3A_210 = tpu.memref_slice %arg11[%add3A_139, %dma_start3A_209] : memref<10240x128xf32, #tpu.memory_space<vmem_shared>> -> memref<128x128xf32, #tpu.memory_space<vmem_shared>>
      tpu.enqueue_dma source(%dma_start3A_210 : memref<128x128xf32, #tpu.memory_space<vmem_shared>>) target(%arg6 : memref<128x128xf32, #tpu.memory_space<vmem>>) target_semaphore(%run_scoped3A : memref<!tpu.dma_semaphore, #tpu.memory_space<semaphore_mem>>)
      %dma_wait3A_211 = arith.constant 0 : i32
      %dma_wait3A_212 = tpu.memref_slice %arg11[%add3A_139, %dma_wait3A_211] : memref<10240x128xf32, #tpu.memory_space<vmem_shared>> -> memref<128x128xf32, #tpu.memory_space<vmem_shared>>
      %dma_wait3A_213 = arith.constant 0 : i32
      %dma_wait3A_214 = tpu.memref_slice %arg11[%add3A_139, %dma_wait3A_213] : memref<10240x128xf32, #tpu.memory_space<vmem_shared>> -> memref<128x128xf32, #tpu.memory_space<vmem_shared>>
      tpu.wait_dma2 semaphore(%run_scoped3A : memref<!tpu.dma_semaphore, #tpu.memory_space<semaphore_mem>>) src(%dma_wait3A_214 : memref<128x128xf32, #tpu.memory_space<vmem_shared>>) dst(%arg6 : memref<128x128xf32, #tpu.memory_space<vmem>>)
      tpu.yield
    }) : () -> ()
    %mul3A_140 = arith.constant 10240 : i32
    %mul3A_141 = arith.muli %arg0, %mul3A_140 : i32
    %add3A_142 = arith.addi %mul3A_141, %mul3A_2 : i32
    %add3A_143 = arith.constant 256 : i32
    %add3A_144 = arith.addi %add3A_142, %add3A_143 : i32
    %dma_start3A_145 = arith.constant 0 : i32
    %dma_start3A_146 = tpu.memref_slice %arg4[%add3A_144, %dma_start3A_145] : memref<20480x128xf32, #tpu.memory_space<hbm>> -> memref<128x128xf32, #tpu.memory_space<hbm>>
    %dma_start3A_147 = arith.constant 0 : i32
    %dma_start3A_148 = tpu.memref_slice %arg4[%add3A_144, %dma_start3A_147] : memref<20480x128xf32, #tpu.memory_space<hbm>> -> memref<128x128xf32, #tpu.memory_space<hbm>>
    tpu.enqueue_dma source(%arg6 : memref<128x128xf32, #tpu.memory_space<vmem>>) target(%dma_start3A_148 : memref<128x128xf32, #tpu.memory_space<hbm>>) target_semaphore(%arg8 : memref<!tpu.dma_semaphore, #tpu.memory_space<semaphore_mem>>)
    %mul3A_149 = arith.constant 10240 : i32
    %mul3A_150 = arith.muli %arg0, %mul3A_149 : i32
    %add3A_151 = arith.addi %mul3A_150, %mul3A_2 : i32
    %add3A_152 = arith.constant 128 : i32
    %add3A_153 = arith.addi %add3A_151, %add3A_152 : i32
    %dma_wait3A_154 = arith.constant 0 : i32
    %dma_wait3A_155 = tpu.memref_slice %arg4[%add3A_153, %dma_wait3A_154] : memref<20480x128xf32, #tpu.memory_space<hbm>> -> memref<128x128xf32, #tpu.memory_space<hbm>>
    %dma_wait3A_156 = arith.constant 0 : i32
    %dma_wait3A_157 = tpu.memref_slice %arg4[%add3A_153, %dma_wait3A_156] : memref<20480x128xf32, #tpu.memory_space<hbm>> -> memref<128x128xf32, #tpu.memory_space<hbm>>
    tpu.wait_dma2 semaphore(%arg9 : memref<!tpu.dma_semaphore, #tpu.memory_space<semaphore_mem>>) src(%arg7 : memref<128x128xf32, #tpu.memory_space<vmem>>) dst(%dma_wait3A_157 : memref<128x128xf32, #tpu.memory_space<hbm>>)
    %add3A_158 = arith.constant 384 : i32
    %add3A_159 = arith.addi %mul3A_2, %add3A_158 : i32
    "tpu.region"() ({
      %run_scoped3A = tpu.sem_alloc : memref<!tpu.dma_semaphore, #tpu.memory_space<semaphore_mem>>
      %dma_start3A_207 = arith.constant 0 : i32
      %dma_start3A_208 = tpu.memref_slice %arg11[%add3A_159, %dma_start3A_207] : memref<10240x128xf32, #tpu.memory_space<vmem_shared>> -> memref<128x128xf32, #tpu.memory_space<vmem_shared>>
      %dma_start3A_209 = arith.constant 0 : i32
      %dma_start3A_210 = tpu.memref_slice %arg11[%add3A_159, %dma_start3A_209] : memref<10240x128xf32, #tpu.memory_space<vmem_shared>> -> memref<128x128xf32, #tpu.memory_space<vmem_shared>>
      tpu.enqueue_dma source(%dma_start3A_210 : memref<128x128xf32, #tpu.memory_space<vmem_shared>>) target(%arg7 : memref<128x128xf32, #tpu.memory_space<vmem>>) target_semaphore(%run_scoped3A : memref<!tpu.dma_semaphore, #tpu.memory_space<semaphore_mem>>)
      %dma_wait3A_211 = arith.constant 0 : i32
      %dma_wait3A_212 = tpu.memref_slice %arg11[%add3A_159, %dma_wait3A_211] : memref<10240x128xf32, #tpu.memory_space<vmem_shared>> -> memref<128x128xf32, #tpu.memory_space<vmem_shared>>
      %dma_wait3A_213 = arith.constant 0 : i32
      %dma_wait3A_214 = tpu.memref_slice %arg11[%add3A_159, %dma_wait3A_213] : memref<10240x128xf32, #tpu.memory_space<vmem_shared>> -> memref<128x128xf32, #tpu.memory_space<vmem_shared>>
      tpu.wait_dma2 semaphore(%run_scoped3A : memref<!tpu.dma_semaphore, #tpu.memory_space<semaphore_mem>>) src(%dma_wait3A_214 : memref<128x128xf32, #tpu.memory_space<vmem_shared>>) dst(%arg7 : memref<128x128xf32, #tpu.memory_space<vmem>>)
      tpu.yield
    }) : () -> ()
    %mul3A_160 = arith.constant 10240 : i32
    %mul3A_161 = arith.muli %arg0, %mul3A_160 : i32
    %add3A_162 = arith.addi %mul3A_161, %mul3A_2 : i32
    %add3A_163 = arith.constant 384 : i32
    %add3A_164 = arith.addi %add3A_162, %add3A_163 : i32
    %dma_start3A_165 = arith.constant 0 : i32
    %dma_start3A_166 = tpu.memref_slice %arg4[%add3A_164, %dma_start3A_165] : memref<20480x128xf32, #tpu.memory_space<hbm>> -> memref<128x128xf32, #tpu.memory_space<hbm>>
    %dma_start3A_167 = arith.constant 0 : i32
    %dma_start3A_168 = tpu.memref_slice %arg4[%add3A_164, %dma_start3A_167] : memref<20480x128xf32, #tpu.memory_space<hbm>> -> memref<128x128xf32, #tpu.memory_space<hbm>>
    tpu.enqueue_dma source(%arg7 : memref<128x128xf32, #tpu.memory_space<vmem>>) target(%dma_start3A_168 : memref<128x128xf32, #tpu.memory_space<hbm>>) target_semaphore(%arg9 : memref<!tpu.dma_semaphore, #tpu.memory_space<semaphore_mem>>)
    %mul3A_169 = arith.constant 10240 : i32
    %mul3A_170 = arith.muli %arg0, %mul3A_169 : i32
    %add3A_171 = arith.addi %mul3A_170, %mul3A_2 : i32
    %add3A_172 = arith.constant 256 : i32
    %add3A_173 = arith.addi %add3A_171, %add3A_172 : i32
    %dma_wait3A_174 = arith.constant 0 : i32
    %dma_wait3A_175 = tpu.memref_slice %arg4[%add3A_173, %dma_wait3A_174] : memref<20480x128xf32, #tpu.memory_space<hbm>> -> memref<128x128xf32, #tpu.memory_space<hbm>>
    %dma_wait3A_176 = arith.constant 0 : i32
    %dma_wait3A_177 = tpu.memref_slice %arg4[%add3A_173, %dma_wait3A_176] : memref<20480x128xf32, #tpu.memory_space<hbm>> -> memref<128x128xf32, #tpu.memory_space<hbm>>
    tpu.wait_dma2 semaphore(%arg8 : memref<!tpu.dma_semaphore, #tpu.memory_space<semaphore_mem>>) src(%arg6 : memref<128x128xf32, #tpu.memory_space<vmem>>) dst(%dma_wait3A_177 : memref<128x128xf32, #tpu.memory_space<hbm>>)
    %add3A_178 = arith.constant 512 : i32
    %add3A_179 = arith.addi %mul3A_2, %add3A_178 : i32
    "tpu.region"() ({
      %run_scoped3A = tpu.sem_alloc : memref<!tpu.dma_semaphore, #tpu.memory_space<semaphore_mem>>
      %dma_start3A_207 = arith.constant 0 : i32
      %dma_start3A_208 = tpu.memref_slice %arg11[%add3A_179, %dma_start3A_207] : memref<10240x128xf32, #tpu.memory_space<vmem_shared>> -> memref<128x128xf32, #tpu.memory_space<vmem_shared>>
      %dma_start3A_209 = arith.constant 0 : i32
      %dma_start3A_210 = tpu.memref_slice %arg11[%add3A_179, %dma_start3A_209] : memref<10240x128xf32, #tpu.memory_space<vmem_shared>> -> memref<128x128xf32, #tpu.memory_space<vmem_shared>>
      tpu.enqueue_dma source(%dma_start3A_210 : memref<128x128xf32, #tpu.memory_space<vmem_shared>>) target(%arg6 : memref<128x128xf32, #tpu.memory_space<vmem>>) target_semaphore(%run_scoped3A : memref<!tpu.dma_semaphore, #tpu.memory_space<semaphore_mem>>)
      %dma_wait3A_211 = arith.constant 0 : i32
      %dma_wait3A_212 = tpu.memref_slice %arg11[%add3A_179, %dma_wait3A_211] : memref<10240x128xf32, #tpu.memory_space<vmem_shared>> -> memref<128x128xf32, #tpu.memory_space<vmem_shared>>
      %dma_wait3A_213 = arith.constant 0 : i32
      %dma_wait3A_214 = tpu.memref_slice %arg11[%add3A_179, %dma_wait3A_213] : memref<10240x128xf32, #tpu.memory_space<vmem_shared>> -> memref<128x128xf32, #tpu.memory_space<vmem_shared>>
      tpu.wait_dma2 semaphore(%run_scoped3A : memref<!tpu.dma_semaphore, #tpu.memory_space<semaphore_mem>>) src(%dma_wait3A_214 : memref<128x128xf32, #tpu.memory_space<vmem_shared>>) dst(%arg6 : memref<128x128xf32, #tpu.memory_space<vmem>>)
      tpu.yield
    }) : () -> ()
    %mul3A_180 = arith.constant 10240 : i32
    %mul3A_181 = arith.muli %arg0, %mul3A_180 : i32
    %add3A_182 = arith.addi %mul3A_181, %mul3A_2 : i32
    %add3A_183 = arith.constant 512 : i32
    %add3A_184 = arith.addi %add3A_182, %add3A_183 : i32
    %dma_start3A_185 = arith.constant 0 : i32
    %dma_start3A_186 = tpu.memref_slice %arg4[%add3A_184, %dma_start3A_185] : memref<20480x128xf32, #tpu.memory_space<hbm>> -> memref<128x128xf32, #tpu.memory_space<hbm>>
    %dma_start3A_187 = arith.constant 0 : i32
    %dma_start3A_188 = tpu.memref_slice %arg4[%add3A_184, %dma_start3A_187] : memref<20480x128xf32, #tpu.memory_space<hbm>> -> memref<128x128xf32, #tpu.memory_space<hbm>>
    tpu.enqueue_dma source(%arg6 : memref<128x128xf32, #tpu.memory_space<vmem>>) target(%dma_start3A_188 : memref<128x128xf32, #tpu.memory_space<hbm>>) target_semaphore(%arg8 : memref<!tpu.dma_semaphore, #tpu.memory_space<semaphore_mem>>)
    %mul3A_189 = arith.constant 10240 : i32
    %mul3A_190 = arith.muli %arg0, %mul3A_189 : i32
    %add3A_191 = arith.addi %mul3A_190, %mul3A_2 : i32
    %add3A_192 = arith.constant 384 : i32
    %add3A_193 = arith.addi %add3A_191, %add3A_192 : i32
    %dma_wait3A_194 = arith.constant 0 : i32
    %dma_wait3A_195 = tpu.memref_slice %arg4[%add3A_193, %dma_wait3A_194] : memref<20480x128xf32, #tpu.memory_space<hbm>> -> memref<128x128xf32, #tpu.memory_space<hbm>>
    %dma_wait3A_196 = arith.constant 0 : i32
    %dma_wait3A_197 = tpu.memref_slice %arg4[%add3A_193, %dma_wait3A_196] : memref<20480x128xf32, #tpu.memory_space<hbm>> -> memref<128x128xf32, #tpu.memory_space<hbm>>
    tpu.wait_dma2 semaphore(%arg9 : memref<!tpu.dma_semaphore, #tpu.memory_space<semaphore_mem>>) src(%arg7 : memref<128x128xf32, #tpu.memory_space<vmem>>) dst(%dma_wait3A_197 : memref<128x128xf32, #tpu.memory_space<hbm>>)
    %mul3A_198 = arith.constant 10240 : i32
    %mul3A_199 = arith.muli %arg0, %mul3A_198 : i32
    %add3A_200 = arith.addi %mul3A_199, %mul3A_2 : i32
    %add3A_201 = arith.constant 512 : i32
    %add3A_202 = arith.addi %add3A_200, %add3A_201 : i32
    %dma_wait3A_203 = arith.constant 0 : i32
    %dma_wait3A_204 = tpu.memref_slice %arg4[%add3A_202, %dma_wait3A_203] : memref<20480x128xf32, #tpu.memory_space<hbm>> -> memref<128x128xf32, #tpu.memory_space<hbm>>
    %dma_wait3A_205 = arith.constant 0 : i32
    %dma_wait3A_206 = tpu.memref_slice %arg4[%add3A_202, %dma_wait3A_205] : memref<20480x128xf32, #tpu.memory_space<hbm>> -> memref<128x128xf32, #tpu.memory_space<hbm>>
    tpu.wait_dma2 semaphore(%arg8 : memref<!tpu.dma_semaphore, #tpu.memory_space<semaphore_mem>>) src(%arg6 : memref<128x128xf32, #tpu.memory_space<vmem>>) dst(%dma_wait3A_206 : memref<128x128xf32, #tpu.memory_space<hbm>>)
    return
  }
}

module attributes {stable_mosaic.version = 14 : i64} {
  func.func @_tc_body(%arg0: i32, %arg1: memref<1000x128xf32, #tpu.memory_space<vmem>>, %arg2: memref<2x1000x128xf32, #tpu.memory_space<vmem>>, %arg3: memref<128x128xf32, #tpu.memory_space<vmem>>, %arg4: memref<1x128xf32, #tpu.memory_space<vmem>>, %arg5: memref<1000x128xf32, #tpu.memory_space<vmem>>) attributes {dimension_semantics = [#tpu.dimension_semantics<arbitrary>], iteration_bounds = array<i64: 10>, scalar_prefetch = 0 : i64, scratch_operands = 0 : i64, tpu.core_type = #tpu.core_type<tc>, window_params = [{transform_indices = @transform_0, window_bounds = array<i64: 1000, 128>}, {transform_indices = @transform_1, window_bounds = array<i64: 2, 1000, 128>}, {pipeline_mode = #tpu.pipeline_mode<synchronous>, transform_indices = @transform_2, window_bounds = array<i64: 128, 128>}, {pipeline_mode = #tpu.pipeline_mode<synchronous>, transform_indices = @transform_3, window_bounds = array<i64: 1, 128>}, {transform_indices = @transform_4, window_bounds = array<i64: 1000, 128>}]} {
    %get3A = arith.constant 0 : index
    %get3A_0 = arith.constant 0 : index
    %get3A_1 = vector.load %arg1[%get3A, %get3A_0] : memref<1000x128xf32, #tpu.memory_space<vmem>>, vector<1000x128xf32>
    %get3A_2 = arith.constant 0 : index
    %get3A_3 = arith.constant 0 : index
    %get3A_4 = arith.constant 0 : index
    %get3A_5 = vector.load %arg2[%get3A_2, %get3A_3, %get3A_4] : memref<2x1000x128xf32, #tpu.memory_space<vmem>>, vector<1x1000x128xf32>
    %get3A_6 = vector.shape_cast %get3A_5 : vector<1x1000x128xf32> to vector<1000x128xf32>
    %add3A = arith.addf %get3A_1, %get3A_6 : vector<1000x128xf32>
    %get3A_7 = arith.constant 1 : index
    %get3A_8 = arith.constant 0 : index
    %get3A_9 = arith.constant 0 : index
    %get3A_10 = vector.load %arg2[%get3A_7, %get3A_8, %get3A_9] : memref<2x1000x128xf32, #tpu.memory_space<vmem>>, vector<1x1000x128xf32>
    %get3A_11 = vector.shape_cast %get3A_10 : vector<1x1000x128xf32> to vector<1000x128xf32>
    %add3A_12 = arith.addf %add3A, %get3A_11 : vector<1000x128xf32>
    %get3A_13 = arith.constant 0 : index
    %get3A_14 = arith.constant 0 : index
    %get3A_15 = vector.load %arg3[%get3A_13, %get3A_14] : memref<128x128xf32, #tpu.memory_space<vmem>>, vector<128x128xf32>
    %dot_general3A = arith.constant dense<0.000000e+00> : vector<1000x128xf32>
    %dot_general3A_16 = tpu.matmul %add3A_12, %get3A_15, %dot_general3A {dimension_numbers = #tpu.dot_dimension_numbers<[1], [0], [0], [1], [0, 0, 1, 1], [], []>, transpose_lhs_hint = false} : vector<1000x128xf32>, vector<128x128xf32>, vector<1000x128xf32> -> vector<1000x128xf32>
    %get3A_17 = arith.constant 0 : index
    %get3A_18 = arith.constant 0 : index
    %get3A_19 = vector.load %arg4[%get3A_17, %get3A_18] : memref<1x128xf32, #tpu.memory_space<vmem>>, vector<1x128xf32>
    %add3A_20 = vector.broadcast %get3A_19 : vector<1x128xf32> to vector<1000x128xf32>
    %add3A_21 = arith.addf %dot_general3A_16, %add3A_20 : vector<1000x128xf32>
    %max3A = arith.constant 0.000000e+00 : f32
    %max3A_22 = vector.broadcast %max3A : f32 to vector<1000x128xf32>
    %max3A_23 = arith.maximumf %add3A_21, %max3A_22 : vector<1000x128xf32>
    %swap3A = arith.constant 0 : index
    %swap3A_24 = arith.constant 0 : index
    %swap3A_25 = vector.load %arg5[%swap3A, %swap3A_24] : memref<1000x128xf32, #tpu.memory_space<vmem>>, vector<1000x128xf32>
    tpu.vector_store %arg5[%swap3A, %swap3A_24], %max3A_23 {strides = array<i32>} : memref<1000x128xf32, #tpu.memory_space<vmem>>, vector<1000x128xf32>,
    return
  }
  func.func @transform_0(%arg0: i32) -> (i32, i32) {
    %c0_i32 = arith.constant 0 : i32
    %c0_i32_0 = arith.constant 0 : i32
    return %arg0, %c0_i32 : i32, i32
  }
  func.func @transform_1(%arg0: i32) -> (i32, i32, i32) {
    %c0_i32 = arith.constant 0 : i32
    %c0_i32_0 = arith.constant 0 : i32
    %c0_i32_1 = arith.constant 0 : i32
    return %c0_i32, %arg0, %c0_i32_0 : i32, i32, i32
  }
  func.func @transform_2(%arg0: i32) -> (i32, i32) {
    %c0_i32 = arith.constant 0 : i32
    %c0_i32_0 = arith.constant 0 : i32
    %c0_i32_1 = arith.constant 0 : i32
    return %c0_i32, %c0_i32_0 : i32, i32
  }
  func.func @transform_3(%arg0: i32) -> (i32, i32) {
    %c0_i32 = arith.constant 0 : i32
    %c0_i32_0 = arith.constant 0 : i32
    %c0_i32_1 = arith.constant 0 : i32
    return %c0_i32, %c0_i32_0 : i32, i32
  }
  func.func @transform_4(%arg0: i32) -> (i32, i32) {
    %c0_i32 = arith.constant 0 : i32
    %c0_i32_0 = arith.constant 0 : i32
    return %arg0, %c0_i32 : i32, i32
  }
}

module attributes {stable_mosaic.version = 14 : i64} {
  func.func @_tc_body(%arg0: i32, %arg1: memref<1000x128xf32, #tpu.memory_space<vmem>>, %arg2: memref<2x1000x128xf32, #tpu.memory_space<vmem>>, %arg3: memref<128x128xf32, #tpu.memory_space<vmem>>, %arg4: memref<1x128xf32, #tpu.memory_space<vmem>>, %arg5: memref<1000x128xf32, #tpu.memory_space<vmem>>) attributes {dimension_semantics = [#tpu.dimension_semantics<arbitrary>], iteration_bounds = array<i64: 10>, scalar_prefetch = 0 : i64, scratch_operands = 0 : i64, tpu.core_type = #tpu.core_type<tc>, window_params = [{transform_indices = @transform_0, window_bounds = array<i64: 1000, 128>}, {transform_indices = @transform_1, window_bounds = array<i64: 2, 1000, 128>}, {pipeline_mode = #tpu.pipeline_mode<synchronous>, transform_indices = @transform_2, window_bounds = array<i64: 128, 128>}, {pipeline_mode = #tpu.pipeline_mode<synchronous>, transform_indices = @transform_3, window_bounds = array<i64: 1, 128>}, {transform_indices = @transform_4, window_bounds = array<i64: 1000, 128>}]} {
    %get3A = arith.constant 0 : index
    %get3A_0 = arith.constant 0 : index
    %get3A_1 = vector.load %arg1[%get3A, %get3A_0] : memref<1000x128xf32, #tpu.memory_space<vmem>>, vector<1000x128xf32>
    %get3A_2 = arith.constant 0 : index
    %get3A_3 = arith.constant 0 : index
    %get3A_4 = arith.constant 0 : index
    %get3A_5 = vector.load %arg2[%get3A_2, %get3A_3, %get3A_4] : memref<2x1000x128xf32, #tpu.memory_space<vmem>>, vector<1x1000x128xf32>
    %get3A_6 = vector.shape_cast %get3A_5 : vector<1x1000x128xf32> to vector<1000x128xf32>
    %add3A = arith.addf %get3A_1, %get3A_6 : vector<1000x128xf32>
    %get3A_7 = arith.constant 1 : index
    %get3A_8 = arith.constant 0 : index
    %get3A_9 = arith.constant 0 : index
    %get3A_10 = vector.load %arg2[%get3A_7, %get3A_8, %get3A_9] : memref<2x1000x128xf32, #tpu.memory_space<vmem>>, vector<1x1000x128xf32>
    %get3A_11 = vector.shape_cast %get3A_10 : vector<1x1000x128xf32> to vector<1000x128xf32>
    %add3A_12 = arith.addf %add3A, %get3A_11 : vector<1000x128xf32>
    %get3A_13 = arith.constant 0 : index
    %get3A_14 = arith.constant 0 : index
    %get3A_15 = vector.load %arg3[%get3A_13, %get3A_14] : memref<128x128xf32, #tpu.memory_space<vmem>>, vector<128x128xf32>
    %dot_general3A = arith.constant dense<0.000000e+00> : vector<1000x128xf32>
    %dot_general3A_16 = tpu.matmul %add3A_12, %get3A_15, %dot_general3A {dimension_numbers = #tpu.dot_dimension_numbers<[1], [0], [0], [1], [0, 0, 1, 1], [], []>, transpose_lhs_hint = false} : vector<1000x128xf32>, vector<128x128xf32>, vector<1000x128xf32> -> vector<1000x128xf32>
    %get3A_17 = arith.constant 0 : index
    %get3A_18 = arith.constant 0 : index
    %get3A_19 = vector.load %arg4[%get3A_17, %get3A_18] : memref<1x128xf32, #tpu.memory_space<vmem>>, vector<1x128xf32>
    %add3A_20 = vector.broadcast %get3A_19 : vector<1x128xf32> to vector<1000x128xf32>
    %add3A_21 = arith.addf %dot_general3A_16, %add3A_20 : vector<1000x128xf32>
    %max3A = arith.constant 0.000000e+00 : f32
    %max3A_22 = vector.broadcast %max3A : f32 to vector<1000x128xf32>
    %max3A_23 = arith.maximumf %add3A_21, %max3A_22 : vector<1000x128xf32>
    %swap3A = arith.constant 0 : index
    %swap3A_24 = arith.constant 0 : index
    %swap3A_25 = vector.load %arg5[%swap3A, %swap3A_24] : memref<1000x128xf32, #tpu.memory_space<vmem>>, vector<1000x128xf32>
    tpu.vector_store %arg5[%swap3A, %swap3A_24], %max3A_23 {strides = array<i32>} : memref<1000x128xf32, #tpu.memory_space<vmem>>, vector<1000x128xf32>,
    return
  }
  func.func @transform_0(%arg0: i32) -> (i32, i32) {
    %c0_i32 = arith.constant 0 : i32
    %c0_i32_0 = arith.constant 0 : i32
    return %arg0, %c0_i32 : i32, i32
  }
  func.func @transform_1(%arg0: i32) -> (i32, i32, i32) {
    %c0_i32 = arith.constant 0 : i32
    %c0_i32_0 = arith.constant 0 : i32
    %c0_i32_1 = arith.constant 0 : i32
    return %c0_i32, %arg0, %c0_i32_0 : i32, i32, i32
  }
  func.func @transform_2(%arg0: i32) -> (i32, i32) {
    %c0_i32 = arith.constant 0 : i32
    %c0_i32_0 = arith.constant 0 : i32
    %c0_i32_1 = arith.constant 0 : i32
    return %c0_i32, %c0_i32_0 : i32, i32
  }
  func.func @transform_3(%arg0: i32) -> (i32, i32) {
    %c0_i32 = arith.constant 0 : i32
    %c0_i32_0 = arith.constant 0 : i32
    %c0_i32_1 = arith.constant 0 : i32
    return %c0_i32, %c0_i32_0 : i32, i32
  }
  func.func @transform_4(%arg0: i32) -> (i32, i32) {
    %c0_i32 = arith.constant 0 : i32
    %c0_i32_0 = arith.constant 0 : i32
    return %arg0, %c0_i32 : i32, i32
  }
}

</mosaic_0001>

<sc_bundles>
// kernel: kernel.11.cloned.1.call-start
scs
__scs_entry_jumppad:
0x0: {  	(pc) =	sbr.rel $0x88, $3  }
0x1: {  	(tag) =	ssettag $0x0;
	lr =	simm.s32 $0x1  }
0x2: {  	[smem:$0x3F9B] =	sst lr;
	_ =	strace $0xD0000000  }
0x3: {  	_ = 	snop  }
0x4: {  	_ = 	snop  }
0x5: {  	_ = 	snop  }
0x6: {  	_ = 	snop  }
0x7: {  	_ = 	snop  }
__scs_overlays_trampoline_lowered:
0x8: {  	[smem:$0x3FAA] =	sst s0  }
0x9: {  	[smem:$0x3FAB] =	sst s1  }
0xa: {  	[smem:$0x3FAC] =	sst s2  }
0xb: {  	[smem:$0x3FAD] =	sst s3  }
0xc: {  	[smem:$0x3FAE] =	sst s4  }
0xd: {  	[smem:$0x3FAF] =	sst s5  }
0xe: {  	[smem:$0x3FB0] =	sst s6  }
0xf: {  	[smem:$0x3FB1] =	sst s7  }
0x10: {  	[smem:$0x3FB2] =	sst s8  }
0x11: {  	[smem:$0x3FB3] =	sst s9;
	s0 =	simm.s32 @!p0 $0x0  }
0x12: {  	s1 =	sld [smem:$0x3F99];
	s0 =	simm.s32 @p0 $0x1  }
0x13: {  	[smem:$0x3FB4] =	sst s0;
	s0 =	simm.s32 @!p1 $0x0  }
0x14: {  	s2 =	sld [smem:$0x3F98];
	s0 =	simm.s32 @p1 $0x1  }
0x15: {  	[smem:$0x3FB5] =	sst s0;
	s0 =	simm.s32 @!p2 $0x0  }
0x16: {  	s3 =	sld [smem:$0x3FDB];
	s0 =	simm.s32 @p2 $0x1  }
0x17: {  	s4 =	simm.s32 $0x1BF5;
	[smem:$0x3FB7] =	sst s0  }
0x18: {  	s0 =	sld [smem:$0x3F9A];
	_ =	swait.ge [sflag:s4], $0x0  }
0x19: {  	s7 =	sld [smem:$0x3F9B]  }
0x1a: {  	s8 =	sadd.s32 $0xFFFFE003, lr  }
0x1b: {  	s9 =	sadd.s32 $0xFFFFFEF7, lr;
	s5 =	simm.s32 $0xFFFFFFFF;
	p2 =	slt.u32 s8, $0xFFFFF086  }
0x1c: {  	p1 =	slt.u32 s9, $0xF7A;
	s5 =	simm.s32 @!p2 $0x0  }
0x1d: {  	s5 =	simm.s32 @p1 $0x1;
	p0 =	seq.s32 s7, s2  }
0x1e: {  	s7 =	smul.u32 @!p0 $0xF7A, s2;
	p2 =	seq.s32 @!p0 s5, $0x0  }
0x1f: {  	s9 =	smul.u32 $0xF7A, s1;
	s8 =	simm.s32 @!p0 $0x1BF5;
	p2 =	por !p2, p0  }
0x20: {  	[sflag:s8] =	ssyncset.s32 @!p0 $0xFFFFF086;
	s6 =	sadd.s32 @!p0 s3, s7;
	s7 =	simm.s32 @!p0 $0x108  }
0x21: {  	s3 =	sadd.s32 s3, s9;
	s6 =	sadd.s32 @!p0 $0x88, s6;
	s7 =	simm.s32 @p2 $0x1082  }
0x22: {  	[simem:s7], [sflag:s8] =	dma.local @!p0 [hbm:s6], $0xF7A  }
0x23: {  	s9 =	sor.u32 $0xD0000000, s2;
	s6 =	simm.s32 $0x108;
	_ =	swait.ge @!p0 [sflag:s8], $0x0  }
0x24: {  	s3 =	sadd.s32 $0x88, s3;
	s6 =	simm.s32 @!p1 $0x1082;
	[sflag:s4] =	ssyncset.s32 $0xFFFFF086  }
0x25: {  	[simem:s6], [sflag:s4] =	dma.local [hbm:s3], $0xF7A  }
0x26: {  	[smem:$0x3F9B] =	sst s1;
	(tag) =	ssettag s2;
	_ =	strace s9  }
0x27: {  	s1 =	sld [smem:$0x3FAB]  }
0x28: {  	s2 =	sld [smem:$0x3FAC]  }
0x29: {  	s4 =	sld [smem:$0x3FAE]  }
0x2a: {  	p0 =	seq.s32 s5, $0x0;
	s5 =	sld [smem:$0x3FAF]  }
0x2b: {  	s6 =	sld [smem:$0x3FB0]  }
0x2c: {  	s7 =	sld [smem:$0x3FB1]  }
0x2d: {  	s3 =	simm.s32 $0x108;
	s8 =	sld [smem:$0x3FB2]  }
0x2e: {  	s3 =	simm.s32 @!p0 $0x1082;
	s9 =	sld [smem:$0x3FB3]  }
0x2f: {  	lr =	sadd.s32 s0, s3;
	s0 =	sld [smem:$0x3FAA]  }
0x30: {  	s3 =	sld [smem:$0x3FAD]  }
0x31: {  	[smem:$0x3FB6] =	sst s10  }
0x32: {  	s10 =	sld [smem:$0x3FB4];
	_ =	sdelay $0x3  }
0x33: {  	p0 =	seq.s32 s10, $0x1;
	s10 =	sld [smem:$0x3FB6];
	_ =	sdelay $0x3  }
0x34: {  	[smem:$0x3FB6] =	sst s10  }
0x35: {  	s10 =	sld [smem:$0x3FB5];
	_ =	sdelay $0x3  }
0x36: {  	p1 =	seq.s32 s10, $0x1;
	s10 =	sld [smem:$0x3FB6];
	_ =	sdelay $0x3  }
0x37: {  	[smem:$0x3FB6] =	sst s10  }
0x38: {  	s10 =	sld [smem:$0x3FB7]  }
0x39: {  	_ = 	snop;
	(pc) =	sbr.ind lr, $3  }
0x3a: {  	_ = 	snop  }
0x3b: {  	_ = 	snop  }
0x3c: {  	p2 =	seq.s32 s10, $0x1;
	s10 =	sld [smem:$0x3FB6]  }
0x3d: {  	_ =	shalt  }
0x3e: {  	_ =	shalt  }
0x3f: {  	_ =	shalt  }
0x40: {  	_ =	shalt  }
0x41: {  	_ =	shalt  }
0x42: {  	_ =	shalt  }
0x43: {  	_ =	shalt  }
0x44: {  	_ =	shalt  }
0x45: {  	_ =	shalt  }
0x46: {  	_ =	shalt  }
0x47: {  	_ =	shalt  }
0x48: {  	_ =	shalt  }
0x49: {  	_ =	shalt  }
0x4a: {  	_ =	shalt  }
0x4b: {  	_ =	shalt  }
0x4c: {  	_ =	shalt  }
0x4d: {  	_ =	shalt  }
0x4e: {  	_ =	shalt  }
0x4f: {  	_ =	shalt  }
0x50: {  	_ =	shalt  }
0x51: {  	_ =	shalt  }
0x52: {  	_ =	shalt  }
0x53: {  	_ =	shalt  }
0x54: {  	_ =	shalt  }
0x55: {  	_ =	shalt  }
0x56: {  	_ =	shalt  }
0x57: {  	_ =	shalt  }
0x58: {  	_ =	shalt  }
0x59: {  	_ =	shalt  }
0x5a: {  	_ =	shalt  }
0x5b: {  	_ =	shalt  }
0x5c: {  	_ =	shalt  }
0x5d: {  	_ =	shalt  }
0x5e: {  	_ =	shalt  }
0x5f: {  	_ =	shalt  }
0x60: {  	_ =	shalt  }
0x61: {  	_ =	shalt  }
0x62: {  	_ =	shalt  }
0x63: {  	_ =	shalt  }
0x64: {  	_ =	shalt  }
0x65: {  	_ =	shalt  }
0x66: {  	_ =	shalt  }
0x67: {  	_ =	shalt  }
0x68: {  	_ =	shalt  }
0x69: {  	_ =	shalt  }
0x6a: {  	_ =	shalt  }
0x6b: {  	_ =	shalt  }
0x6c: {  	_ =	shalt  }
0x6d: {  	_ =	shalt  }
0x6e: {  	_ =	shalt  }
0x6f: {  	_ =	shalt  }
0x70: {  	_ =	shalt  }
0x71: {  	_ =	shalt  }
0x72: {  	_ =	shalt  }
0x73: {  	_ =	shalt  }
0x74: {  	_ =	shalt  }
0x75: {  	_ =	shalt  }
0x76: {  	_ =	shalt  }
0x77: {  	_ =	shalt  }
0x78: {  	_ =	shalt  }
0x79: {  	_ =	shalt  }
0x7a: {  	_ =	shalt  }
0x7b: {  	_ =	shalt  }
0x7c: {  	_ =	shalt  }
0x7d: {  	_ =	shalt  }
0x7e: {  	_ =	shalt  }
0x7f: {  	_ =	shalt  }
0x80: {  	_ =	shalt  }
0x81: {  	_ =	shalt  }
0x82: {  	_ =	shalt  }
0x83: {  	_ =	shalt  }
0x84: {  	_ =	shalt  }
0x85: {  	_ =	shalt  }
0x86: {  	_ =	shalt  }
0x87: {  	_ =	shalt  }
.Lfunc_end0:
.L_simem_size_0:
called_computation.1_lowered:
.L_overlay_start_0:
0x88: {  	s2 =	sld [smem:$0x3FD9]  }
0x89: {  	s3 =	sld [smem:$0x3FFE];
	_ =	sdelay $0x1  }
0x8a: {  	s1 =	srdreg.scid  }
0x8b: {  	s0 =	sand.u32 $0x1, s1  }
0x8c: {  	s16 =	sshll.u32 s0, $0xA;
	s2 =	sadd.s32 s3, s2  }
0x8d: {  	s2 =	sadd.s32 s2, s16  }
0x8e: {  	[smem:$0x3FC2] =	sst s2  }
0x8f: {  	_ = 	snop  }
0x90: {  	(tm) =	ssettm $0x1  }
0x91: {  	s17 =	sld [smem:$0x3FFB];
	_ =	sdelay $0x3  }
0x92: {  	_ =	strace s17  }
0x93: {  	s2 =	sld [smem:$0x3FFC];
	_ =	sdelay $0x3  }
0x94: {  	_ =	strace s2  }
0x95: {  	s2 =	sld [smem:$0x3FFD];
	_ =	sdelay $0x3  }
0x96: {  	_ =	strace s2  }
0x97: {  	_ =	strace $0x8FFFFFFF  }
0x98: {  	s18 =	sld [smem:$0x3FDB];
	_ =	sdelay $0x1  }
0x99: {  	s19 =	simm.s32 $_scs_section_size  }
0x9a: {  	s4 =	simm.s32 $_size__tile_overlayer_lowered;
	s5 =	simm.s32 $_tile_overlayer_lowered  }
0x9b: {  	s22 =	simm.s32 $0x1BFF;
	s21 =	sshll.u32 s5, $0x1;
	s2 =	sadd.s32 s19, s18  }
0x9c: {  	s6 =	simm.s32 $0x0;
	s20 =	sshll.u32 s4, $0x1;
	s4 =	sadd.s32 s21, s2  }
0x9d: {  	[timem:s6], [sflag:s22] =	dma.local [hbm:s4], s20  }
0x9e: {  	_ =	swait.ge [sflag:s22], s20  }
0x9f: {  	s3 =	ssub.s32 $0x0, s20;
	[sflag:s22] =	ssyncset.done $0x0  }
0xa0: {  	[sflag:s22] =	ssyncadd.s32 s3;
	_ =	sdelay $0x1  }
0xa1: {  	s23 =	simm.s32 $0x1B8B  }
0xa2: {  	_ =	swait.ge [sflag:s23], $0x1  }
0xa3: {  	[sflag:s23] =	ssyncset.done $0x0  }
0xa4: {  	s25 =	simm.s32 $0x1B8E;
	s24 =	sld [smem:$0x3FFE];
	[sflag:s23] =	ssyncadd.s32 $0xFFFFFFFF  }
0xa5: {  	s26 =	simm.s32 $execute0_lowered;
	[smem:$0x3FD2] =	sst s25  }
0xa6: {  	s4 =	sshll.u32 s26, $0x1;
	_ =	strace $0x80000049;
	[dreg:$0x1] =	wrdreg $0xFFFFFFFF  }
0xa7: {  	s28 =	simm.s32 $_size_execute0_lowered;
	s2 =	sadd.s32 s2, s4;
	[dreg:$0x0] =	wrdreg $0x0  }
0xa8: {  	s4 =	sshll.u32 s28, $0x1;
	[dreg:$0x2] =	wrdreg s2  }
0xa9: {  	[dreg:$0x3] =	wrdreg s4  }
0xaa: {  	[dreg:$0x4] =	wrdreg $0xC0  }
0xab: {  	_ =	task [dreg:s6], $0x5FFFF  }
0xac: {  	[dreg:$0x1] =	wrdreg $0xFFFFFFFF  }
0xad: {  	[dreg:$0x0] =	wrdreg $0x60  }
0xae: {  	[dreg:$0x2] =	wrdreg s24  }
0xaf: {  	[dreg:$0x3] =	wrdreg $0xA8000  }
0xb0: {  	[dreg:$0x4] =	wrdreg $0x9  }
0xb1: {  	_ =	task.clear_ibuf [dreg:s6], $0x5FFFF;
	_ =	strace $0x90000049  }
0xb2: {  	s29 =	simm.s32 $0x9;
	_ =	strace $0x8000004B  }
0xb3: {  	_ =	swait.ge [sflag:s29], $0x1  }
0xb4: {  	[sflag:s29] =	ssyncadd.s32 $0xFFFFFFFF  }
0xb5: {  	_ =	strace $0x9000004B  }
0xb6: {  	_ =	sfence  }
0xb7: {  	s30 =	sld [smem:$0x0];
	_ =	sdelay $0x2  }
0xb8: {  	s31 =	sshll.u32 s1, $0xD;
	s1 =	sshrl.u32 s1, $0x2  }
0xb9: {  	s3 =	sand.u32 $0x4000, s31;
	s1 =	sadd.s32 s1, s30  }
0xba: {  	s0 =	sor.u32 s3, s0;
	s1 =	sshll.u32 s1, $0x11  }
0xbb: {  	s0 =	sor.u32 s1, s0  }
0xbc: {  	s0 =	sadd.s32 $0x8F2B, s0  }
0xbd: {  	[sflag:s0] =	ssyncadd.remote.s32 $0x1  }
0xbe: {  	_ =	sfence.sel $0xFFFF  }
0xbf: {  	[dreg:$0x0] =	wrdreg $0xFFFFFFFF;
	(pc) =	sbr.abs _section_cstart, $3  }
0xc0: {  	[dreg:$0x1] =	wrdreg $0xFFFFFFFF  }
0xc1: {  	_ =	task.clear_ibuf [dreg:s6], $0x2FFFF;
	_ =	strace $0x9FFFFFFF  }
0xc2: {  	(tm) =	ssettm $0x7FFFFFFF  }
0xc3: {  	_ =	shalt  }
tec
execute0_lowered:
.L_overlay_start_1:
0x0: {  	(tag) =	ssettag $0x1  }
0x1: {  	s0 =	rddreg [dreg:$0x0]  }
0x2: {  	s2 =	rddreg [dreg:$0x1];
	s3 =	simm.s32 $0x0  }
0x3: {  	s4 =	srdreg.scid;
	s1 =	stileid.u32;
	s20 =	simm.s32 $0x3  }
0x4: {  	s21 =	simm.s32 $0x6800;
	s22 =	simm.s32 $0x1;
	s28 =	simm.s32 $0x2780  }
0x5: {  	s29 =	simm.s32 $0x0;
	s13 =	sand.u32 $0x1, s4;
	s5 =	smul.u32 $0x280, s1  }
0x6: {  	s23 =	sshll.u32 s1, $0x1;
	[smem:$0x7FF] =	sst s3;
	s16 =	smul.u32 $0x50000, s1  }
0x7: {  	s15 =	sadd.s32 $0xBC00, s0;
	s6 =	sor.u32 s13, s23;
	s24 =	smul.u32 $0x2800, s13  }
0x8: {  	_ =	strace $0x8000004A;
	s26 =	ssub.s32 $0x2, s13;
	s18 =	smul.u32 $0x28000, s13  }
0x9: {  	s23 =	simm.s32 $0x80;
	s7 =	smul.u32 $0x500, s6;
	s30 =	sshrl.u32 s26, $0x1  }
0xa: {  	s8 =	sshrl.u32 s16, $0x2;
	s10 =	smul.u32 $0x28000, s6;
	s19 =	sadd.s32 s16, s15  }
0xb: {  	s4 =	sadd.s32 s5, s24;
	s17 =	ssub.s32 s26, s30;
	s31 =	sadd.s32 s18, s19  }
0xc: {  	s19 =	simm.s32 $0x2800;
	s24 =	simm.s32 $0x4;
	s4 =	sshll.u32 s4, $0x4  }
0xd: {  	s25 =	sadd.s32 s7, s0;
	s10 =	sadd.s32 s15, s10;
	s0 =	sadd.s32 s4, s0  }
0xe: {  	s4 =	sadd.s32 s8, s2;
	s5 =	sadd.s32 $0x50BC00, s25;
	s11 =	sadd.s32 $0x800, s10  }
0xf: {  	s6 =	sadd.s32 $0x4000, s4;
	s7 =	sadd.s32 $0x8000, s4;
	s8 =	sadd.s32 $0xC000, s4  }
0x10: {  	s17 =	smax.u32 s17, $0x1;
	s12 =	sadd.s32 $0x515C00, s0;
	s13 =	sadd.s32 $0x516400, s0  }
0x11: {  	s25 =	simm.s32 $0x2;
	s14 =	sadd.s32 $0x516C00, s0;
	s15 =	sadd.s32 $0x517400, s0  }
0x12: {  	v0 =	vimm.f32 $0.0e+00;
	s9 =	sadd.s32 $0x10000, s4;
	s16 =	sadd.s32 $0x517C00, s0;
	s0 =	sadd.s32 $0x1800, s31  }
.LBB2_1:
0x13: {  	[tilespmem:s3], [sflag:$0x3] =	stream.linear.gather [hbm4b:s5+s3], $0x2800, $0x38;
	[tilespmem:$0x1E800] =	vst v63  }
0x14: {  	s18 =	simm.s32 $0x0;
	s30 =	simm.s32 $0x200  }
.LBB2_2:
0x15: {  	p0 =	sne.s32 s30, $0xFE00;
	[tilespmem:s18+$0x2870] =	vst v0  }
0x16: {  	[tilespmem:s18+$0x2800] =	vst v0  }
0x17: {  	[tilespmem:s18+$0x2810] =	vst v0  }
.Ltmp0:
0x18: {  	[tilespmem:s18+$0x2820] =	vst v0;
	(pc) =	sbr.rel @p0 .LBB2_2-.Ltmp0, $4  }
0x19: {  	[tilespmem:s18+$0x2830] =	vst v0  }
0x1a: {  	[tilespmem:s18+$0x2840] =	vst v0  }
0x1b: {  	[tilespmem:s18+$0x2850] =	vst v0  }
0x1c: {  	[tilespmem:s18+$0x2860] =	vst v0;
	s18 =	sshra.s32 s30, $0x2;
	s30 =	sadd.s32 $0x200, s30  }
0x1d: {  	[tilespmem:s18+$0x2870] =	vst v0  }
0x1e: {  	[tilespmem:s18+$0x2800] =	vst v0  }
0x1f: {  	[tilespmem:s18+$0x2810] =	vst v0  }
0x20: {  	[tilespmem:s18+$0x2820] =	vst v0  }
0x21: {  	[tilespmem:s18+$0x2830] =	vst v0  }
0x22: {  	[tilespmem:s18+$0x2840] =	vst v0  }
0x23: {  	[tilespmem:s18+$0x2850] =	vst v0  }
0x24: {  	[tilespmem:s18+$0x2860] =	vst v0  }
0x25: {  	[spmem:s4] =	stream.linear.scatter [tilespmem:s19], [sflag:$0x3], $0x4000, $0x38;
	[tilespmem:$0x1E800] =	vst v63  }
0x26: {  	_ = 	snop  }
0x27: {  	[spmem:s6] =	stream.linear.scatter [tilespmem:s19], [sflag:$0x3], $0x4000, $0x38;
	[tilespmem:$0x1E800] =	vst v63  }
0x28: {  	_ = 	snop  }
0x29: {  	[spmem:s7] =	stream.linear.scatter [tilespmem:s19], [sflag:$0x3], $0x4000, $0x38;
	[tilespmem:$0x1E800] =	vst v63  }
0x2a: {  	_ = 	snop  }
0x2b: {  	[spmem:s8] =	stream.linear.scatter [tilespmem:s19], [sflag:$0x3], $0x4000, $0x38;
	[tilespmem:$0x1E800] =	vst v63  }
0x2c: {  	_ = 	snop  }
0x2d: {  	[spmem:s9] =	stream.linear.scatter [tilespmem:s19], [sflag:$0x3], $0x4000, $0x38;
	[tilespmem:$0x1E800] =	vst v63  }
0x2e: {  	_ =	swait.ge [sflag:s20], $0x4000  }
0x2f: {  	[sflag:s20] =	ssyncset.done $0x0  }
0x30: {  	[sflag:s20] =	ssyncadd.s32 $0xFFFFC000  }
0x31: {  	_ =	swait.ge [sflag:s20], $0x4000  }
0x32: {  	[sflag:s20] =	ssyncset.done $0x0  }
0x33: {  	[sflag:s20] =	ssyncadd.s32 $0xFFFFC000  }
0x34: {  	_ =	swait.ge [sflag:s20], $0x4000  }
0x35: {  	[sflag:s20] =	ssyncset.done $0x0  }
0x36: {  	[sflag:s20] =	ssyncadd.s32 $0xFFFFC000  }
0x37: {  	_ =	swait.ge [sflag:s20], $0x4000  }
0x38: {  	[sflag:s20] =	ssyncset.done $0x0  }
0x39: {  	[sflag:s20] =	ssyncadd.s32 $0xFFFFC000  }
0x3a: {  	_ =	swait.ge [sflag:s20], $0x4000  }
0x3b: {  	[sflag:s20] =	ssyncset.done $0x0  }
0x3c: {  	[sflag:s20] =	ssyncadd.s32 $0xFFFFC000  }
0x3d: {  	_ =	swait.ge [sflag:s20], $0x2800  }
0x3e: {  	[sflag:s20] =	ssyncset.done $0x0  }
0x3f: {  	[sflag:s20] =	ssyncadd.s32 $0xFFFFD800  }
0x40: {  	s1 =	simm.s32 $0x0;
	[bflag:$0x0] =	sbarrier.arrive $0xFFFF  }
0x41: {  	[tilespmem:s19], [sflag:$0x1] =	stream.linear.gather [hbm4b:s10+s1], $0x4000, $0x38;
	[tilespmem:$0x1E800] =	vst v63  }
0x42: {  	_ = 	snop  }
0x43: {  	[tilespmem:s21], [sflag:$0x2] =	stream.linear.gather [hbm4b:s11+s1], $0x4000, $0x38;
	[tilespmem:$0x1E800] =	vst v63  }
0x44: {  	_ =	swait.ge [sflag:s22], $0x4000  }
0x45: {  	[sflag:s22] =	ssyncset.done $0x0  }
0x46: {  	s26 =	simm.s32 $0x0;
	[sflag:s22] =	ssyncadd.s32 $0xFFFFC000  }
0x47: {  	[spmem:s2] =	stream.indirect.scatter.add.f32 [tilespmem:s19], [sflag:$0x4], $0x80, s26, s23, $0xb8;
	[tilespmem:$0x1E800] =	vst v63  }
0x48: {  	_ =	swait.ge [sflag:s24], $0x4000  }
0x49: {  	[sflag:s24] =	ssyncset.done $0x0  }
0x4a: {  	s1 =	sadd.s32 $0xFFFFF800, s0;
	[sflag:s24] =	ssyncadd.s32 $0xFFFFC000  }
0x4b: {  	[tilespmem:s19], [sflag:$0x1] =	stream.linear.gather [hbm4b:s1+s3], $0x4000, $0x38;
	[tilespmem:$0x1E800] =	vst v63  }
0x4c: {  	_ =	swait.ge [sflag:s25], $0x4000  }
0x4d: {  	[sflag:s25] =	ssyncset.done $0x0  }
0x4e: {  	s26 =	simm.s32 $0x80;
	[sflag:s25] =	ssyncadd.s32 $0xFFFFC000  }
0x4f: {  	[spmem:s2] =	stream.indirect.scatter.add.f32 [tilespmem:s21], [sflag:$0x4], $0x80, s26, s23, $0xb8;
	[tilespmem:$0x1E800] =	vst v63  }
0x50: {  	_ =	swait.ge [sflag:s24], $0x4000  }
0x51: {  	s30 =	simm.s32 $0x400;
	[sflag:s24] =	ssyncset.done $0x0  }
0x52: {  	s31 =	sadd.s32 $0x1000, s0;
	s18 =	smov.u32 s0;
	[sflag:s24] =	ssyncadd.s32 $0xFFFFC000  }
.LBB2_4:
0x53: {  	[tilespmem:s21], [sflag:$0x2] =	stream.linear.gather [hbm4b:s18+s3], $0x4000, $0x38;
	[tilespmem:$0x1E800] =	vst v63  }
0x54: {  	s1 =	smov.u32 s30;
	s18 =	smov.u32 s31  }
0x55: {  	p0 =	sne.s32 s30, $0x9800;
	s30 =	sadd.s32 $0x400, s30;
	_ =	swait.ge [sflag:s22], $0x4000  }
0x56: {  	[sflag:s22] =	ssyncset.done $0x0  }
0x57: {  	s1 =	sshra.s32 s1, $0x2;
	[sflag:s22] =	ssyncadd.s32 $0xFFFFC000  }
0x58: {  	[spmem:s2] =	stream.indirect.scatter.add.f32 [tilespmem:s19], [sflag:$0x4], $0x80, s1, s23, $0xb8;
	[tilespmem:$0x1E800] =	vst v63  }
0x59: {  	_ =	swait.ge [sflag:s24], $0x4000  }
0x5a: {  	[sflag:s24] =	ssyncset.done $0x0  }
0x5b: {  	s26 =	sadd.s32 $0xFFFFF800, s31;
	[sflag:s24] =	ssyncadd.s32 $0xFFFFC000  }
0x5c: {  	[tilespmem:s19], [sflag:$0x1] =	stream.linear.gather [hbm4b:s26+s3], $0x4000, $0x38;
	[tilespmem:$0x1E800] =	vst v63  }
0x5d: {  	_ =	swait.ge [sflag:s25], $0x4000  }
0x5e: {  	[sflag:s25] =	ssyncset.done $0x0  }
.Ltmp1:
0x5f: {  	s1 =	sadd.s32 $0x80, s1;
	[sflag:s25] =	ssyncadd.s32 $0xFFFFC000;
	(pc) =	sbr.rel @p0 .LBB2_4-.Ltmp1, $4  }
0x60: {  	[spmem:s2] =	stream.indirect.scatter.add.f32 [tilespmem:s21], [sflag:$0x4], $0x80, s1, s23, $0xb8;
	[tilespmem:$0x1E800] =	vst v63  }
0x61: {  	_ =	swait.ge [sflag:s24], $0x4000  }
0x62: {  	[sflag:s24] =	ssyncset.done $0x0  }
0x63: {  	s31 =	sadd.s32 $0x1000, s31;
	[sflag:s24] =	ssyncadd.s32 $0xFFFFC000  }
0x64: {  	[tilespmem:s21], [sflag:$0x2] =	stream.linear.gather [hbm4b:s18+s3], $0x4000, $0x38;
	[tilespmem:$0x1E800] =	vst v63  }
0x65: {  	_ =	swait.ge [sflag:s22], $0x4000  }
0x66: {  	[sflag:s22] =	ssyncset.done $0x0  }
0x67: {  	s1 =	simm.s32 $0x2700;
	[sflag:s22] =	ssyncadd.s32 $0xFFFFC000  }
0x68: {  	[spmem:s2] =	stream.indirect.scatter.add.f32 [tilespmem:s19], [sflag:$0x4], $0x80, s1, s23, $0xb8;
	[tilespmem:$0x1E800] =	vst v63  }
0x69: {  	_ =	swait.ge [sflag:s24], $0x4000  }
0x6a: {  	[sflag:s24] =	ssyncset.done $0x0  }
0x6b: {  	[sflag:s24] =	ssyncadd.s32 $0xFFFFC000  }
0x6c: {  	_ =	swait.ge [sflag:s25], $0x4000  }
0x6d: {  	[sflag:s25] =	ssyncset.done $0x0  }
0x6e: {  	[sflag:s25] =	ssyncadd.s32 $0xFFFFC000  }
0x6f: {  	[spmem:s2] =	stream.indirect.scatter.add.f32 [tilespmem:s21], [sflag:$0x4], $0x80, s28, s23, $0xb8;
	[tilespmem:$0x1E800] =	vst v63  }
0x70: {  	_ =	swait.ge [sflag:s24], $0x4000  }
0x71: {  	[sflag:s24] =	ssyncset.done $0x0  }
0x72: {  	[sflag:s24] =	ssyncadd.s32 $0xFFFFC000  }
0x73: {  	[bflag:$0x0] =	sbarrier.arrive $0xFFFF  }
0x74: {  	[tilespmem:s19], [sflag:$0x4] =	stream.linear.gather [spmem:s4], $0x4000, $0x38;
	[tilespmem:$0x1E800] =	vst v63  }
0x75: {  	_ =	swait.ge [sflag:s24], $0x4000  }
0x76: {  	[sflag:s24] =	ssyncset.done $0x0  }
0x77: {  	[sflag:s24] =	ssyncadd.s32 $0xFFFFC000  }
0x78: {  	[hbm4b:s12+s3] =	stream.linear.scatter [tilespmem:s19], [sflag:$0x1], $0x4000, $0x38;
	[tilespmem:$0x1E800] =	vst v63  }
0x79: {  	_ = 	snop  }
0x7a: {  	[tilespmem:s21], [sflag:$0x4] =	stream.linear.gather [spmem:s6], $0x4000, $0x38;
	[tilespmem:$0x1E800] =	vst v63  }
0x7b: {  	_ =	swait.ge [sflag:s24], $0x4000  }
0x7c: {  	[sflag:s24] =	ssyncset.done $0x0  }
0x7d: {  	[sflag:s24] =	ssyncadd.s32 $0xFFFFC000  }
0x7e: {  	[hbm4b:s13+s3] =	stream.linear.scatter [tilespmem:s21], [sflag:$0x2], $0x4000, $0x38;
	[tilespmem:$0x1E800] =	vst v63  }
0x7f: {  	_ =	swait.ge [sflag:s22], $0x4000  }
0x80: {  	[sflag:s22] =	ssyncset.done $0x0  }
0x81: {  	[sflag:s22] =	ssyncadd.s32 $0xFFFFC000  }
0x82: {  	[tilespmem:s19], [sflag:$0x4] =	stream.linear.gather [spmem:s7], $0x4000, $0x38;
	[tilespmem:$0x1E800] =	vst v63  }
0x83: {  	_ =	swait.ge [sflag:s24], $0x4000  }
0x84: {  	[sflag:s24] =	ssyncset.done $0x0  }
0x85: {  	[sflag:s24] =	ssyncadd.s32 $0xFFFFC000  }
0x86: {  	[hbm4b:s14+s3] =	stream.linear.scatter [tilespmem:s19], [sflag:$0x1], $0x4000, $0x38;
	[tilespmem:$0x1E800] =	vst v63  }
0x87: {  	_ =	swait.ge [sflag:s25], $0x4000  }
0x88: {  	[sflag:s25] =	ssyncset.done $0x0  }
0x89: {  	[sflag:s25] =	ssyncadd.s32 $0xFFFFC000  }
0x8a: {  	[tilespmem:s21], [sflag:$0x4] =	stream.linear.gather [spmem:s8], $0x4000, $0x38;
	[tilespmem:$0x1E800] =	vst v63  }
0x8b: {  	_ =	swait.ge [sflag:s24], $0x4000  }
0x8c: {  	[sflag:s24] =	ssyncset.done $0x0  }
0x8d: {  	[sflag:s24] =	ssyncadd.s32 $0xFFFFC000  }
0x8e: {  	[hbm4b:s15+s3] =	stream.linear.scatter [tilespmem:s21], [sflag:$0x2], $0x4000, $0x38;
	[tilespmem:$0x1E800] =	vst v63  }
0x8f: {  	_ =	swait.ge [sflag:s22], $0x4000  }
0x90: {  	[sflag:s22] =	ssyncset.done $0x0  }
0x91: {  	[sflag:s22] =	ssyncadd.s32 $0xFFFFC000  }
0x92: {  	[tilespmem:s19], [sflag:$0x4] =	stream.linear.gather [spmem:s9], $0x4000, $0x38;
	[tilespmem:$0x1E800] =	vst v63  }
0x93: {  	_ =	swait.ge [sflag:s24], $0x4000  }
0x94: {  	[sflag:s24] =	ssyncset.done $0x0  }
0x95: {  	s29 =	sadd.s32 $0x1, s29;
	[sflag:s24] =	ssyncadd.s32 $0xFFFFC000  }
0x96: {  	[hbm4b:s16+s3] =	stream.linear.scatter [tilespmem:s19], [sflag:$0x1], $0x4000, $0x38;
	[tilespmem:$0x1E800] =	vst v63  }
0x97: {  	p0 =	sne.s32 s29, s17;
	_ =	swait.ge [sflag:s25], $0x4000  }
.Ltmp2:
0x98: {  	[sflag:s25] =	ssyncset.done $0x0;
	(pc) =	sbr.rel @p0 .LBB2_1-.Ltmp2, $4  }
0x99: {  	[sflag:s25] =	ssyncadd.s32 $0xFFFFC000  }
0x9a: {  	_ =	swait.ge [sflag:s22], $0x4000  }
0x9b: {  	[sflag:s22] =	ssyncset.done $0x0  }
0x9c: {  	[sflag:s22] =	ssyncadd.s32 $0xFFFFC000  }
0x9d: {  	_ =	sfence.sel $0x180000  }
0x9e: {  	[bflag:$0x0] =	sbarrier.arrive $0xFFFF  }
0x9f: {  	_ =	strace $0x9000004A  }
0xa0: {  	s0 =	stileid.u32;
	[bflag:$0x2] =	sbarrier.arrive $0xFFFF  }
0xa1: {  	p0 =	sne.s32 s0, $0x0;
	s0 =	rddreg [dreg:$0x2]  }
0xa2: {  	s0 =	sadd.s32 @!p0 $0x100000, s0  }
0xa3: {  	[sflag:s0] =	ssyncadd.tile.s32 @!p0 $0x1;
	_ =	shalt  }
.Lfunc_end2:
_tile_overlayer_lowered:
.L_overlay_start_2:
0xa4: {  	(tag) =	ssettag $0x2  }
0xa5: {  	s0 =	rddreg [dreg:$0x0];
	s2 =	stileid.u32  }
0xa6: {  	s1 =	rddreg [dreg:$0x1];
	p0 =	sne.s32 s2, $0x0  }
0xa7: {  	s3 =	rddreg [dreg:$0x2];
	[bflag:$0x3] =	sbarrier.arrive $0xFFFF;
	s2 =	simm.s32 @!p0 $0x1C04  }
0xa8: {  	[timem:s3], [sflag:s2] =	dma.local @!p0 [hbm:s0], s1  }
0xa9: {  	s0 =	simm.s32 @!p0 $0x4  }
0xaa: {  	_ =	swait.ge @!p0 [sflag:s0], s1  }
0xab: {  	s1 =	ssub.s32 @!p0 $0x0, s1;
	[sflag:s0] =	ssyncset.done @!p0 $0x0  }
0xac: {  	[sflag:s0] =	ssyncadd.s32 @!p0 s1  }
0xad: {  	[bflag:$0x3] =	sbarrier.arrive $0xFFFF  }
0xae: {  	_ =	shalt  }

// kernel: kernel.14.cloned.1.call-start
scs
__scs_entry_jumppad:
0x0: {  	(pc) =	sbr.rel $0x88, $3  }
0x1: {  	(tag) =	ssettag $0x0;
	lr =	simm.s32 $0x1  }
0x2: {  	[smem:$0x3F9B] =	sst lr;
	_ =	strace $0xD0000000  }
0x3: {  	_ = 	snop  }
0x4: {  	_ = 	snop  }
0x5: {  	_ = 	snop  }
0x6: {  	_ = 	snop  }
0x7: {  	_ = 	snop  }
__scs_overlays_trampoline_lowered:
0x8: {  	[smem:$0x3FAA] =	sst s0  }
0x9: {  	[smem:$0x3FAB] =	sst s1  }
0xa: {  	[smem:$0x3FAC] =	sst s2  }
0xb: {  	[smem:$0x3FAD] =	sst s3  }
0xc: {  	[smem:$0x3FAE] =	sst s4  }
0xd: {  	[smem:$0x3FAF] =	sst s5  }
0xe: {  	[smem:$0x3FB0] =	sst s6  }
0xf: {  	[smem:$0x3FB1] =	sst s7  }
0x10: {  	[smem:$0x3FB2] =	sst s8  }
0x11: {  	[smem:$0x3FB3] =	sst s9;
	s0 =	simm.s32 @!p0 $0x0  }
0x12: {  	s1 =	sld [smem:$0x3F99];
	s0 =	simm.s32 @p0 $0x1  }
0x13: {  	[smem:$0x3FB4] =	sst s0;
	s0 =	simm.s32 @!p1 $0x0  }
0x14: {  	s2 =	sld [smem:$0x3F98];
	s0 =	simm.s32 @p1 $0x1  }
0x15: {  	[smem:$0x3FB5] =	sst s0;
	s0 =	simm.s32 @!p2 $0x0  }
0x16: {  	s3 =	sld [smem:$0x3FDB];
	s0 =	simm.s32 @p2 $0x1  }
0x17: {  	s4 =	simm.s32 $0x1BF5;
	[smem:$0x3FB7] =	sst s0  }
0x18: {  	s0 =	sld [smem:$0x3F9A];
	_ =	swait.ge [sflag:s4], $0x0  }
0x19: {  	s7 =	sld [smem:$0x3F9B]  }
0x1a: {  	s8 =	sadd.s32 $0xFFFFE003, lr  }
0x1b: {  	s9 =	sadd.s32 $0xFFFFFEF7, lr;
	s5 =	simm.s32 $0xFFFFFFFF;
	p2 =	slt.u32 s8, $0xFFFFF086  }
0x1c: {  	p1 =	slt.u32 s9, $0xF7A;
	s5 =	simm.s32 @!p2 $0x0  }
0x1d: {  	s5 =	simm.s32 @p1 $0x1;
	p0 =	seq.s32 s7, s2  }
0x1e: {  	s7 =	smul.u32 @!p0 $0xF7A, s2;
	p2 =	seq.s32 @!p0 s5, $0x0  }
0x1f: {  	s9 =	smul.u32 $0xF7A, s1;
	s8 =	simm.s32 @!p0 $0x1BF5;
	p2 =	por !p2, p0  }
0x20: {  	[sflag:s8] =	ssyncset.s32 @!p0 $0xFFFFF086;
	s6 =	sadd.s32 @!p0 s3, s7;
	s7 =	simm.s32 @!p0 $0x108  }
0x21: {  	s3 =	sadd.s32 s3, s9;
	s6 =	sadd.s32 @!p0 $0x88, s6;
	s7 =	simm.s32 @p2 $0x1082  }
0x22: {  	[simem:s7], [sflag:s8] =	dma.local @!p0 [hbm:s6], $0xF7A  }
0x23: {  	s9 =	sor.u32 $0xD0000000, s2;
	s6 =	simm.s32 $0x108;
	_ =	swait.ge @!p0 [sflag:s8], $0x0  }
0x24: {  	s3 =	sadd.s32 $0x88, s3;
	s6 =	simm.s32 @!p1 $0x1082;
	[sflag:s4] =	ssyncset.s32 $0xFFFFF086  }
0x25: {  	[simem:s6], [sflag:s4] =	dma.local [hbm:s3], $0xF7A  }
0x26: {  	[smem:$0x3F9B] =	sst s1;
	(tag) =	ssettag s2;
	_ =	strace s9  }
0x27: {  	s1 =	sld [smem:$0x3FAB]  }
0x28: {  	s2 =	sld [smem:$0x3FAC]  }
0x29: {  	s4 =	sld [smem:$0x3FAE]  }
0x2a: {  	p0 =	seq.s32 s5, $0x0;
	s5 =	sld [smem:$0x3FAF]  }
0x2b: {  	s6 =	sld [smem:$0x3FB0]  }
0x2c: {  	s7 =	sld [smem:$0x3FB1]  }
0x2d: {  	s3 =	simm.s32 $0x108;
	s8 =	sld [smem:$0x3FB2]  }
0x2e: {  	s3 =	simm.s32 @!p0 $0x1082;
	s9 =	sld [smem:$0x3FB3]  }
0x2f: {  	lr =	sadd.s32 s0, s3;
	s0 =	sld [smem:$0x3FAA]  }
0x30: {  	s3 =	sld [smem:$0x3FAD]  }
0x31: {  	[smem:$0x3FB6] =	sst s10  }
0x32: {  	s10 =	sld [smem:$0x3FB4];
	_ =	sdelay $0x3  }
0x33: {  	p0 =	seq.s32 s10, $0x1;
	s10 =	sld [smem:$0x3FB6];
	_ =	sdelay $0x3  }
0x34: {  	[smem:$0x3FB6] =	sst s10  }
0x35: {  	s10 =	sld [smem:$0x3FB5];
	_ =	sdelay $0x3  }
0x36: {  	p1 =	seq.s32 s10, $0x1;
	s10 =	sld [smem:$0x3FB6];
	_ =	sdelay $0x3  }
0x37: {  	[smem:$0x3FB6] =	sst s10  }
0x38: {  	s10 =	sld [smem:$0x3FB7]  }
0x39: {  	_ = 	snop;
	(pc) =	sbr.ind lr, $3  }
0x3a: {  	_ = 	snop  }
0x3b: {  	_ = 	snop  }
0x3c: {  	p2 =	seq.s32 s10, $0x1;
	s10 =	sld [smem:$0x3FB6]  }
0x3d: {  	_ =	shalt  }
0x3e: {  	_ =	shalt  }
0x3f: {  	_ =	shalt  }
0x40: {  	_ =	shalt  }
0x41: {  	_ =	shalt  }
0x42: {  	_ =	shalt  }
0x43: {  	_ =	shalt  }
0x44: {  	_ =	shalt  }
0x45: {  	_ =	shalt  }
0x46: {  	_ =	shalt  }
0x47: {  	_ =	shalt  }
0x48: {  	_ =	shalt  }
0x49: {  	_ =	shalt  }
0x4a: {  	_ =	shalt  }
0x4b: {  	_ =	shalt  }
0x4c: {  	_ =	shalt  }
0x4d: {  	_ =	shalt  }
0x4e: {  	_ =	shalt  }
0x4f: {  	_ =	shalt  }
0x50: {  	_ =	shalt  }
0x51: {  	_ =	shalt  }
0x52: {  	_ =	shalt  }
0x53: {  	_ =	shalt  }
0x54: {  	_ =	shalt  }
0x55: {  	_ =	shalt  }
0x56: {  	_ =	shalt  }
0x57: {  	_ =	shalt  }
0x58: {  	_ =	shalt  }
0x59: {  	_ =	shalt  }
0x5a: {  	_ =	shalt  }
0x5b: {  	_ =	shalt  }
0x5c: {  	_ =	shalt  }
0x5d: {  	_ =	shalt  }
0x5e: {  	_ =	shalt  }
0x5f: {  	_ =	shalt  }
0x60: {  	_ =	shalt  }
0x61: {  	_ =	shalt  }
0x62: {  	_ =	shalt  }
0x63: {  	_ =	shalt  }
0x64: {  	_ =	shalt  }
0x65: {  	_ =	shalt  }
0x66: {  	_ =	shalt  }
0x67: {  	_ =	shalt  }
0x68: {  	_ =	shalt  }
0x69: {  	_ =	shalt  }
0x6a: {  	_ =	shalt  }
0x6b: {  	_ =	shalt  }
0x6c: {  	_ =	shalt  }
0x6d: {  	_ =	shalt  }
0x6e: {  	_ =	shalt  }
0x6f: {  	_ =	shalt  }
0x70: {  	_ =	shalt  }
0x71: {  	_ =	shalt  }
0x72: {  	_ =	shalt  }
0x73: {  	_ =	shalt  }
0x74: {  	_ =	shalt  }
0x75: {  	_ =	shalt  }
0x76: {  	_ =	shalt  }
0x77: {  	_ =	shalt  }
0x78: {  	_ =	shalt  }
0x79: {  	_ =	shalt  }
0x7a: {  	_ =	shalt  }
0x7b: {  	_ =	shalt  }
0x7c: {  	_ =	shalt  }
0x7d: {  	_ =	shalt  }
0x7e: {  	_ =	shalt  }
0x7f: {  	_ =	shalt  }
0x80: {  	_ =	shalt  }
0x81: {  	_ =	shalt  }
0x82: {  	_ =	shalt  }
0x83: {  	_ =	shalt  }
0x84: {  	_ =	shalt  }
0x85: {  	_ =	shalt  }
0x86: {  	_ =	shalt  }
0x87: {  	_ =	shalt  }
.Lfunc_end0:
.L_simem_size_0:
called_computation.2_lowered:
.L_overlay_start_0:
0x88: {  	s2 =	sld [smem:$0x3FD9]  }
0x89: {  	s3 =	sld [smem:$0x3FFE];
	_ =	sdelay $0x1  }
0x8a: {  	s1 =	srdreg.scid  }
0x8b: {  	s0 =	sand.u32 $0x1, s1  }
0x8c: {  	s17 =	sshll.u32 s0, $0xA;
	s2 =	sadd.s32 s3, s2  }
0x8d: {  	s2 =	sadd.s32 s2, s17  }
0x8e: {  	[smem:$0x3FC2] =	sst s2  }
0x8f: {  	_ = 	snop  }
0x90: {  	s2 =	sld [smem:$0x3FD0];
	(tm) =	ssettm $0x1  }
0x91: {  	s18 =	sld [smem:$0x3FFB];
	_ =	sdelay $0x3  }
0x92: {  	_ =	strace s18  }
0x93: {  	s3 =	sld [smem:$0x3FFC];
	_ =	sdelay $0x3  }
0x94: {  	_ =	strace s3  }
0x95: {  	s3 =	sld [smem:$0x3FFD];
	_ =	sdelay $0x3  }
0x96: {  	_ =	strace s3  }
0x97: {  	_ =	strace $0x8FFFFFFF  }
0x98: {  	s19 =	sld [smem:$0x3FDB];
	_ =	sdelay $0x1  }
0x99: {  	s4 =	simm.s32 $_scs_section_size  }
0x9a: {  	s5 =	simm.s32 $_size__tile_overlayer_lowered;
	s6 =	simm.s32 $_tile_overlayer_lowered  }
0x9b: {  	s22 =	simm.s32 $0x1BFF;
	s21 =	sshll.u32 s6, $0x1;
	s3 =	sadd.s32 s4, s19  }
0x9c: {  	s7 =	simm.s32 $0x0;
	s20 =	sshll.u32 s5, $0x1;
	s5 =	sadd.s32 s21, s3  }
0x9d: {  	[timem:s7], [sflag:s22] =	dma.local [hbm:s5], s20  }
0x9e: {  	_ =	swait.ge [sflag:s22], s20  }
0x9f: {  	s4 =	ssub.s32 $0x0, s20;
	[sflag:s22] =	ssyncset.done $0x0  }
0xa0: {  	[sflag:s22] =	ssyncadd.s32 s4;
	_ =	sdelay $0x1  }
0xa1: {  	s23 =	simm.s32 $0x1B8B  }
0xa2: {  	_ =	swait.ge [sflag:s23], $0x1  }
0xa3: {  	[sflag:s23] =	ssyncset.done $0x0  }
0xa4: {  	s25 =	simm.s32 $0x1B8E;
	s24 =	sld [smem:$0x3FFE];
	[sflag:s23] =	ssyncadd.s32 $0xFFFFFFFF  }
0xa5: {  	s26 =	simm.s32 $execute0_lowered;
	[smem:$0x3FD2] =	sst s25  }
0xa6: {  	s5 =	sshll.u32 s26, $0x1;
	_ =	strace $0x8000004C;
	[dreg:$0x1] =	wrdreg $0xFFFFFFFF  }
0xa7: {  	s28 =	simm.s32 $_size_execute0_lowered;
	s3 =	sadd.s32 s3, s5;
	[dreg:$0x0] =	wrdreg $0x0  }
0xa8: {  	s5 =	sshll.u32 s28, $0x1;
	[dreg:$0x2] =	wrdreg s3  }
0xa9: {  	[dreg:$0x3] =	wrdreg s5  }
0xaa: {  	[dreg:$0x4] =	wrdreg $0xC0  }
0xab: {  	_ =	task [dreg:s7], $0x5FFFF  }
0xac: {  	[dreg:$0x1] =	wrdreg $0xFFFFFFFF  }
0xad: {  	[dreg:$0x0] =	wrdreg $0x60  }
0xae: {  	[dreg:$0x2] =	wrdreg s2  }
0xaf: {  	[dreg:$0x3] =	wrdreg s24  }
0xb0: {  	[dreg:$0x4] =	wrdreg $0xA8000  }
0xb1: {  	[dreg:$0x5] =	wrdreg $0x9  }
0xb2: {  	_ =	task.clear_ibuf [dreg:s7], $0x6FFFF;
	_ =	strace $0x9000004C  }
0xb3: {  	s29 =	simm.s32 $0x9;
	_ =	strace $0x8000004E  }
0xb4: {  	_ =	swait.ge [sflag:s29], $0x1  }
0xb5: {  	[sflag:s29] =	ssyncadd.s32 $0xFFFFFFFF  }
0xb6: {  	_ =	strace $0x9000004E  }
0xb7: {  	_ =	sfence  }
0xb8: {  	s30 =	sld [smem:$0x0];
	_ =	sdelay $0x2  }
0xb9: {  	s31 =	sshll.u32 s1, $0xD;
	s1 =	sshrl.u32 s1, $0x2  }
0xba: {  	s3 =	sand.u32 $0x4000, s31;
	s1 =	sadd.s32 s1, s30  }
0xbb: {  	s0 =	sor.u32 s3, s0;
	s1 =	sshll.u32 s1, $0x11  }
0xbc: {  	s0 =	sor.u32 s1, s0  }
0xbd: {  	s0 =	sadd.s32 $0x8F2B, s0  }
0xbe: {  	[sflag:s0] =	ssyncadd.remote.s32 $0x1  }
0xbf: {  	_ =	sfence.sel $0xFFFF  }
0xc0: {  	[dreg:$0x0] =	wrdreg $0xFFFFFFFF;
	(pc) =	sbr.abs _section_cstart, $3  }
0xc1: {  	[dreg:$0x1] =	wrdreg $0xFFFFFFFF  }
0xc2: {  	_ =	task.clear_ibuf [dreg:s7], $0x2FFFF;
	_ =	strace $0x9FFFFFFF  }
0xc3: {  	(tm) =	ssettm $0x7FFFFFFF  }
tec
execute0_lowered:
.L_overlay_start_1:
0x0: {  	(tag) =	ssettag $0x1  }
0x1: {  	s0 =	rddreg [dreg:$0x0]  }
0x2: {  	s1 =	srdreg.scid;
	s4 =	rddreg [dreg:$0x1]  }
0x3: {  	s21 =	stileid.u32;
	s2 =	rddreg [dreg:$0x2]  }
0x4: {  	s28 =	simm.s32 $0x3;
	s29 =	simm.s32 $0x4;
	s30 =	simm.s32 $0x0  }
0x5: {  	s1 =	sand.u32 $0x1, s1;
	s3 =	sshll.u32 s21, $0x1;
	s6 =	smul.u32 $0x280, s21  }
0x6: {  	s18 =	sadd.s32 $0xBC00, s4;
	s26 =	smul.u32 $0x50000, s21;
	s12 =	sor.u32 s1, s3  }
0x7: {  	s3 =	simm.s32 $0x0;
	s7 =	ssub.s32 $0x2, s1;
	s5 =	smul.u32 $0x500, s12  }
0x8: {  	[smem:$0x7FF] =	sst s3;
	s15 =	sshrl.u32 s7, $0x1;
	s13 =	smin.u32 s6, $0x2490  }
0x9: {  	_ =	strace $0x8000004D;
	s15 =	ssub.s32 s7, s15;
	s17 =	sshll.u32 s13, $0x4  }
0xa: {  	s6 =	sshll.u32 s13, $0x7;
	s20 =	sadd.s32 $0x80, s13;
	s22 =	sadd.s32 $0x100, s13  }
0xb: {  	s14 =	sadd.s32 $0x180, s13;
	s13 =	sadd.s32 $0x200, s13;
	s5 =	sadd.s32 s5, s4  }
0xc: {  	s19 =	sadd.s32 s0, s17;
	s6 =	sadd.s32 s6, s2;
	s8 =	sshll.u32 s20, $0x4  }
0xd: {  	s9 =	sshll.u32 s20, $0x7;
	s10 =	sshll.u32 s22, $0x4;
	s11 =	sshll.u32 s22, $0x7  }
0xe: {  	s23 =	sshll.u32 s14, $0x4;
	s14 =	sshll.u32 s14, $0x7;
	s17 =	smul.u32 $0xA0, s21  }
0xf: {  	s24 =	sshll.u32 s13, $0x4;
	s20 =	smul.u32 $0x50, s1;
	s15 =	smax.u32 s15, $0x1  }
0x10: {  	s1 =	smul.u32 $0x28000, s1;
	s21 =	simm.s32 $0x6;
	s22 =	simm.s32 $0x6800  }
0x11: {  	s16 =	sadd.s32 $0x1C00, s5;
	[dreg:$0x5] =	wrdreg s19;
	s7 =	sadd.s32 s0, s8  }
0x12: {  	s8 =	sadd.s32 s9, s2;
	s9 =	sadd.s32 s0, s10;
	s10 =	sadd.s32 s11, s2  }
0x13: {  	s11 =	sadd.s32 s0, s23;
	s19 =	sshll.u32 s13, $0x7;
	s13 =	sadd.s32 s0, s24  }
0x14: {  	s23 =	simm.s32 $0x1;
	s24 =	simm.s32 $0x2;
	[dreg:$0x4] =	wrdreg s16  }
0x15: {  	s16 =	smul.u32 $0x28000, s12;
	s12 =	sadd.s32 s14, s2;
	s14 =	sadd.s32 s19, s2  }
0x16: {  	s17 =	sadd.s32 s20, s17;
	s19 =	sadd.s32 s26, s18;
	s26 =	simm.s32 $0x80  }
0x17: {  	s20 =	sshll.u32 s17, $0xB;
	s19 =	sadd.s32 s1, s19;
	s25 =	sadd.s32 s18, s16  }
0x18: {  	s31 =	sadd.s32 s20, s18;
	s20 =	simm.s32 $0x2800;
	s16 =	sadd.s32 $0x27000, s25  }
0x19: {  	s17 =	sadd.s32 $0x27800, s25;
	s18 =	sadd.s32 $0x800, s31;
	s25 =	simm.s32 $0x5  }
.LBB2_1:
0x1a: {  	s0 =	rddreg [dreg:$0x4]  }
0x1b: {  	[tilespmem:s3], [sflag:$0x5] =	stream.linear.gather [hbm4b:s0+s3], $0x2800, $0x38;
	[tilespmem:$0x1E800] =	vst v63  }
0x1c: {  	s5 =	rddreg [dreg:$0x5]  }
0x1d: {  	[tilespmem:s20], [sflag:$0x6] =	stream.linear.gather [hbm4b:s5+s3], $0x4000, $0x38;
	[tilespmem:$0x1E800] =	vst v63  }
0x1e: {  	_ =	swait.ge [sflag:s21], $0x4000  }
0x1f: {  	[sflag:s21] =	ssyncset.done $0x0  }
0x20: {  	[sflag:s21] =	ssyncadd.s32 $0xFFFFC000  }
0x21: {  	[spmem:s6] =	stream.linear.scatter [tilespmem:s20], [sflag:$0x1], $0x4000, $0x38;
	[tilespmem:$0x1E800] =	vst v63  }
0x22: {  	_ = 	snop  }
0x23: {  	[tilespmem:s22], [sflag:$0x6] =	stream.linear.gather [hbm4b:s7+s3], $0x4000, $0x38;
	[tilespmem:$0x1E800] =	vst v63  }
0x24: {  	_ =	swait.ge [sflag:s21], $0x4000  }
0x25: {  	[sflag:s21] =	ssyncset.done $0x0  }
0x26: {  	[sflag:s21] =	ssyncadd.s32 $0xFFFFC000  }
0x27: {  	[spmem:s8] =	stream.linear.scatter [tilespmem:s22], [sflag:$0x2], $0x4000, $0x38;
	[tilespmem:$0x1E800] =	vst v63  }
0x28: {  	_ =	swait.ge [sflag:s23], $0x4000  }
0x29: {  	[sflag:s23] =	ssyncset.done $0x0  }
0x2a: {  	[sflag:s23] =	ssyncadd.s32 $0xFFFFC000  }
0x2b: {  	[tilespmem:s20], [sflag:$0x6] =	stream.linear.gather [hbm4b:s9+s3], $0x4000, $0x38;
	[tilespmem:$0x1E800] =	vst v63  }
0x2c: {  	_ =	swait.ge [sflag:s21], $0x4000  }
0x2d: {  	[sflag:s21] =	ssyncset.done $0x0  }
0x2e: {  	[sflag:s21] =	ssyncadd.s32 $0xFFFFC000  }
0x2f: {  	[spmem:s10] =	stream.linear.scatter [tilespmem:s20], [sflag:$0x1], $0x4000, $0x38;
	[tilespmem:$0x1E800] =	vst v63  }
0x30: {  	_ =	swait.ge [sflag:s24], $0x4000  }
0x31: {  	[sflag:s24] =	ssyncset.done $0x0  }
0x32: {  	[sflag:s24] =	ssyncadd.s32 $0xFFFFC000  }
0x33: {  	[tilespmem:s22], [sflag:$0x6] =	stream.linear.gather [hbm4b:s11+s3], $0x4000, $0x38;
	[tilespmem:$0x1E800] =	vst v63  }
0x34: {  	_ =	swait.ge [sflag:s21], $0x4000  }
0x35: {  	[sflag:s21] =	ssyncset.done $0x0  }
0x36: {  	[sflag:s21] =	ssyncadd.s32 $0xFFFFC000  }
0x37: {  	[spmem:s12] =	stream.linear.scatter [tilespmem:s22], [sflag:$0x2], $0x4000, $0x38;
	[tilespmem:$0x1E800] =	vst v63  }
0x38: {  	_ =	swait.ge [sflag:s23], $0x4000  }
0x39: {  	[sflag:s23] =	ssyncset.done $0x0  }
0x3a: {  	[sflag:s23] =	ssyncadd.s32 $0xFFFFC000  }
0x3b: {  	[tilespmem:s20], [sflag:$0x6] =	stream.linear.gather [hbm4b:s13+s3], $0x4000, $0x38;
	[tilespmem:$0x1E800] =	vst v63  }
0x3c: {  	_ =	swait.ge [sflag:s21], $0x4000  }
0x3d: {  	[sflag:s21] =	ssyncset.done $0x0  }
0x3e: {  	[sflag:s21] =	ssyncadd.s32 $0xFFFFC000  }
0x3f: {  	[spmem:s14] =	stream.linear.scatter [tilespmem:s20], [sflag:$0x1], $0x4000, $0x38;
	[tilespmem:$0x1E800] =	vst v63  }
0x40: {  	_ =	swait.ge [sflag:s24], $0x4000  }
0x41: {  	[sflag:s24] =	ssyncset.done $0x0  }
0x42: {  	[sflag:s24] =	ssyncadd.s32 $0xFFFFC000  }
0x43: {  	_ =	swait.ge [sflag:s23], $0x4000  }
0x44: {  	[sflag:s23] =	ssyncset.done $0x0  }
0x45: {  	[sflag:s23] =	ssyncadd.s32 $0xFFFFC000  }
0x46: {  	_ =	swait.ge [sflag:s25], $0x2800  }
0x47: {  	[sflag:s25] =	ssyncset.done $0x0  }
0x48: {  	[sflag:s25] =	ssyncadd.s32 $0xFFFFD800  }
0x49: {  	[bflag:$0x0] =	sbarrier.arrive $0xFFFF  }
0x4a: {  	[tilespmem:s20], [sflag:$0x1] =	stream.indirect.gather [spmem:s2], $0x80, s3, s26, $0xb8;
	[tilespmem:$0x1E800] =	vst v63  }
0x4b: {  	_ = 	snop  }
0x4c: {  	[tilespmem:s22], [sflag:$0x2] =	stream.indirect.gather [spmem:s2], $0x80, s26, s26, $0xb8;
	[tilespmem:$0x1E800] =	vst v63  }
0x4d: {  	_ =	swait.ge [sflag:s23], $0x4000  }
0x4e: {  	[sflag:s23] =	ssyncset.done $0x0  }
0x4f: {  	s1 =	sadd.s32 $0x0, s19;
	[sflag:s23] =	ssyncadd.s32 $0xFFFFC000  }
0x50: {  	[hbm4b:s1+s3] =	stream.linear.scatter [tilespmem:s20], [sflag:$0x3], $0x4000, $0x38;
	[tilespmem:$0x1E800] =	vst v63  }
0x51: {  	_ =	swait.ge [sflag:s28], $0x4000  }
0x52: {  	[sflag:s28] =	ssyncset.done $0x0  }
0x53: {  	s4 =	simm.s32 $0x100;
	[sflag:s28] =	ssyncadd.s32 $0xFFFFC000  }
0x54: {  	[tilespmem:s20], [sflag:$0x1] =	stream.indirect.gather [spmem:s2], $0x80, s4, s26, $0xb8;
	[tilespmem:$0x1E800] =	vst v63  }
0x55: {  	_ =	swait.ge [sflag:s24], $0x4000  }
0x56: {  	[sflag:s24] =	ssyncset.done $0x0  }
0x57: {  	s5 =	sadd.s32 $0x0, s18;
	[sflag:s24] =	ssyncadd.s32 $0xFFFFC000  }
0x58: {  	[hbm4b:s5+s3] =	stream.linear.scatter [tilespmem:s22], [sflag:$0x4], $0x4000, $0x38;
	[tilespmem:$0x1E800] =	vst v63  }
0x59: {  	_ =	swait.ge [sflag:s29], $0x4000  }
0x5a: {  	s31 =	simm.s32 $0x180;
	[sflag:s29] =	ssyncset.done $0x0  }
0x5b: {  	s0 =	simm.s32 $0x280;
	s1 =	simm.s32 $0x1000;
	[sflag:s29] =	ssyncadd.s32 $0xFFFFC000  }
.LBB2_2:
0x5c: {  	[tilespmem:s22], [sflag:$0x2] =	stream.indirect.gather [spmem:s2], $0x80, s31, s26, $0xb8;
	[tilespmem:$0x1E800] =	vst v63  }
0x5d: {  	s4 =	smov.u32 s1;
	s31 =	smov.u32 s0  }
0x5e: {  	p0 =	sne.s32 s1, $0x26000;
	s1 =	sadd.s32 $0x1000, s1;
	_ =	swait.ge [sflag:s23], $0x4000  }
0x5f: {  	[sflag:s23] =	ssyncset.done $0x0  }
0x60: {  	s5 =	sadd.s32 s4, s19;
	[sflag:s23] =	ssyncadd.s32 $0xFFFFC000  }
0x61: {  	[hbm4b:s5+s3] =	stream.linear.scatter [tilespmem:s20], [sflag:$0x3], $0x4000, $0x38;
	[tilespmem:$0x1E800] =	vst v63  }
0x62: {  	_ =	swait.ge [sflag:s28], $0x4000  }
0x63: {  	[sflag:s28] =	ssyncset.done $0x0  }
0x64: {  	s5 =	sadd.s32 $0xFFFFFF80, s0;
	[sflag:s28] =	ssyncadd.s32 $0xFFFFC000  }
0x65: {  	[tilespmem:s20], [sflag:$0x1] =	stream.indirect.gather [spmem:s2], $0x80, s5, s26, $0xb8;
	[tilespmem:$0x1E800] =	vst v63  }
0x66: {  	_ =	swait.ge [sflag:s24], $0x4000  }
0x67: {  	[sflag:s24] =	ssyncset.done $0x0  }
.Ltmp0:
0x68: {  	s4 =	sadd.s32 s4, s18;
	[sflag:s24] =	ssyncadd.s32 $0xFFFFC000;
	(pc) =	sbr.rel @p0 .LBB2_2-.Ltmp0, $4  }
0x69: {  	[hbm4b:s4+s3] =	stream.linear.scatter [tilespmem:s22], [sflag:$0x4], $0x4000, $0x38;
	[tilespmem:$0x1E800] =	vst v63  }
0x6a: {  	_ =	swait.ge [sflag:s29], $0x4000  }
0x6b: {  	[sflag:s29] =	ssyncset.done $0x0  }
0x6c: {  	s0 =	sadd.s32 $0x100, s0;
	[sflag:s29] =	ssyncadd.s32 $0xFFFFC000  }
0x6d: {  	[tilespmem:s22], [sflag:$0x2] =	stream.indirect.gather [spmem:s2], $0x80, s31, s26, $0xb8;
	[tilespmem:$0x1E800] =	vst v63  }
0x6e: {  	_ =	swait.ge [sflag:s23], $0x4000  }
0x6f: {  	[sflag:s23] =	ssyncset.done $0x0  }
0x70: {  	[sflag:s23] =	ssyncadd.s32 $0xFFFFC000  }
0x71: {  	[hbm4b:s16+s3] =	stream.linear.scatter [tilespmem:s20], [sflag:$0x3], $0x4000, $0x38;
	[tilespmem:$0x1E800] =	vst v63  }
0x72: {  	_ =	swait.ge [sflag:s24], $0x4000  }
0x73: {  	[sflag:s24] =	ssyncset.done $0x0  }
0x74: {  	s30 =	sadd.s32 $0x1, s30;
	[sflag:s24] =	ssyncadd.s32 $0xFFFFC000  }
0x75: {  	[hbm4b:s17+s3] =	stream.linear.scatter [tilespmem:s22], [sflag:$0x4], $0x4000, $0x38;
	[tilespmem:$0x1E800] =	vst v63  }
0x76: {  	p0 =	sne.s32 s30, s15;
	_ =	swait.ge [sflag:s28], $0x4000  }
.Ltmp1:
0x77: {  	[sflag:s28] =	ssyncset.done $0x0;
	(pc) =	sbr.rel @p0 .LBB2_1-.Ltmp1, $4  }
0x78: {  	[sflag:s28] =	ssyncadd.s32 $0xFFFFC000  }
0x79: {  	_ =	swait.ge [sflag:s29], $0x4000  }
0x7a: {  	[sflag:s29] =	ssyncset.done $0x0  }
0x7b: {  	[sflag:s29] =	ssyncadd.s32 $0xFFFFC000  }
0x7c: {  	_ =	sfence.sel $0x180000  }
0x7d: {  	[bflag:$0x0] =	sbarrier.arrive $0xFFFF  }
0x7e: {  	_ =	strace $0x9000004D  }
0x7f: {  	s0 =	stileid.u32;
	[bflag:$0x2] =	sbarrier.arrive $0xFFFF  }
0x80: {  	p0 =	sne.s32 s0, $0x0;
	s0 =	rddreg [dreg:$0x3]  }
0x81: {  	s0 =	sadd.s32 @!p0 $0x100000, s0  }
0x82: {  	[sflag:s0] =	ssyncadd.tile.s32 @!p0 $0x1;
	_ =	shalt  }
.Lfunc_end2:
_tile_overlayer_lowered:
.L_overlay_start_2:
0x83: {  	(tag) =	ssettag $0x2  }
0x84: {  	s0 =	rddreg [dreg:$0x0];
	s2 =	stileid.u32  }
0x85: {  	s1 =	rddreg [dreg:$0x1];
	p0 =	sne.s32 s2, $0x0  }
0x86: {  	s3 =	rddreg [dreg:$0x2];
	[bflag:$0x3] =	sbarrier.arrive $0xFFFF;
	s2 =	simm.s32 @!p0 $0x1C06  }
0x87: {  	[timem:s3], [sflag:s2] =	dma.local @!p0 [hbm:s0], s1  }
0x88: {  	s0 =	simm.s32 @!p0 $0x6  }
0x89: {  	_ =	swait.ge @!p0 [sflag:s0], s1  }
0x8a: {  	s1 =	ssub.s32 @!p0 $0x0, s1;
	[sflag:s0] =	ssyncset.done @!p0 $0x0  }
0x8b: {  	[sflag:s0] =	ssyncadd.s32 @!p0 s1  }
0x8c: {  	[bflag:$0x3] =	sbarrier.arrive $0xFFFF  }
0x8d: {  	_ =	shalt  }

// kernel: kernel.17.cloned.1.call-start
scs
__scs_entry_jumppad:
0x0: {  	(pc) =	sbr.rel $0x88, $3  }
0x1: {  	(tag) =	ssettag $0x0;
	lr =	simm.s32 $0x1  }
0x2: {  	[smem:$0x3F9B] =	sst lr;
	_ =	strace $0xD0000000  }
0x3: {  	_ = 	snop  }
0x4: {  	_ = 	snop  }
0x5: {  	_ = 	snop  }
0x6: {  	_ = 	snop  }
0x7: {  	_ = 	snop  }
__scs_overlays_trampoline_lowered:
0x8: {  	[smem:$0x3FAA] =	sst s0  }
0x9: {  	[smem:$0x3FAB] =	sst s1  }
0xa: {  	[smem:$0x3FAC] =	sst s2  }
0xb: {  	[smem:$0x3FAD] =	sst s3  }
0xc: {  	[smem:$0x3FAE] =	sst s4  }
0xd: {  	[smem:$0x3FAF] =	sst s5  }
0xe: {  	[smem:$0x3FB0] =	sst s6  }
0xf: {  	[smem:$0x3FB1] =	sst s7  }
0x10: {  	[smem:$0x3FB2] =	sst s8  }
0x11: {  	[smem:$0x3FB3] =	sst s9;
	s0 =	simm.s32 @!p0 $0x0  }
0x12: {  	s1 =	sld [smem:$0x3F99];
	s0 =	simm.s32 @p0 $0x1  }
0x13: {  	[smem:$0x3FB4] =	sst s0;
	s0 =	simm.s32 @!p1 $0x0  }
0x14: {  	s2 =	sld [smem:$0x3F98];
	s0 =	simm.s32 @p1 $0x1  }
0x15: {  	[smem:$0x3FB5] =	sst s0;
	s0 =	simm.s32 @!p2 $0x0  }
0x16: {  	s3 =	sld [smem:$0x3FDB];
	s0 =	simm.s32 @p2 $0x1  }
0x17: {  	s4 =	simm.s32 $0x1BF5;
	[smem:$0x3FB7] =	sst s0  }
0x18: {  	s0 =	sld [smem:$0x3F9A];
	_ =	swait.ge [sflag:s4], $0x0  }
0x19: {  	s7 =	sld [smem:$0x3F9B]  }
0x1a: {  	s8 =	sadd.s32 $0xFFFFE003, lr  }
0x1b: {  	s9 =	sadd.s32 $0xFFFFFEF7, lr;
	s5 =	simm.s32 $0xFFFFFFFF;
	p2 =	slt.u32 s8, $0xFFFFF086  }
0x1c: {  	p1 =	slt.u32 s9, $0xF7A;
	s5 =	simm.s32 @!p2 $0x0  }
0x1d: {  	s5 =	simm.s32 @p1 $0x1;
	p0 =	seq.s32 s7, s2  }
0x1e: {  	s7 =	smul.u32 @!p0 $0xF7A, s2;
	p2 =	seq.s32 @!p0 s5, $0x0  }
0x1f: {  	s9 =	smul.u32 $0xF7A, s1;
	s8 =	simm.s32 @!p0 $0x1BF5;
	p2 =	por !p2, p0  }
0x20: {  	[sflag:s8] =	ssyncset.s32 @!p0 $0xFFFFF086;
	s6 =	sadd.s32 @!p0 s3, s7;
	s7 =	simm.s32 @!p0 $0x108  }
0x21: {  	s3 =	sadd.s32 s3, s9;
	s6 =	sadd.s32 @!p0 $0x88, s6;
	s7 =	simm.s32 @p2 $0x1082  }
0x22: {  	[simem:s7], [sflag:s8] =	dma.local @!p0 [hbm:s6], $0xF7A  }
0x23: {  	s9 =	sor.u32 $0xD0000000, s2;
	s6 =	simm.s32 $0x108;
	_ =	swait.ge @!p0 [sflag:s8], $0x0  }
0x24: {  	s3 =	sadd.s32 $0x88, s3;
	s6 =	simm.s32 @!p1 $0x1082;
	[sflag:s4] =	ssyncset.s32 $0xFFFFF086  }
0x25: {  	[simem:s6], [sflag:s4] =	dma.local [hbm:s3], $0xF7A  }
0x26: {  	[smem:$0x3F9B] =	sst s1;
	(tag) =	ssettag s2;
	_ =	strace s9  }
0x27: {  	s1 =	sld [smem:$0x3FAB]  }
0x28: {  	s2 =	sld [smem:$0x3FAC]  }
0x29: {  	s4 =	sld [smem:$0x3FAE]  }
0x2a: {  	p0 =	seq.s32 s5, $0x0;
	s5 =	sld [smem:$0x3FAF]  }
0x2b: {  	s6 =	sld [smem:$0x3FB0]  }
0x2c: {  	s7 =	sld [smem:$0x3FB1]  }
0x2d: {  	s3 =	simm.s32 $0x108;
	s8 =	sld [smem:$0x3FB2]  }
0x2e: {  	s3 =	simm.s32 @!p0 $0x1082;
	s9 =	sld [smem:$0x3FB3]  }
0x2f: {  	lr =	sadd.s32 s0, s3;
	s0 =	sld [smem:$0x3FAA]  }
0x30: {  	s3 =	sld [smem:$0x3FAD]  }
0x31: {  	[smem:$0x3FB6] =	sst s10  }
0x32: {  	s10 =	sld [smem:$0x3FB4];
	_ =	sdelay $0x3  }
0x33: {  	p0 =	seq.s32 s10, $0x1;
	s10 =	sld [smem:$0x3FB6];
	_ =	sdelay $0x3  }
0x34: {  	[smem:$0x3FB6] =	sst s10  }
0x35: {  	s10 =	sld [smem:$0x3FB5];
	_ =	sdelay $0x3  }
0x36: {  	p1 =	seq.s32 s10, $0x1;
	s10 =	sld [smem:$0x3FB6];
	_ =	sdelay $0x3  }
0x37: {  	[smem:$0x3FB6] =	sst s10  }
0x38: {  	s10 =	sld [smem:$0x3FB7]  }
0x39: {  	_ = 	snop;
	(pc) =	sbr.ind lr, $3  }
0x3a: {  	_ = 	snop  }
0x3b: {  	_ = 	snop  }
0x3c: {  	p2 =	seq.s32 s10, $0x1;
	s10 =	sld [smem:$0x3FB6]  }
0x3d: {  	_ =	shalt  }
0x3e: {  	_ =	shalt  }
0x3f: {  	_ =	shalt  }
0x40: {  	_ =	shalt  }
0x41: {  	_ =	shalt  }
0x42: {  	_ =	shalt  }
0x43: {  	_ =	shalt  }
0x44: {  	_ =	shalt  }
0x45: {  	_ =	shalt  }
0x46: {  	_ =	shalt  }
0x47: {  	_ =	shalt  }
0x48: {  	_ =	shalt  }
0x49: {  	_ =	shalt  }
0x4a: {  	_ =	shalt  }
0x4b: {  	_ =	shalt  }
0x4c: {  	_ =	shalt  }
0x4d: {  	_ =	shalt  }
0x4e: {  	_ =	shalt  }
0x4f: {  	_ =	shalt  }
0x50: {  	_ =	shalt  }
0x51: {  	_ =	shalt  }
0x52: {  	_ =	shalt  }
0x53: {  	_ =	shalt  }
0x54: {  	_ =	shalt  }
0x55: {  	_ =	shalt  }
0x56: {  	_ =	shalt  }
0x57: {  	_ =	shalt  }
0x58: {  	_ =	shalt  }
0x59: {  	_ =	shalt  }
0x5a: {  	_ =	shalt  }
0x5b: {  	_ =	shalt  }
0x5c: {  	_ =	shalt  }
0x5d: {  	_ =	shalt  }
0x5e: {  	_ =	shalt  }
0x5f: {  	_ =	shalt  }
0x60: {  	_ =	shalt  }
0x61: {  	_ =	shalt  }
0x62: {  	_ =	shalt  }
0x63: {  	_ =	shalt  }
0x64: {  	_ =	shalt  }
0x65: {  	_ =	shalt  }
0x66: {  	_ =	shalt  }
0x67: {  	_ =	shalt  }
0x68: {  	_ =	shalt  }
0x69: {  	_ =	shalt  }
0x6a: {  	_ =	shalt  }
0x6b: {  	_ =	shalt  }
0x6c: {  	_ =	shalt  }
0x6d: {  	_ =	shalt  }
0x6e: {  	_ =	shalt  }
0x6f: {  	_ =	shalt  }
0x70: {  	_ =	shalt  }
0x71: {  	_ =	shalt  }
0x72: {  	_ =	shalt  }
0x73: {  	_ =	shalt  }
0x74: {  	_ =	shalt  }
0x75: {  	_ =	shalt  }
0x76: {  	_ =	shalt  }
0x77: {  	_ =	shalt  }
0x78: {  	_ =	shalt  }
0x79: {  	_ =	shalt  }
0x7a: {  	_ =	shalt  }
0x7b: {  	_ =	shalt  }
0x7c: {  	_ =	shalt  }
0x7d: {  	_ =	shalt  }
0x7e: {  	_ =	shalt  }
0x7f: {  	_ =	shalt  }
0x80: {  	_ =	shalt  }
0x81: {  	_ =	shalt  }
0x82: {  	_ =	shalt  }
0x83: {  	_ =	shalt  }
0x84: {  	_ =	shalt  }
0x85: {  	_ =	shalt  }
0x86: {  	_ =	shalt  }
0x87: {  	_ =	shalt  }
.Lfunc_end0:
.L_simem_size_0:
called_computation.3_lowered:
.L_overlay_start_0:
0x88: {  	s2 =	sld [smem:$0x3FD9]  }
0x89: {  	s3 =	sld [smem:$0x3FFE];
	_ =	sdelay $0x1  }
0x8a: {  	s1 =	srdreg.scid  }
0x8b: {  	s0 =	sand.u32 $0x1, s1  }
0x8c: {  	s16 =	sshll.u32 s0, $0xA;
	s2 =	sadd.s32 s3, s2  }
0x8d: {  	s2 =	sadd.s32 s2, s16  }
0x8e: {  	[smem:$0x3FC2] =	sst s2  }
0x8f: {  	_ = 	snop  }
0x90: {  	(tm) =	ssettm $0x1  }
0x91: {  	s17 =	sld [smem:$0x3FFB];
	_ =	sdelay $0x3  }
0x92: {  	_ =	strace s17  }
0x93: {  	s2 =	sld [smem:$0x3FFC];
	_ =	sdelay $0x3  }
0x94: {  	_ =	strace s2  }
0x95: {  	s2 =	sld [smem:$0x3FFD];
	_ =	sdelay $0x3  }
0x96: {  	_ =	strace s2  }
0x97: {  	_ =	strace $0x8FFFFFFF  }
0x98: {  	s18 =	sld [smem:$0x3FDB];
	_ =	sdelay $0x1  }
0x99: {  	s19 =	simm.s32 $_scs_section_size  }
0x9a: {  	s4 =	simm.s32 $_size__tile_overlayer_lowered;
	s5 =	simm.s32 $_tile_overlayer_lowered  }
0x9b: {  	s22 =	simm.s32 $0x1BFF;
	s21 =	sshll.u32 s5, $0x1;
	s2 =	sadd.s32 s19, s18  }
0x9c: {  	s6 =	simm.s32 $0x0;
	s20 =	sshll.u32 s4, $0x1;
	s4 =	sadd.s32 s21, s2  }
0x9d: {  	[timem:s6], [sflag:s22] =	dma.local [hbm:s4], s20  }
0x9e: {  	_ =	swait.ge [sflag:s22], s20  }
0x9f: {  	s3 =	ssub.s32 $0x0, s20;
	[sflag:s22] =	ssyncset.done $0x0  }
0xa0: {  	[sflag:s22] =	ssyncadd.s32 s3;
	_ =	sdelay $0x1  }
0xa1: {  	s23 =	simm.s32 $0x1B8B  }
0xa2: {  	_ =	swait.ge [sflag:s23], $0x1  }
0xa3: {  	[sflag:s23] =	ssyncset.done $0x0  }
0xa4: {  	s25 =	simm.s32 $0x1B8E;
	s24 =	sld [smem:$0x3FFE];
	[sflag:s23] =	ssyncadd.s32 $0xFFFFFFFF  }
0xa5: {  	s26 =	simm.s32 $execute0_lowered;
	[smem:$0x3FD2] =	sst s25  }
0xa6: {  	s4 =	sshll.u32 s26, $0x1;
	_ =	strace $0x8000004F;
	[dreg:$0x1] =	wrdreg $0xFFFFFFFF  }
0xa7: {  	s28 =	simm.s32 $_size_execute0_lowered;
	s2 =	sadd.s32 s2, s4;
	[dreg:$0x0] =	wrdreg $0x0  }
0xa8: {  	s4 =	sshll.u32 s28, $0x1;
	[dreg:$0x2] =	wrdreg s2  }
0xa9: {  	[dreg:$0x3] =	wrdreg s4  }
0xaa: {  	[dreg:$0x4] =	wrdreg $0xC0  }
0xab: {  	_ =	task [dreg:s6], $0x5FFFF  }
0xac: {  	[dreg:$0x1] =	wrdreg $0xFFFFFFFF  }
0xad: {  	[dreg:$0x0] =	wrdreg $0x60  }
0xae: {  	[dreg:$0x2] =	wrdreg s24  }
0xaf: {  	[dreg:$0x3] =	wrdreg $0xA8000  }
0xb0: {  	[dreg:$0x4] =	wrdreg $0x9  }
0xb1: {  	_ =	task.clear_ibuf [dreg:s6], $0x5FFFF;
	_ =	strace $0x9000004F  }
0xb2: {  	s29 =	simm.s32 $0x9;
	_ =	strace $0x80000051  }
0xb3: {  	_ =	swait.ge [sflag:s29], $0x1  }
0xb4: {  	[sflag:s29] =	ssyncadd.s32 $0xFFFFFFFF  }
0xb5: {  	_ =	strace $0x90000051  }
0xb6: {  	_ =	sfence  }
0xb7: {  	s30 =	sld [smem:$0x0];
	_ =	sdelay $0x2  }
0xb8: {  	s31 =	sshll.u32 s1, $0xD;
	s1 =	sshrl.u32 s1, $0x2  }
0xb9: {  	s3 =	sand.u32 $0x4000, s31;
	s1 =	sadd.s32 s1, s30  }
0xba: {  	s0 =	sor.u32 s3, s0;
	s1 =	sshll.u32 s1, $0x11  }
0xbb: {  	s0 =	sor.u32 s1, s0  }
0xbc: {  	s0 =	sadd.s32 $0x8F2B, s0  }
0xbd: {  	[sflag:s0] =	ssyncadd.remote.s32 $0x1  }
0xbe: {  	_ =	sfence.sel $0xFFFF  }
0xbf: {  	[dreg:$0x0] =	wrdreg $0xFFFFFFFF;
	(pc) =	sbr.abs _section_cstart, $3  }
0xc0: {  	[dreg:$0x1] =	wrdreg $0xFFFFFFFF  }
0xc1: {  	_ =	task.clear_ibuf [dreg:s6], $0x2FFFF;
	_ =	strace $0x9FFFFFFF  }
0xc2: {  	(tm) =	ssettm $0x7FFFFFFF  }
0xc3: {  	_ =	shalt  }
tec
execute0_lowered:
.L_overlay_start_1:
0x0: {  	(tag) =	ssettag $0x1  }
0x1: {  	s0 =	rddreg [dreg:$0x0]  }
0x2: {  	s2 =	rddreg [dreg:$0x1];
	s3 =	simm.s32 $0x0  }
0x3: {  	s4 =	srdreg.scid;
	s1 =	stileid.u32;
	s20 =	simm.s32 $0x3  }
0x4: {  	s21 =	simm.s32 $0x6800;
	s22 =	simm.s32 $0x1;
	s28 =	simm.s32 $0x2780  }
0x5: {  	s29 =	simm.s32 $0x0;
	s13 =	sand.u32 $0x1, s4;
	s5 =	smul.u32 $0x280, s1  }
0x6: {  	s23 =	sshll.u32 s1, $0x1;
	[smem:$0x7FF] =	sst s3;
	s16 =	smul.u32 $0x50000, s1  }
0x7: {  	s15 =	sadd.s32 $0xBC00, s0;
	s6 =	sor.u32 s13, s23;
	s24 =	smul.u32 $0x2800, s13  }
0x8: {  	_ =	strace $0x80000050;
	s26 =	ssub.s32 $0x2, s13;
	s18 =	smul.u32 $0x28000, s13  }
0x9: {  	s23 =	simm.s32 $0x80;
	s7 =	smul.u32 $0x500, s6;
	s30 =	sshrl.u32 s26, $0x1  }
0xa: {  	s8 =	sshrl.u32 s16, $0x2;
	s10 =	smul.u32 $0x28000, s6;
	s19 =	sadd.s32 s16, s15  }
0xb: {  	s4 =	sadd.s32 s5, s24;
	s17 =	ssub.s32 s26, s30;
	s31 =	sadd.s32 s18, s19  }
0xc: {  	s19 =	simm.s32 $0x2800;
	s24 =	simm.s32 $0x4;
	s4 =	sshll.u32 s4, $0x4  }
0xd: {  	s25 =	sadd.s32 s7, s0;
	s10 =	sadd.s32 s15, s10;
	s0 =	sadd.s32 s4, s0  }
0xe: {  	s4 =	sadd.s32 s8, s2;
	s5 =	sadd.s32 $0x50BC00, s25;
	s11 =	sadd.s32 $0x800, s10  }
0xf: {  	s6 =	sadd.s32 $0x4000, s4;
	s7 =	sadd.s32 $0x8000, s4;
	s8 =	sadd.s32 $0xC000, s4  }
0x10: {  	s17 =	smax.u32 s17, $0x1;
	s12 =	sadd.s32 $0x515C00, s0;
	s13 =	sadd.s32 $0x516400, s0  }
0x11: {  	s25 =	simm.s32 $0x2;
	s14 =	sadd.s32 $0x516C00, s0;
	s15 =	sadd.s32 $0x517400, s0  }
0x12: {  	v0 =	vimm.f32 $0.0e+00;
	s9 =	sadd.s32 $0x10000, s4;
	s16 =	sadd.s32 $0x517C00, s0;
	s0 =	sadd.s32 $0x1800, s31  }
.LBB2_1:
0x13: {  	[tilespmem:s3], [sflag:$0x3] =	stream.linear.gather [hbm4b:s5+s3], $0x2800, $0x38;
	[tilespmem:$0x1E800] =	vst v63  }
0x14: {  	s18 =	simm.s32 $0x0;
	s30 =	simm.s32 $0x200  }
.LBB2_2:
0x15: {  	p0 =	sne.s32 s30, $0xFE00;
	[tilespmem:s18+$0x2870] =	vst v0  }
0x16: {  	[tilespmem:s18+$0x2800] =	vst v0  }
0x17: {  	[tilespmem:s18+$0x2810] =	vst v0  }
.Ltmp0:
0x18: {  	[tilespmem:s18+$0x2820] =	vst v0;
	(pc) =	sbr.rel @p0 .LBB2_2-.Ltmp0, $4  }
0x19: {  	[tilespmem:s18+$0x2830] =	vst v0  }
0x1a: {  	[tilespmem:s18+$0x2840] =	vst v0  }
0x1b: {  	[tilespmem:s18+$0x2850] =	vst v0  }
0x1c: {  	[tilespmem:s18+$0x2860] =	vst v0;
	s18 =	sshra.s32 s30, $0x2;
	s30 =	sadd.s32 $0x200, s30  }
0x1d: {  	[tilespmem:s18+$0x2870] =	vst v0  }
0x1e: {  	[tilespmem:s18+$0x2800] =	vst v0  }
0x1f: {  	[tilespmem:s18+$0x2810] =	vst v0  }
0x20: {  	[tilespmem:s18+$0x2820] =	vst v0  }
0x21: {  	[tilespmem:s18+$0x2830] =	vst v0  }
0x22: {  	[tilespmem:s18+$0x2840] =	vst v0  }
0x23: {  	[tilespmem:s18+$0x2850] =	vst v0  }
0x24: {  	[tilespmem:s18+$0x2860] =	vst v0  }
0x25: {  	[spmem:s4] =	stream.linear.scatter [tilespmem:s19], [sflag:$0x3], $0x4000, $0x38;
	[tilespmem:$0x1E800] =	vst v63  }
0x26: {  	_ = 	snop  }
0x27: {  	[spmem:s6] =	stream.linear.scatter [tilespmem:s19], [sflag:$0x3], $0x4000, $0x38;
	[tilespmem:$0x1E800] =	vst v63  }
0x28: {  	_ = 	snop  }
0x29: {  	[spmem:s7] =	stream.linear.scatter [tilespmem:s19], [sflag:$0x3], $0x4000, $0x38;
	[tilespmem:$0x1E800] =	vst v63  }
0x2a: {  	_ = 	snop  }
0x2b: {  	[spmem:s8] =	stream.linear.scatter [tilespmem:s19], [sflag:$0x3], $0x4000, $0x38;
	[tilespmem:$0x1E800] =	vst v63  }
0x2c: {  	_ = 	snop  }
0x2d: {  	[spmem:s9] =	stream.linear.scatter [tilespmem:s19], [sflag:$0x3], $0x4000, $0x38;
	[tilespmem:$0x1E800] =	vst v63  }
0x2e: {  	_ =	swait.ge [sflag:s20], $0x4000  }
0x2f: {  	[sflag:s20] =	ssyncset.done $0x0  }
0x30: {  	[sflag:s20] =	ssyncadd.s32 $0xFFFFC000  }
0x31: {  	_ =	swait.ge [sflag:s20], $0x4000  }
0x32: {  	[sflag:s20] =	ssyncset.done $0x0  }
0x33: {  	[sflag:s20] =	ssyncadd.s32 $0xFFFFC000  }
0x34: {  	_ =	swait.ge [sflag:s20], $0x4000  }
0x35: {  	[sflag:s20] =	ssyncset.done $0x0  }
0x36: {  	[sflag:s20] =	ssyncadd.s32 $0xFFFFC000  }
0x37: {  	_ =	swait.ge [sflag:s20], $0x4000  }
0x38: {  	[sflag:s20] =	ssyncset.done $0x0  }
0x39: {  	[sflag:s20] =	ssyncadd.s32 $0xFFFFC000  }
0x3a: {  	_ =	swait.ge [sflag:s20], $0x4000  }
0x3b: {  	[sflag:s20] =	ssyncset.done $0x0  }
0x3c: {  	[sflag:s20] =	ssyncadd.s32 $0xFFFFC000  }
0x3d: {  	_ =	swait.ge [sflag:s20], $0x2800  }
0x3e: {  	[sflag:s20] =	ssyncset.done $0x0  }
0x3f: {  	[sflag:s20] =	ssyncadd.s32 $0xFFFFD800  }
0x40: {  	s1 =	simm.s32 $0x0;
	[bflag:$0x0] =	sbarrier.arrive $0xFFFF  }
0x41: {  	[tilespmem:s19], [sflag:$0x1] =	stream.linear.gather [hbm4b:s10+s1], $0x4000, $0x38;
	[tilespmem:$0x1E800] =	vst v63  }
0x42: {  	_ = 	snop  }
0x43: {  	[tilespmem:s21], [sflag:$0x2] =	stream.linear.gather [hbm4b:s11+s1], $0x4000, $0x38;
	[tilespmem:$0x1E800] =	vst v63  }
0x44: {  	_ =	swait.ge [sflag:s22], $0x4000  }
0x45: {  	[sflag:s22] =	ssyncset.done $0x0  }
0x46: {  	s26 =	simm.s32 $0x0;
	[sflag:s22] =	ssyncadd.s32 $0xFFFFC000  }
0x47: {  	[spmem:s2] =	stream.indirect.scatter.add.f32 [tilespmem:s19], [sflag:$0x4], $0x80, s26, s23, $0xb8;
	[tilespmem:$0x1E800] =	vst v63  }
0x48: {  	_ =	swait.ge [sflag:s24], $0x4000  }
0x49: {  	[sflag:s24] =	ssyncset.done $0x0  }
0x4a: {  	s1 =	sadd.s32 $0xFFFFF800, s0;
	[sflag:s24] =	ssyncadd.s32 $0xFFFFC000  }
0x4b: {  	[tilespmem:s19], [sflag:$0x1] =	stream.linear.gather [hbm4b:s1+s3], $0x4000, $0x38;
	[tilespmem:$0x1E800] =	vst v63  }
0x4c: {  	_ =	swait.ge [sflag:s25], $0x4000  }
0x4d: {  	[sflag:s25] =	ssyncset.done $0x0  }
0x4e: {  	s26 =	simm.s32 $0x80;
	[sflag:s25] =	ssyncadd.s32 $0xFFFFC000  }
0x4f: {  	[spmem:s2] =	stream.indirect.scatter.add.f32 [tilespmem:s21], [sflag:$0x4], $0x80, s26, s23, $0xb8;
	[tilespmem:$0x1E800] =	vst v63  }
0x50: {  	_ =	swait.ge [sflag:s24], $0x4000  }
0x51: {  	s30 =	simm.s32 $0x400;
	[sflag:s24] =	ssyncset.done $0x0  }
0x52: {  	s31 =	sadd.s32 $0x1000, s0;
	s18 =	smov.u32 s0;
	[sflag:s24] =	ssyncadd.s32 $0xFFFFC000  }
.LBB2_4:
0x53: {  	[tilespmem:s21], [sflag:$0x2] =	stream.linear.gather [hbm4b:s18+s3], $0x4000, $0x38;
	[tilespmem:$0x1E800] =	vst v63  }
0x54: {  	s1 =	smov.u32 s30;
	s18 =	smov.u32 s31  }
0x55: {  	p0 =	sne.s32 s30, $0x9800;
	s30 =	sadd.s32 $0x400, s30;
	_ =	swait.ge [sflag:s22], $0x4000  }
0x56: {  	[sflag:s22] =	ssyncset.done $0x0  }
0x57: {  	s1 =	sshra.s32 s1, $0x2;
	[sflag:s22] =	ssyncadd.s32 $0xFFFFC000  }
0x58: {  	[spmem:s2] =	stream.indirect.scatter.add.f32 [tilespmem:s19], [sflag:$0x4], $0x80, s1, s23, $0xb8;
	[tilespmem:$0x1E800] =	vst v63  }
0x59: {  	_ =	swait.ge [sflag:s24], $0x4000  }
0x5a: {  	[sflag:s24] =	ssyncset.done $0x0  }
0x5b: {  	s26 =	sadd.s32 $0xFFFFF800, s31;
	[sflag:s24] =	ssyncadd.s32 $0xFFFFC000  }
0x5c: {  	[tilespmem:s19], [sflag:$0x1] =	stream.linear.gather [hbm4b:s26+s3], $0x4000, $0x38;
	[tilespmem:$0x1E800] =	vst v63  }
0x5d: {  	_ =	swait.ge [sflag:s25], $0x4000  }
0x5e: {  	[sflag:s25] =	ssyncset.done $0x0  }
.Ltmp1:
0x5f: {  	s1 =	sadd.s32 $0x80, s1;
	[sflag:s25] =	ssyncadd.s32 $0xFFFFC000;
	(pc) =	sbr.rel @p0 .LBB2_4-.Ltmp1, $4  }
0x60: {  	[spmem:s2] =	stream.indirect.scatter.add.f32 [tilespmem:s21], [sflag:$0x4], $0x80, s1, s23, $0xb8;
	[tilespmem:$0x1E800] =	vst v63  }
0x61: {  	_ =	swait.ge [sflag:s24], $0x4000  }
0x62: {  	[sflag:s24] =	ssyncset.done $0x0  }
0x63: {  	s31 =	sadd.s32 $0x1000, s31;
	[sflag:s24] =	ssyncadd.s32 $0xFFFFC000  }
0x64: {  	[tilespmem:s21], [sflag:$0x2] =	stream.linear.gather [hbm4b:s18+s3], $0x4000, $0x38;
	[tilespmem:$0x1E800] =	vst v63  }
0x65: {  	_ =	swait.ge [sflag:s22], $0x4000  }
0x66: {  	[sflag:s22] =	ssyncset.done $0x0  }
0x67: {  	s1 =	simm.s32 $0x2700;
	[sflag:s22] =	ssyncadd.s32 $0xFFFFC000  }
0x68: {  	[spmem:s2] =	stream.indirect.scatter.add.f32 [tilespmem:s19], [sflag:$0x4], $0x80, s1, s23, $0xb8;
	[tilespmem:$0x1E800] =	vst v63  }
0x69: {  	_ =	swait.ge [sflag:s24], $0x4000  }
0x6a: {  	[sflag:s24] =	ssyncset.done $0x0  }
0x6b: {  	[sflag:s24] =	ssyncadd.s32 $0xFFFFC000  }
0x6c: {  	_ =	swait.ge [sflag:s25], $0x4000  }
0x6d: {  	[sflag:s25] =	ssyncset.done $0x0  }
0x6e: {  	[sflag:s25] =	ssyncadd.s32 $0xFFFFC000  }
0x6f: {  	[spmem:s2] =	stream.indirect.scatter.add.f32 [tilespmem:s21], [sflag:$0x4], $0x80, s28, s23, $0xb8;
	[tilespmem:$0x1E800] =	vst v63  }
0x70: {  	_ =	swait.ge [sflag:s24], $0x4000  }
0x71: {  	[sflag:s24] =	ssyncset.done $0x0  }
0x72: {  	[sflag:s24] =	ssyncadd.s32 $0xFFFFC000  }
0x73: {  	[bflag:$0x0] =	sbarrier.arrive $0xFFFF  }
0x74: {  	[tilespmem:s19], [sflag:$0x4] =	stream.linear.gather [spmem:s4], $0x4000, $0x38;
	[tilespmem:$0x1E800] =	vst v63  }
0x75: {  	_ =	swait.ge [sflag:s24], $0x4000  }
0x76: {  	[sflag:s24] =	ssyncset.done $0x0  }
0x77: {  	[sflag:s24] =	ssyncadd.s32 $0xFFFFC000  }
0x78: {  	[hbm4b:s12+s3] =	stream.linear.scatter [tilespmem:s19], [sflag:$0x1], $0x4000, $0x38;
	[tilespmem:$0x1E800] =	vst v63  }
0x79: {  	_ = 	snop  }
0x7a: {  	[tilespmem:s21], [sflag:$0x4] =	stream.linear.gather [spmem:s6], $0x4000, $0x38;
	[tilespmem:$0x1E800] =	vst v63  }
0x7b: {  	_ =	swait.ge [sflag:s24], $0x4000  }
0x7c: {  	[sflag:s24] =	ssyncset.done $0x0  }
0x7d: {  	[sflag:s24] =	ssyncadd.s32 $0xFFFFC000  }
0x7e: {  	[hbm4b:s13+s3] =	stream.linear.scatter [tilespmem:s21], [sflag:$0x2], $0x4000, $0x38;
	[tilespmem:$0x1E800] =	vst v63  }
0x7f: {  	_ =	swait.ge [sflag:s22], $0x4000  }
0x80: {  	[sflag:s22] =	ssyncset.done $0x0  }
0x81: {  	[sflag:s22] =	ssyncadd.s32 $0xFFFFC000  }
0x82: {  	[tilespmem:s19], [sflag:$0x4] =	stream.linear.gather [spmem:s7], $0x4000, $0x38;
	[tilespmem:$0x1E800] =	vst v63  }
0x83: {  	_ =	swait.ge [sflag:s24], $0x4000  }
0x84: {  	[sflag:s24] =	ssyncset.done $0x0  }
0x85: {  	[sflag:s24] =	ssyncadd.s32 $0xFFFFC000  }
0x86: {  	[hbm4b:s14+s3] =	stream.linear.scatter [tilespmem:s19], [sflag:$0x1], $0x4000, $0x38;
	[tilespmem:$0x1E800] =	vst v63  }
0x87: {  	_ =	swait.ge [sflag:s25], $0x4000  }
0x88: {  	[sflag:s25] =	ssyncset.done $0x0  }
0x89: {  	[sflag:s25] =	ssyncadd.s32 $0xFFFFC000  }
0x8a: {  	[tilespmem:s21], [sflag:$0x4] =	stream.linear.gather [spmem:s8], $0x4000, $0x38;
	[tilespmem:$0x1E800] =	vst v63  }
0x8b: {  	_ =	swait.ge [sflag:s24], $0x4000  }
0x8c: {  	[sflag:s24] =	ssyncset.done $0x0  }
0x8d: {  	[sflag:s24] =	ssyncadd.s32 $0xFFFFC000  }
0x8e: {  	[hbm4b:s15+s3] =	stream.linear.scatter [tilespmem:s21], [sflag:$0x2], $0x4000, $0x38;
	[tilespmem:$0x1E800] =	vst v63  }
0x8f: {  	_ =	swait.ge [sflag:s22], $0x4000  }
0x90: {  	[sflag:s22] =	ssyncset.done $0x0  }
0x91: {  	[sflag:s22] =	ssyncadd.s32 $0xFFFFC000  }
0x92: {  	[tilespmem:s19], [sflag:$0x4] =	stream.linear.gather [spmem:s9], $0x4000, $0x38;
	[tilespmem:$0x1E800] =	vst v63  }
0x93: {  	_ =	swait.ge [sflag:s24], $0x4000  }
0x94: {  	[sflag:s24] =	ssyncset.done $0x0  }
0x95: {  	s29 =	sadd.s32 $0x1, s29;
	[sflag:s24] =	ssyncadd.s32 $0xFFFFC000  }
0x96: {  	[hbm4b:s16+s3] =	stream.linear.scatter [tilespmem:s19], [sflag:$0x1], $0x4000, $0x38;
	[tilespmem:$0x1E800] =	vst v63  }
0x97: {  	p0 =	sne.s32 s29, s17;
	_ =	swait.ge [sflag:s25], $0x4000  }
.Ltmp2:
0x98: {  	[sflag:s25] =	ssyncset.done $0x0;
	(pc) =	sbr.rel @p0 .LBB2_1-.Ltmp2, $4  }
0x99: {  	[sflag:s25] =	ssyncadd.s32 $0xFFFFC000  }
0x9a: {  	_ =	swait.ge [sflag:s22], $0x4000  }
0x9b: {  	[sflag:s22] =	ssyncset.done $0x0  }
0x9c: {  	[sflag:s22] =	ssyncadd.s32 $0xFFFFC000  }
0x9d: {  	_ =	sfence.sel $0x180000  }
0x9e: {  	[bflag:$0x0] =	sbarrier.arrive $0xFFFF  }
0x9f: {  	_ =	strace $0x90000050  }
0xa0: {  	s0 =	stileid.u32;
	[bflag:$0x2] =	sbarrier.arrive $0xFFFF  }
0xa1: {  	p0 =	sne.s32 s0, $0x0;
	s0 =	rddreg [dreg:$0x2]  }
0xa2: {  	s0 =	sadd.s32 @!p0 $0x100000, s0  }
0xa3: {  	[sflag:s0] =	ssyncadd.tile.s32 @!p0 $0x1;
	_ =	shalt  }
.Lfunc_end2:
_tile_overlayer_lowered:
.L_overlay_start_2:
0xa4: {  	(tag) =	ssettag $0x2  }
0xa5: {  	s0 =	rddreg [dreg:$0x0];
	s2 =	stileid.u32  }
0xa6: {  	s1 =	rddreg [dreg:$0x1];
	p0 =	sne.s32 s2, $0x0  }
0xa7: {  	s3 =	rddreg [dreg:$0x2];
	[bflag:$0x3] =	sbarrier.arrive $0xFFFF;
	s2 =	simm.s32 @!p0 $0x1C04  }
0xa8: {  	[timem:s3], [sflag:s2] =	dma.local @!p0 [hbm:s0], s1  }
0xa9: {  	s0 =	simm.s32 @!p0 $0x4  }
0xaa: {  	_ =	swait.ge @!p0 [sflag:s0], s1  }
0xab: {  	s1 =	ssub.s32 @!p0 $0x0, s1;
	[sflag:s0] =	ssyncset.done @!p0 $0x0  }
0xac: {  	[sflag:s0] =	ssyncadd.s32 @!p0 s1  }
0xad: {  	[bflag:$0x3] =	sbarrier.arrive $0xFFFF  }
0xae: {  	_ =	shalt  }

// kernel: kernel.8.cloned.1.call-start
scs
__scs_entry_jumppad:
0x0: {  	(pc) =	sbr.rel $0x88, $3  }
0x1: {  	(tag) =	ssettag $0x0;
	lr =	simm.s32 $0x1  }
0x2: {  	[smem:$0x3F9B] =	sst lr;
	_ =	strace $0xD0000000  }
0x3: {  	_ = 	snop  }
0x4: {  	_ = 	snop  }
0x5: {  	_ = 	snop  }
0x6: {  	_ = 	snop  }
0x7: {  	_ = 	snop  }
__scs_overlays_trampoline_lowered:
0x8: {  	[smem:$0x3FAA] =	sst s0  }
0x9: {  	[smem:$0x3FAB] =	sst s1  }
0xa: {  	[smem:$0x3FAC] =	sst s2  }
0xb: {  	[smem:$0x3FAD] =	sst s3  }
0xc: {  	[smem:$0x3FAE] =	sst s4  }
0xd: {  	[smem:$0x3FAF] =	sst s5  }
0xe: {  	[smem:$0x3FB0] =	sst s6  }
0xf: {  	[smem:$0x3FB1] =	sst s7  }
0x10: {  	[smem:$0x3FB2] =	sst s8  }
0x11: {  	[smem:$0x3FB3] =	sst s9;
	s0 =	simm.s32 @!p0 $0x0  }
0x12: {  	s1 =	sld [smem:$0x3F99];
	s0 =	simm.s32 @p0 $0x1  }
0x13: {  	[smem:$0x3FB4] =	sst s0;
	s0 =	simm.s32 @!p1 $0x0  }
0x14: {  	s2 =	sld [smem:$0x3F98];
	s0 =	simm.s32 @p1 $0x1  }
0x15: {  	[smem:$0x3FB5] =	sst s0;
	s0 =	simm.s32 @!p2 $0x0  }
0x16: {  	s3 =	sld [smem:$0x3FDB];
	s0 =	simm.s32 @p2 $0x1  }
0x17: {  	s4 =	simm.s32 $0x1BF5;
	[smem:$0x3FB7] =	sst s0  }
0x18: {  	s0 =	sld [smem:$0x3F9A];
	_ =	swait.ge [sflag:s4], $0x0  }
0x19: {  	s7 =	sld [smem:$0x3F9B]  }
0x1a: {  	s8 =	sadd.s32 $0xFFFFE003, lr  }
0x1b: {  	s9 =	sadd.s32 $0xFFFFFEF7, lr;
	s5 =	simm.s32 $0xFFFFFFFF;
	p2 =	slt.u32 s8, $0xFFFFF086  }
0x1c: {  	p1 =	slt.u32 s9, $0xF7A;
	s5 =	simm.s32 @!p2 $0x0  }
0x1d: {  	s5 =	simm.s32 @p1 $0x1;
	p0 =	seq.s32 s7, s2  }
0x1e: {  	s7 =	smul.u32 @!p0 $0xF7A, s2;
	p2 =	seq.s32 @!p0 s5, $0x0  }
0x1f: {  	s9 =	smul.u32 $0xF7A, s1;
	s8 =	simm.s32 @!p0 $0x1BF5;
	p2 =	por !p2, p0  }
0x20: {  	[sflag:s8] =	ssyncset.s32 @!p0 $0xFFFFF086;
	s6 =	sadd.s32 @!p0 s3, s7;
	s7 =	simm.s32 @!p0 $0x108  }
0x21: {  	s3 =	sadd.s32 s3, s9;
	s6 =	sadd.s32 @!p0 $0x88, s6;
	s7 =	simm.s32 @p2 $0x1082  }
0x22: {  	[simem:s7], [sflag:s8] =	dma.local @!p0 [hbm:s6], $0xF7A  }
0x23: {  	s9 =	sor.u32 $0xD0000000, s2;
	s6 =	simm.s32 $0x108;
	_ =	swait.ge @!p0 [sflag:s8], $0x0  }
0x24: {  	s3 =	sadd.s32 $0x88, s3;
	s6 =	simm.s32 @!p1 $0x1082;
	[sflag:s4] =	ssyncset.s32 $0xFFFFF086  }
0x25: {  	[simem:s6], [sflag:s4] =	dma.local [hbm:s3], $0xF7A  }
0x26: {  	[smem:$0x3F9B] =	sst s1;
	(tag) =	ssettag s2;
	_ =	strace s9  }
0x27: {  	s1 =	sld [smem:$0x3FAB]  }
0x28: {  	s2 =	sld [smem:$0x3FAC]  }
0x29: {  	s4 =	sld [smem:$0x3FAE]  }
0x2a: {  	p0 =	seq.s32 s5, $0x0;
	s5 =	sld [smem:$0x3FAF]  }
0x2b: {  	s6 =	sld [smem:$0x3FB0]  }
0x2c: {  	s7 =	sld [smem:$0x3FB1]  }
0x2d: {  	s3 =	simm.s32 $0x108;
	s8 =	sld [smem:$0x3FB2]  }
0x2e: {  	s3 =	simm.s32 @!p0 $0x1082;
	s9 =	sld [smem:$0x3FB3]  }
0x2f: {  	lr =	sadd.s32 s0, s3;
	s0 =	sld [smem:$0x3FAA]  }
0x30: {  	s3 =	sld [smem:$0x3FAD]  }
0x31: {  	[smem:$0x3FB6] =	sst s10  }
0x32: {  	s10 =	sld [smem:$0x3FB4];
	_ =	sdelay $0x3  }
0x33: {  	p0 =	seq.s32 s10, $0x1;
	s10 =	sld [smem:$0x3FB6];
	_ =	sdelay $0x3  }
0x34: {  	[smem:$0x3FB6] =	sst s10  }
0x35: {  	s10 =	sld [smem:$0x3FB5];
	_ =	sdelay $0x3  }
0x36: {  	p1 =	seq.s32 s10, $0x1;
	s10 =	sld [smem:$0x3FB6];
	_ =	sdelay $0x3  }
0x37: {  	[smem:$0x3FB6] =	sst s10  }
0x38: {  	s10 =	sld [smem:$0x3FB7]  }
0x39: {  	_ = 	snop;
	(pc) =	sbr.ind lr, $3  }
0x3a: {  	_ = 	snop  }
0x3b: {  	_ = 	snop  }
0x3c: {  	p2 =	seq.s32 s10, $0x1;
	s10 =	sld [smem:$0x3FB6]  }
0x3d: {  	_ =	shalt  }
0x3e: {  	_ =	shalt  }
0x3f: {  	_ =	shalt  }
0x40: {  	_ =	shalt  }
0x41: {  	_ =	shalt  }
0x42: {  	_ =	shalt  }
0x43: {  	_ =	shalt  }
0x44: {  	_ =	shalt  }
0x45: {  	_ =	shalt  }
0x46: {  	_ =	shalt  }
0x47: {  	_ =	shalt  }
0x48: {  	_ =	shalt  }
0x49: {  	_ =	shalt  }
0x4a: {  	_ =	shalt  }
0x4b: {  	_ =	shalt  }
0x4c: {  	_ =	shalt  }
0x4d: {  	_ =	shalt  }
0x4e: {  	_ =	shalt  }
0x4f: {  	_ =	shalt  }
0x50: {  	_ =	shalt  }
0x51: {  	_ =	shalt  }
0x52: {  	_ =	shalt  }
0x53: {  	_ =	shalt  }
0x54: {  	_ =	shalt  }
0x55: {  	_ =	shalt  }
0x56: {  	_ =	shalt  }
0x57: {  	_ =	shalt  }
0x58: {  	_ =	shalt  }
0x59: {  	_ =	shalt  }
0x5a: {  	_ =	shalt  }
0x5b: {  	_ =	shalt  }
0x5c: {  	_ =	shalt  }
0x5d: {  	_ =	shalt  }
0x5e: {  	_ =	shalt  }
0x5f: {  	_ =	shalt  }
0x60: {  	_ =	shalt  }
0x61: {  	_ =	shalt  }
0x62: {  	_ =	shalt  }
0x63: {  	_ =	shalt  }
0x64: {  	_ =	shalt  }
0x65: {  	_ =	shalt  }
0x66: {  	_ =	shalt  }
0x67: {  	_ =	shalt  }
0x68: {  	_ =	shalt  }
0x69: {  	_ =	shalt  }
0x6a: {  	_ =	shalt  }
0x6b: {  	_ =	shalt  }
0x6c: {  	_ =	shalt  }
0x6d: {  	_ =	shalt  }
0x6e: {  	_ =	shalt  }
0x6f: {  	_ =	shalt  }
0x70: {  	_ =	shalt  }
0x71: {  	_ =	shalt  }
0x72: {  	_ =	shalt  }
0x73: {  	_ =	shalt  }
0x74: {  	_ =	shalt  }
0x75: {  	_ =	shalt  }
0x76: {  	_ =	shalt  }
0x77: {  	_ =	shalt  }
0x78: {  	_ =	shalt  }
0x79: {  	_ =	shalt  }
0x7a: {  	_ =	shalt  }
0x7b: {  	_ =	shalt  }
0x7c: {  	_ =	shalt  }
0x7d: {  	_ =	shalt  }
0x7e: {  	_ =	shalt  }
0x7f: {  	_ =	shalt  }
0x80: {  	_ =	shalt  }
0x81: {  	_ =	shalt  }
0x82: {  	_ =	shalt  }
0x83: {  	_ =	shalt  }
0x84: {  	_ =	shalt  }
0x85: {  	_ =	shalt  }
0x86: {  	_ =	shalt  }
0x87: {  	_ =	shalt  }
.Lfunc_end0:
.L_simem_size_0:
called_computation_lowered:
.L_overlay_start_0:
0x88: {  	s2 =	sld [smem:$0x3FD9]  }
0x89: {  	s3 =	sld [smem:$0x3FFE];
	_ =	sdelay $0x1  }
0x8a: {  	s1 =	srdreg.scid  }
0x8b: {  	s0 =	sand.u32 $0x1, s1  }
0x8c: {  	s17 =	sshll.u32 s0, $0xA;
	s2 =	sadd.s32 s3, s2  }
0x8d: {  	s2 =	sadd.s32 s2, s17  }
0x8e: {  	[smem:$0x3FC2] =	sst s2  }
0x8f: {  	_ = 	snop  }
0x90: {  	s2 =	sld [smem:$0x3FC9];
	(tm) =	ssettm $0x1  }
0x91: {  	s18 =	sld [smem:$0x3FFB];
	_ =	sdelay $0x3  }
0x92: {  	_ =	strace s18  }
0x93: {  	s3 =	sld [smem:$0x3FFC];
	_ =	sdelay $0x3  }
0x94: {  	_ =	strace s3  }
0x95: {  	s3 =	sld [smem:$0x3FFD];
	_ =	sdelay $0x3  }
0x96: {  	_ =	strace s3  }
0x97: {  	_ =	strace $0x8FFFFFFF  }
0x98: {  	s19 =	sld [smem:$0x3FDB];
	_ =	sdelay $0x1  }
0x99: {  	s4 =	simm.s32 $_scs_section_size  }
0x9a: {  	s5 =	simm.s32 $_size__tile_overlayer_lowered;
	s6 =	simm.s32 $_tile_overlayer_lowered  }
0x9b: {  	s22 =	simm.s32 $0x1BFF;
	s21 =	sshll.u32 s6, $0x1;
	s3 =	sadd.s32 s4, s19  }
0x9c: {  	s7 =	simm.s32 $0x0;
	s20 =	sshll.u32 s5, $0x1;
	s5 =	sadd.s32 s21, s3  }
0x9d: {  	[timem:s7], [sflag:s22] =	dma.local [hbm:s5], s20  }
0x9e: {  	_ =	swait.ge [sflag:s22], s20  }
0x9f: {  	s4 =	ssub.s32 $0x0, s20;
	[sflag:s22] =	ssyncset.done $0x0  }
0xa0: {  	[sflag:s22] =	ssyncadd.s32 s4;
	_ =	sdelay $0x1  }
0xa1: {  	s23 =	simm.s32 $0x1B8B  }
0xa2: {  	_ =	swait.ge [sflag:s23], $0x1  }
0xa3: {  	[sflag:s23] =	ssyncset.done $0x0  }
0xa4: {  	s25 =	simm.s32 $0x1B8E;
	s24 =	sld [smem:$0x3FFE];
	[sflag:s23] =	ssyncadd.s32 $0xFFFFFFFF  }
0xa5: {  	s26 =	simm.s32 $execute0_lowered;
	[smem:$0x3FD2] =	sst s25  }
0xa6: {  	s5 =	sshll.u32 s26, $0x1;
	_ =	strace $0x80000046;
	[dreg:$0x1] =	wrdreg $0xFFFFFFFF  }
0xa7: {  	s28 =	simm.s32 $_size_execute0_lowered;
	s3 =	sadd.s32 s3, s5;
	[dreg:$0x0] =	wrdreg $0x0  }
0xa8: {  	s5 =	sshll.u32 s28, $0x1;
	[dreg:$0x2] =	wrdreg s3  }
0xa9: {  	[dreg:$0x3] =	wrdreg s5  }
0xaa: {  	[dreg:$0x4] =	wrdreg $0xC0  }
0xab: {  	_ =	task [dreg:s7], $0x5FFFF  }
0xac: {  	[dreg:$0x1] =	wrdreg $0xFFFFFFFF  }
0xad: {  	[dreg:$0x0] =	wrdreg $0x60  }
0xae: {  	[dreg:$0x2] =	wrdreg s2  }
0xaf: {  	[dreg:$0x3] =	wrdreg s24  }
0xb0: {  	[dreg:$0x4] =	wrdreg $0xA8000  }
0xb1: {  	[dreg:$0x5] =	wrdreg $0x9  }
0xb2: {  	_ =	task.clear_ibuf [dreg:s7], $0x6FFFF;
	_ =	strace $0x90000046  }
0xb3: {  	s29 =	simm.s32 $0x9;
	_ =	strace $0x80000048  }
0xb4: {  	_ =	swait.ge [sflag:s29], $0x1  }
0xb5: {  	[sflag:s29] =	ssyncadd.s32 $0xFFFFFFFF  }
0xb6: {  	_ =	strace $0x90000048  }
0xb7: {  	_ =	sfence  }
0xb8: {  	s30 =	sld [smem:$0x0];
	_ =	sdelay $0x2  }
0xb9: {  	s31 =	sshll.u32 s1, $0xD;
	s1 =	sshrl.u32 s1, $0x2  }
0xba: {  	s3 =	sand.u32 $0x4000, s31;
	s1 =	sadd.s32 s1, s30  }
0xbb: {  	s0 =	sor.u32 s3, s0;
	s1 =	sshll.u32 s1, $0x11  }
0xbc: {  	s0 =	sor.u32 s1, s0  }
0xbd: {  	s0 =	sadd.s32 $0x8F2B, s0  }
0xbe: {  	[sflag:s0] =	ssyncadd.remote.s32 $0x1  }
0xbf: {  	_ =	sfence.sel $0xFFFF  }
0xc0: {  	[dreg:$0x0] =	wrdreg $0xFFFFFFFF;
	(pc) =	sbr.abs _section_cstart, $3  }
0xc1: {  	[dreg:$0x1] =	wrdreg $0xFFFFFFFF  }
0xc2: {  	_ =	task.clear_ibuf [dreg:s7], $0x2FFFF;
	_ =	strace $0x9FFFFFFF  }
0xc3: {  	(tm) =	ssettm $0x7FFFFFFF  }
tec
execute0_lowered:
.L_overlay_start_1:
0x0: {  	(tag) =	ssettag $0x1  }
0x1: {  	s0 =	rddreg [dreg:$0x0]  }
0x2: {  	s1 =	srdreg.scid;
	s4 =	rddreg [dreg:$0x1]  }
0x3: {  	s21 =	stileid.u32;
	s2 =	rddreg [dreg:$0x2]  }
0x4: {  	s28 =	simm.s32 $0x3;
	s29 =	simm.s32 $0x4;
	s30 =	simm.s32 $0x0  }
0x5: {  	s1 =	sand.u32 $0x1, s1;
	s3 =	sshll.u32 s21, $0x1;
	s6 =	smul.u32 $0x280, s21  }
0x6: {  	s18 =	sadd.s32 $0xBC00, s4;
	s26 =	smul.u32 $0x50000, s21;
	s12 =	sor.u32 s1, s3  }
0x7: {  	s3 =	simm.s32 $0x0;
	s7 =	ssub.s32 $0x2, s1;
	s5 =	smul.u32 $0x500, s12  }
0x8: {  	[smem:$0x7FF] =	sst s3;
	s15 =	sshrl.u32 s7, $0x1;
	s13 =	smin.u32 s6, $0x2490  }
0x9: {  	_ =	strace $0x80000047;
	s15 =	ssub.s32 s7, s15;
	s17 =	sshll.u32 s13, $0x4  }
0xa: {  	s6 =	sshll.u32 s13, $0x7;
	s20 =	sadd.s32 $0x80, s13;
	s22 =	sadd.s32 $0x100, s13  }
0xb: {  	s14 =	sadd.s32 $0x180, s13;
	s13 =	sadd.s32 $0x200, s13;
	s5 =	sadd.s32 s5, s4  }
0xc: {  	s19 =	sadd.s32 s0, s17;
	s6 =	sadd.s32 s6, s2;
	s8 =	sshll.u32 s20, $0x4  }
0xd: {  	s9 =	sshll.u32 s20, $0x7;
	s10 =	sshll.u32 s22, $0x4;
	s11 =	sshll.u32 s22, $0x7  }
0xe: {  	s23 =	sshll.u32 s14, $0x4;
	s14 =	sshll.u32 s14, $0x7;
	s17 =	smul.u32 $0xA0, s21  }
0xf: {  	s24 =	sshll.u32 s13, $0x4;
	s20 =	smul.u32 $0x50, s1;
	s15 =	smax.u32 s15, $0x1  }
0x10: {  	s1 =	smul.u32 $0x28000, s1;
	s21 =	simm.s32 $0x6;
	s22 =	simm.s32 $0x6800  }
0x11: {  	s16 =	sadd.s32 $0x1C00, s5;
	[dreg:$0x5] =	wrdreg s19;
	s7 =	sadd.s32 s0, s8  }
0x12: {  	s8 =	sadd.s32 s9, s2;
	s9 =	sadd.s32 s0, s10;
	s10 =	sadd.s32 s11, s2  }
0x13: {  	s11 =	sadd.s32 s0, s23;
	s19 =	sshll.u32 s13, $0x7;
	s13 =	sadd.s32 s0, s24  }
0x14: {  	s23 =	simm.s32 $0x1;
	s24 =	simm.s32 $0x2;
	[dreg:$0x4] =	wrdreg s16  }
0x15: {  	s16 =	smul.u32 $0x28000, s12;
	s12 =	sadd.s32 s14, s2;
	s14 =	sadd.s32 s19, s2  }
0x16: {  	s17 =	sadd.s32 s20, s17;
	s19 =	sadd.s32 s26, s18;
	s26 =	simm.s32 $0x80  }
0x17: {  	s20 =	sshll.u32 s17, $0xB;
	s19 =	sadd.s32 s1, s19;
	s25 =	sadd.s32 s18, s16  }
0x18: {  	s31 =	sadd.s32 s20, s18;
	s20 =	simm.s32 $0x2800;
	s16 =	sadd.s32 $0x27000, s25  }
0x19: {  	s17 =	sadd.s32 $0x27800, s25;
	s18 =	sadd.s32 $0x800, s31;
	s25 =	simm.s32 $0x5  }
.LBB2_1:
0x1a: {  	s0 =	rddreg [dreg:$0x4]  }
0x1b: {  	[tilespmem:s3], [sflag:$0x5] =	stream.linear.gather [hbm4b:s0+s3], $0x2800, $0x38;
	[tilespmem:$0x1E800] =	vst v63  }
0x1c: {  	s5 =	rddreg [dreg:$0x5]  }
0x1d: {  	[tilespmem:s20], [sflag:$0x6] =	stream.linear.gather [hbm4b:s5+s3], $0x4000, $0x38;
	[tilespmem:$0x1E800] =	vst v63  }
0x1e: {  	_ =	swait.ge [sflag:s21], $0x4000  }
0x1f: {  	[sflag:s21] =	ssyncset.done $0x0  }
0x20: {  	[sflag:s21] =	ssyncadd.s32 $0xFFFFC000  }
0x21: {  	[spmem:s6] =	stream.linear.scatter [tilespmem:s20], [sflag:$0x1], $0x4000, $0x38;
	[tilespmem:$0x1E800] =	vst v63  }
0x22: {  	_ = 	snop  }
0x23: {  	[tilespmem:s22], [sflag:$0x6] =	stream.linear.gather [hbm4b:s7+s3], $0x4000, $0x38;
	[tilespmem:$0x1E800] =	vst v63  }
0x24: {  	_ =	swait.ge [sflag:s21], $0x4000  }
0x25: {  	[sflag:s21] =	ssyncset.done $0x0  }
0x26: {  	[sflag:s21] =	ssyncadd.s32 $0xFFFFC000  }
0x27: {  	[spmem:s8] =	stream.linear.scatter [tilespmem:s22], [sflag:$0x2], $0x4000, $0x38;
	[tilespmem:$0x1E800] =	vst v63  }
0x28: {  	_ =	swait.ge [sflag:s23], $0x4000  }
0x29: {  	[sflag:s23] =	ssyncset.done $0x0  }
0x2a: {  	[sflag:s23] =	ssyncadd.s32 $0xFFFFC000  }
0x2b: {  	[tilespmem:s20], [sflag:$0x6] =	stream.linear.gather [hbm4b:s9+s3], $0x4000, $0x38;
	[tilespmem:$0x1E800] =	vst v63  }
0x2c: {  	_ =	swait.ge [sflag:s21], $0x4000  }
0x2d: {  	[sflag:s21] =	ssyncset.done $0x0  }
0x2e: {  	[sflag:s21] =	ssyncadd.s32 $0xFFFFC000  }
0x2f: {  	[spmem:s10] =	stream.linear.scatter [tilespmem:s20], [sflag:$0x1], $0x4000, $0x38;
	[tilespmem:$0x1E800] =	vst v63  }
0x30: {  	_ =	swait.ge [sflag:s24], $0x4000  }
0x31: {  	[sflag:s24] =	ssyncset.done $0x0  }
0x32: {  	[sflag:s24] =	ssyncadd.s32 $0xFFFFC000  }
0x33: {  	[tilespmem:s22], [sflag:$0x6] =	stream.linear.gather [hbm4b:s11+s3], $0x4000, $0x38;
	[tilespmem:$0x1E800] =	vst v63  }
0x34: {  	_ =	swait.ge [sflag:s21], $0x4000  }
0x35: {  	[sflag:s21] =	ssyncset.done $0x0  }
0x36: {  	[sflag:s21] =	ssyncadd.s32 $0xFFFFC000  }
0x37: {  	[spmem:s12] =	stream.linear.scatter [tilespmem:s22], [sflag:$0x2], $0x4000, $0x38;
	[tilespmem:$0x1E800] =	vst v63  }
0x38: {  	_ =	swait.ge [sflag:s23], $0x4000  }
0x39: {  	[sflag:s23] =	ssyncset.done $0x0  }
0x3a: {  	[sflag:s23] =	ssyncadd.s32 $0xFFFFC000  }
0x3b: {  	[tilespmem:s20], [sflag:$0x6] =	stream.linear.gather [hbm4b:s13+s3], $0x4000, $0x38;
	[tilespmem:$0x1E800] =	vst v63  }
0x3c: {  	_ =	swait.ge [sflag:s21], $0x4000  }
0x3d: {  	[sflag:s21] =	ssyncset.done $0x0  }
0x3e: {  	[sflag:s21] =	ssyncadd.s32 $0xFFFFC000  }
0x3f: {  	[spmem:s14] =	stream.linear.scatter [tilespmem:s20], [sflag:$0x1], $0x4000, $0x38;
	[tilespmem:$0x1E800] =	vst v63  }
0x40: {  	_ =	swait.ge [sflag:s24], $0x4000  }
0x41: {  	[sflag:s24] =	ssyncset.done $0x0  }
0x42: {  	[sflag:s24] =	ssyncadd.s32 $0xFFFFC000  }
0x43: {  	_ =	swait.ge [sflag:s23], $0x4000  }
0x44: {  	[sflag:s23] =	ssyncset.done $0x0  }
0x45: {  	[sflag:s23] =	ssyncadd.s32 $0xFFFFC000  }
0x46: {  	_ =	swait.ge [sflag:s25], $0x2800  }
0x47: {  	[sflag:s25] =	ssyncset.done $0x0  }
0x48: {  	[sflag:s25] =	ssyncadd.s32 $0xFFFFD800  }
0x49: {  	[bflag:$0x0] =	sbarrier.arrive $0xFFFF  }
0x4a: {  	[tilespmem:s20], [sflag:$0x1] =	stream.indirect.gather [spmem:s2], $0x80, s3, s26, $0xb8;
	[tilespmem:$0x1E800] =	vst v63  }
0x4b: {  	_ = 	snop  }
0x4c: {  	[tilespmem:s22], [sflag:$0x2] =	stream.indirect.gather [spmem:s2], $0x80, s26, s26, $0xb8;
	[tilespmem:$0x1E800] =	vst v63  }
0x4d: {  	_ =	swait.ge [sflag:s23], $0x4000  }
0x4e: {  	[sflag:s23] =	ssyncset.done $0x0  }
0x4f: {  	s1 =	sadd.s32 $0x0, s19;
	[sflag:s23] =	ssyncadd.s32 $0xFFFFC000  }
0x50: {  	[hbm4b:s1+s3] =	stream.linear.scatter [tilespmem:s20], [sflag:$0x3], $0x4000, $0x38;
	[tilespmem:$0x1E800] =	vst v63  }
0x51: {  	_ =	swait.ge [sflag:s28], $0x4000  }
0x52: {  	[sflag:s28] =	ssyncset.done $0x0  }
0x53: {  	s4 =	simm.s32 $0x100;
	[sflag:s28] =	ssyncadd.s32 $0xFFFFC000  }
0x54: {  	[tilespmem:s20], [sflag:$0x1] =	stream.indirect.gather [spmem:s2], $0x80, s4, s26, $0xb8;
	[tilespmem:$0x1E800] =	vst v63  }
0x55: {  	_ =	swait.ge [sflag:s24], $0x4000  }
0x56: {  	[sflag:s24] =	ssyncset.done $0x0  }
0x57: {  	s5 =	sadd.s32 $0x0, s18;
	[sflag:s24] =	ssyncadd.s32 $0xFFFFC000  }
0x58: {  	[hbm4b:s5+s3] =	stream.linear.scatter [tilespmem:s22], [sflag:$0x4], $0x4000, $0x38;
	[tilespmem:$0x1E800] =	vst v63  }
0x59: {  	_ =	swait.ge [sflag:s29], $0x4000  }
0x5a: {  	s31 =	simm.s32 $0x180;
	[sflag:s29] =	ssyncset.done $0x0  }
0x5b: {  	s0 =	simm.s32 $0x280;
	s1 =	simm.s32 $0x1000;
	[sflag:s29] =	ssyncadd.s32 $0xFFFFC000  }
.LBB2_2:
0x5c: {  	[tilespmem:s22], [sflag:$0x2] =	stream.indirect.gather [spmem:s2], $0x80, s31, s26, $0xb8;
	[tilespmem:$0x1E800] =	vst v63  }
0x5d: {  	s4 =	smov.u32 s1;
	s31 =	smov.u32 s0  }
0x5e: {  	p0 =	sne.s32 s1, $0x26000;
	s1 =	sadd.s32 $0x1000, s1;
	_ =	swait.ge [sflag:s23], $0x4000  }
0x5f: {  	[sflag:s23] =	ssyncset.done $0x0  }
0x60: {  	s5 =	sadd.s32 s4, s19;
	[sflag:s23] =	ssyncadd.s32 $0xFFFFC000  }
0x61: {  	[hbm4b:s5+s3] =	stream.linear.scatter [tilespmem:s20], [sflag:$0x3], $0x4000, $0x38;
	[tilespmem:$0x1E800] =	vst v63  }
0x62: {  	_ =	swait.ge [sflag:s28], $0x4000  }
0x63: {  	[sflag:s28] =	ssyncset.done $0x0  }
0x64: {  	s5 =	sadd.s32 $0xFFFFFF80, s0;
	[sflag:s28] =	ssyncadd.s32 $0xFFFFC000  }
0x65: {  	[tilespmem:s20], [sflag:$0x1] =	stream.indirect.gather [spmem:s2], $0x80, s5, s26, $0xb8;
	[tilespmem:$0x1E800] =	vst v63  }
0x66: {  	_ =	swait.ge [sflag:s24], $0x4000  }
0x67: {  	[sflag:s24] =	ssyncset.done $0x0  }
.Ltmp0:
0x68: {  	s4 =	sadd.s32 s4, s18;
	[sflag:s24] =	ssyncadd.s32 $0xFFFFC000;
	(pc) =	sbr.rel @p0 .LBB2_2-.Ltmp0, $4  }
0x69: {  	[hbm4b:s4+s3] =	stream.linear.scatter [tilespmem:s22], [sflag:$0x4], $0x4000, $0x38;
	[tilespmem:$0x1E800] =	vst v63  }
0x6a: {  	_ =	swait.ge [sflag:s29], $0x4000  }
0x6b: {  	[sflag:s29] =	ssyncset.done $0x0  }
0x6c: {  	s0 =	sadd.s32 $0x100, s0;
	[sflag:s29] =	ssyncadd.s32 $0xFFFFC000  }
0x6d: {  	[tilespmem:s22], [sflag:$0x2] =	stream.indirect.gather [spmem:s2], $0x80, s31, s26, $0xb8;
	[tilespmem:$0x1E800] =	vst v63  }
0x6e: {  	_ =	swait.ge [sflag:s23], $0x4000  }
0x6f: {  	[sflag:s23] =	ssyncset.done $0x0  }
0x70: {  	[sflag:s23] =	ssyncadd.s32 $0xFFFFC000  }
0x71: {  	[hbm4b:s16+s3] =	stream.linear.scatter [tilespmem:s20], [sflag:$0x3], $0x4000, $0x38;
	[tilespmem:$0x1E800] =	vst v63  }
0x72: {  	_ =	swait.ge [sflag:s24], $0x4000  }
0x73: {  	[sflag:s24] =	ssyncset.done $0x0  }
0x74: {  	s30 =	sadd.s32 $0x1, s30;
	[sflag:s24] =	ssyncadd.s32 $0xFFFFC000  }
0x75: {  	[hbm4b:s17+s3] =	stream.linear.scatter [tilespmem:s22], [sflag:$0x4], $0x4000, $0x38;
	[tilespmem:$0x1E800] =	vst v63  }
0x76: {  	p0 =	sne.s32 s30, s15;
	_ =	swait.ge [sflag:s28], $0x4000  }
.Ltmp1:
0x77: {  	[sflag:s28] =	ssyncset.done $0x0;
	(pc) =	sbr.rel @p0 .LBB2_1-.Ltmp1, $4  }
0x78: {  	[sflag:s28] =	ssyncadd.s32 $0xFFFFC000  }
0x79: {  	_ =	swait.ge [sflag:s29], $0x4000  }
0x7a: {  	[sflag:s29] =	ssyncset.done $0x0  }
0x7b: {  	[sflag:s29] =	ssyncadd.s32 $0xFFFFC000  }
0x7c: {  	_ =	sfence.sel $0x180000  }
0x7d: {  	[bflag:$0x0] =	sbarrier.arrive $0xFFFF  }
0x7e: {  	_ =	strace $0x90000047  }
0x7f: {  	s0 =	stileid.u32;
	[bflag:$0x2] =	sbarrier.arrive $0xFFFF  }
0x80: {  	p0 =	sne.s32 s0, $0x0;
	s0 =	rddreg [dreg:$0x3]  }
0x81: {  	s0 =	sadd.s32 @!p0 $0x100000, s0  }
0x82: {  	[sflag:s0] =	ssyncadd.tile.s32 @!p0 $0x1;
	_ =	shalt  }
.Lfunc_end2:
_tile_overlayer_lowered:
.L_overlay_start_2:
0x83: {  	(tag) =	ssettag $0x2  }
0x84: {  	s0 =	rddreg [dreg:$0x0];
	s2 =	stileid.u32  }
0x85: {  	s1 =	rddreg [dreg:$0x1];
	p0 =	sne.s32 s2, $0x0  }
0x86: {  	s3 =	rddreg [dreg:$0x2];
	[bflag:$0x3] =	sbarrier.arrive $0xFFFF;
	s2 =	simm.s32 @!p0 $0x1C06  }
0x87: {  	[timem:s3], [sflag:s2] =	dma.local @!p0 [hbm:s0], s1  }
0x88: {  	s0 =	simm.s32 @!p0 $0x6  }
0x89: {  	_ =	swait.ge @!p0 [sflag:s0], s1  }
0x8a: {  	s1 =	ssub.s32 @!p0 $0x0, s1;
	[sflag:s0] =	ssyncset.done @!p0 $0x0  }
0x8b: {  	[sflag:s0] =	ssyncadd.s32 @!p0 s1  }
0x8c: {  	[bflag:$0x3] =	sbarrier.arrive $0xFFFF  }
0x8d: {  	_ =	shalt  }

</sc_bundles>
